<compile_context>
chip_gen: v7x
topology: tpu7x:2x2x1
jax: 0.10.2.dev20260603
libtpu: 0.0.44.dev20260713+nightly
codegen_flags: <defaults>
</compile_context>

<pallas_src>
import functools

import jax
import jax.numpy as jnp
from jax import lax
from jax.experimental import pallas as pl
from jax.experimental.pallas import tpu as pltpu
from jax.experimental.pallas import tpu_sc as plsc

_NEGS = 5
_SCALING = 0.1
_WIN = 128
_TBK = 8192

_PAR = pltpu.CompilerParams(dimension_semantics=("parallel",))


def _tc_transpose_fused(at, bt):
    D, V = at.shape
    grid = (V + _TBK - 1) // _TBK

    def body(a_r, b_r, o_r):
        x = jnp.concatenate([a_r[...], b_r[...]], axis=0)
        o_r[...] = jnp.transpose(x, (1, 0))

    return pl.pallas_call(
        body,
        grid=(grid,),
        in_specs=[pl.BlockSpec((D, _TBK), lambda i: (0, i)),
                  pl.BlockSpec((D, _TBK), lambda i: (0, i))],
        out_specs=pl.BlockSpec((_TBK, 2 * D), lambda i: (i, 0)),
        out_shape=jax.ShapeDtypeStruct((grid * _TBK, 2 * D), jnp.float32),
        compiler_params=_PAR,
    )(at, bt)


def _sc_gather_out(mu_idx, rho_idx, nz_idx, tab):
    n = mu_idx.shape[1]
    n_nz = nz_idx.shape[1]
    D = tab.shape[1]
    f32 = jnp.float32
    mesh = plsc.VectorSubcoreMesh(core_axis_name="c", subcore_axis_name="s")
    out_type = [jax.ShapeDtypeStruct((n, D), f32),
                jax.ShapeDtypeStruct((n, D), f32),
                jax.ShapeDtypeStruct((n_nz, D), f32)]
    ispec = pl.BlockSpec((1, _WIN), lambda i: (0, i))
    ospec = pl.BlockSpec((_WIN, D), lambda i: (i, 0))

    @functools.partial(
        pl.kernel, out_type=out_type, mesh=mesh,
        compiler_params=pltpu.CompilerParams(use_tc_tiling_on_sc=False))
    def gk(mu_idx_h, rho_idx_h, nz_idx_h, t_h, mu_h, rho_h, nz_h):
        def body(i_v, o_v):
            pltpu.sync_copy(t_h.at[i_v.at[0]], o_v)

        pltpu.emit_pipeline(
            body, grid=(n // _WIN,),
            in_specs=[ispec], out_specs=[ospec],
            core_axis_name=("c", "s"), dimension_semantics=(pltpu.PARALLEL,),
        )(mu_idx_h, mu_h)
        pltpu.emit_pipeline(
            body, grid=(n // _WIN,),
            in_specs=[ispec], out_specs=[ospec],
            core_axis_name=("c", "s"), dimension_semantics=(pltpu.PARALLEL,),
        )(rho_idx_h, rho_h)
        pltpu.emit_pipeline(
            body, grid=(n_nz // _WIN,),
            in_specs=[ispec], out_specs=[ospec],
            core_axis_name=("c", "s"), dimension_semantics=(pltpu.PARALLEL,),
        )(nz_idx_h, nz_h)

    return gk(mu_idx, rho_idx, nz_idx, tab)


def _sc_gather_in(mu_idx, rho_idx, tab):
    n = mu_idx.shape[1]
    D = tab.shape[1]
    f32 = jnp.float32
    mesh = plsc.VectorSubcoreMesh(core_axis_name="c", subcore_axis_name="s")
    out_type = [jax.ShapeDtypeStruct((n, D), f32),
                jax.ShapeDtypeStruct((n, D), f32)]
    ispec = pl.BlockSpec((1, _WIN), lambda i: (0, i))
    ospec = pl.BlockSpec((_WIN, D), lambda i: (i, 0))

    @functools.partial(
        pl.kernel, out_type=out_type, mesh=mesh,
        compiler_params=pltpu.CompilerParams(use_tc_tiling_on_sc=False))
    def gk(mu_idx_h, rho_idx_h, t_h, mu_h, rho_h):
        def body(i_v, o_v):
            pltpu.sync_copy(t_h.at[i_v.at[0]], o_v)

        pltpu.emit_pipeline(
            body, grid=(n // _WIN,),
            in_specs=[ispec], out_specs=[ospec],
            core_axis_name=("c", "s"), dimension_semantics=(pltpu.PARALLEL,),
        )(mu_idx_h, mu_h)
        pltpu.emit_pipeline(
            body, grid=(n // _WIN,),
            in_specs=[ispec], out_specs=[ospec],
            core_axis_name=("c", "s"), dimension_semantics=(pltpu.PARALLEL,),
        )(rho_idx_h, rho_h)

    return gk(mu_idx, rho_idx, tab)


def _tc_math(mu_in, rho_in, eps_in, covf, covw, wT, bvec,
             mu_p, rho_p, eps_p, noise_p, B, W, D, boff, nblocks):
    GB = 128
    GP = GB * W // 2
    f32 = jnp.float32
    hi = lax.Precision.HIGHEST
    halfw = W // 2

    def body(mu_in_r, rho_in_r, eps_in_r, cov_r, covw_r, wT_r, b_r,
             eps_p_r, mu_p_r, rho_p_r, noise_r, kl_r, lik_r):
        mu_in = mu_in_r[...]
        rho_in = rho_in_r[...]
        eps_in = eps_in_r[...]
        cov = cov_r[...]
        covw = covw_r[...]
        wT = wT_r[...]
        bb = b_r[...]

        y = covw[0:1, :] + cov * (covw[1:2, :] - covw[0:1, :])
        sig_in = jnp.log(jnp.exp(rho_in) + 1.0)
        h = (jnp.dot(mu_in, wT[0:D, :], precision=hi, preferred_element_type=f32)
             + jnp.dot(y, wT[D:2 * D, :], precision=hi, preferred_element_type=f32)
             + bb)
        w_in = jnp.tanh(h) + _SCALING * sig_in * eps_in
        post_in = -0.5 * jnp.sum(eps_in * eps_in) - jnp.sum(jnp.log(sig_in))
        wsq = w_in * w_in
        prior_in = jnp.sum(jnp.log(0.5 * jnp.exp(-wsq / 2.0)
                                   + 0.5 * jnp.exp(-wsq / 0.08)))
        kl = W * (post_in - prior_in)

        mo = mu_p_r[...]
        ro = rho_p_r[...]
        ep = eps_p_r[...]
        sig_o = jnp.log(jnp.exp(ro) + 1.0)
        w_o = mo + _SCALING * sig_o * ep
        post_out = -0.5 * jnp.sum(ep * ep) - jnp.sum(jnp.log(sig_o))
        wsq_o = w_o * w_o
        prior_out = jnp.sum(jnp.log(0.5 * jnp.exp(-wsq_o / 2.0)
                                    + 0.5 * jnp.exp(-wsq_o / 0.08)))
        kl += post_out - prior_out

        rowi = lax.broadcasted_iota(jnp.int32, (GP, GB), 0) // halfw
        colj = lax.broadcasted_iota(jnp.int32, (GP, GB), 1)
        sel = (rowi == colj).astype(f32)
        wsel = jnp.dot(sel, w_in, precision=hi, preferred_element_type=f32)
        wp = jnp.concatenate([wsel, wsel], axis=1)
        prodt = wp * w_o
        cols = [jnp.sum(prodt[:, 0:D], axis=1, keepdims=True),
                jnp.sum(prodt[:, D:2 * D], axis=1, keepdims=True)]

        nz = noise_r[...]
        half = _NEGS * D
        for j in range(_NEGS):
            pair = jnp.concatenate([nz[:, j * D:(j + 1) * D],
                                    nz[:, half + j * D:half + (j + 1) * D]],
                                   axis=1)
            prodn = wp * pair
            cols.append(-jnp.sum(prodn[:, 0:D], axis=1, keepdims=True))
            cols.append(-jnp.sum(prodn[:, D:2 * D], axis=1, keepdims=True))

        smat = jnp.concatenate(cols, axis=1)
        lg = jnp.log(jax.nn.sigmoid(smat))
        lik = (jnp.sum(lg[:, 0:2])
               + jnp.sum(lg[:, 2:2 + 2 * _NEGS]) / _NEGS)

        kl_r[...] = kl.reshape(1, 1, 1)
        lik_r[...] = lik.reshape(1, 1, 1)

    part_spec = pl.BlockSpec((1, 1, 1), lambda i: (i, 0, 0))
    kl_parts, lik_parts = pl.pallas_call(
        body,
        grid=(nblocks,),
        in_specs=[
            pl.BlockSpec((GB, D), lambda i: (i + boff, 0)),
            pl.BlockSpec((GB, D), lambda i: (i + boff, 0)),
            pl.BlockSpec((GB, D), lambda i: (i + boff, 0)),
            pl.BlockSpec((GB, 1), lambda i: (i + boff, 0)),
            pl.BlockSpec((2, D), lambda i: (0, 0)),
            pl.BlockSpec((2 * D, D), lambda i: (0, 0)),
            pl.BlockSpec((1, D), lambda i: (0, 0)),
            pl.BlockSpec((GP, 2 * D), lambda i: (i + boff, 0)),
            pl.BlockSpec((GP, 2 * D), lambda i: (i, 0)),
            pl.BlockSpec((GP, 2 * D), lambda i: (i, 0)),
            pl.BlockSpec((GP, 2 * _NEGS * D), lambda i: (i, 0)),
        ],
        out_specs=[part_spec, part_spec],
        out_shape=[jax.ShapeDtypeStruct((nblocks, 1, 1), f32)] * 2,
        compiler_params=_PAR,
    )(mu_in, rho_in, eps_in, covf, covw, wT, bvec,
      eps_p, mu_p, rho_p, noise_p)
    return kl_parts, lik_parts


def kernel(inputs, outputs, covars, wt, batch_num, in_embed_w, out_embed_w,
           in_rho_w, out_rho_w, covariates_w, linear_w, linear_b):
    B, W = outputs.shape
    V, D = in_embed_w.shape

    key = jax.random.key(42)
    k1, k2, k3 = jax.random.split(key, 3)
    eps_in = jax.random.normal(k1, (B, D), jnp.float32)
    eps_p = jax.random.normal(k2, (B * W // 2, 2 * D), jnp.float32)
    noise_idx = jax.random.randint(k3, (B * W, _NEGS), 0, V)

    tab_out = _tc_transpose_fused(out_embed_w.T, out_rho_w.T)
    tab_in = _tc_transpose_fused(in_embed_w.T, in_rho_w.T)
    V2 = 2 * tab_out.shape[0]
    tab_out64 = tab_out.reshape(V2, D)
    tab_in64 = tab_in.reshape(V2, D)

    o2 = 2 * outputs.astype(jnp.int32).reshape(1, B * W)
    nz2 = 2 * noise_idx.astype(jnp.int32).reshape(1, B * W * _NEGS)
    i2 = 2 * inputs.astype(jnp.int32).reshape(1, B)

    covf = covars.astype(jnp.float32).reshape(B, 1)
    wT = linear_w.T
    bvec = linear_b.reshape(1, D)

    mu_in_d, rho_in_d = _sc_gather_in(i2, i2 + 1, tab_in64)
    mu_out_d, rho_out_d, noise_d = _sc_gather_out(o2, o2 + 1, nz2, tab_out64)

    mu_p = mu_out_d.reshape(B * W // 2, 2 * D)
    rho_p = rho_out_d.reshape(B * W // 2, 2 * D)
    noise_p = noise_d.reshape(B * W // 2, 2 * _NEGS * D)

    kl_parts, lik_parts = _tc_math(mu_in_d, rho_in_d, eps_in, covf,
                                   covariates_w, wT, bvec, mu_p, rho_p,
                                   eps_p, noise_p, B, W, D, 0, B // 128)
    loss = (wt[0] * jnp.sum(kl_parts) - jnp.sum(lik_parts)) / (B * W)
    return loss

# --- scband reference (transcript-rebuilt; emitter-appended) ---
"""Pipeline reference for scband-conditional-bbp-34462817583110 (READ-ONLY COPY).

The authoritative reference and input builder live on the scoring server;
editing this copy changes nothing except your own understanding.
"""

import jax, jax.numpy as jnp
import numpy as np

V = 1000000
D = 64
B = 4096
W = 20
NEGS = 5
N_LABELS = 2
SCALING = 0.1
PR_W = 0.5
S1 = 1.0
S2 = 0.2


def setup_inputs(seed: int = 0) -> dict:
    key = jax.random.key(seed)
    ks = jax.random.split(key, 10)
    return {
        "inputs": jax.random.randint(ks[0], (B, 1), 0, V),
        "outputs": jax.random.randint(ks[1], (B, W), 0, V),
        "covars": jax.random.randint(ks[2], (B, 1), 0, N_LABELS),
        "wt": jnp.ones((1,), jnp.float32),
        "batch_num": 1,
        "in_embed_w": jax.random.uniform(ks[3], (V, D), jnp.float32, -1.0, 1.0),
        "out_embed_w": jax.random.uniform(ks[4], (V, D), jnp.float32, -1.0, 1.0),
        "in_rho_w": jax.random.uniform(ks[5], (V, D), jnp.float32, -1.0, 1.0),
        "out_rho_w": jax.random.uniform(ks[6], (V, D), jnp.float32, -1.0, 1.0),
        "covariates_w": jax.random.uniform(ks[7], (N_LABELS, D), jnp.float32, -1.0, 1.0),
        "linear_w": jax.random.uniform(ks[8], (D, 2 * D), jnp.float32, -0.088, 0.088),
        "linear_b": jnp.zeros((D,), jnp.float32),
    }


def _reshape(v, win):
    # torch: v.expand(v.size(0), win, v.size(2)).contiguous().view(-1, D)
    return jnp.broadcast_to(v, (v.shape[0], win, v.shape[2])).reshape(-1, D)


def _compute_prior(w):
    n1 = PR_W * jnp.exp(-w ** 2 / (2 * S1 ** 2))
    n2 = (1.0 - PR_W) * jnp.exp(-w ** 2 / (2 * S2 ** 2))
    return jnp.log(n1 + n2).sum(1)


def reference(inputs, outputs, covars, wt, batch_num, in_embed_w, out_embed_w, in_rho_w, out_rho_w, covariates_w, linear_w, linear_b):
    batch_size, window_size = outputs.shape
    key = jax.random.key(42)
    k1, k2, k3 = jax.random.split(key, 3)
    # covariate embedding (no_mlp_layer == False)
    cov_rep = jnp.repeat(covars, window_size, axis=1).reshape(-1)
    y = covariates_w[cov_rep]  # [B*W, D]
    # input side
    mu_in = in_embed_w[inputs]  # [B, 1, D]
    eps_in = jax.random.normal(k1, mu_in.shape, jnp.float32)
    mu_in_r = _reshape(mu_in, window_size)
    eps_in_r = _reshape(eps_in, window_size)
    sig_in = jnp.log(jnp.exp(in_rho_w[inputs]) + 1.0)
    sig_in_r = _reshape(sig_in, window_size)
    h = jnp.concatenate([mu_in_r, y], axis=1) @ linear_w.T + linear_b
    w_in = jnp.tanh(h) + SCALING * sig_in_r * eps_in_r
    post_in = -0.5 * (eps_in_r ** 2).sum(1) - jnp.log(sig_in_r).sum(1)
    prior_in = _compute_prior(w_in)
    # output side
    mu_out3 = out_embed_w[outputs]  # [B, W, D]
    eps_out3 = jax.random.normal(k2, mu_out3.shape, jnp.float32)
    mu_out = _reshape(mu_out3, window_size)
    eps_out = _reshape(eps_out3, window_size)
    sig_out = _reshape(jnp.log(jnp.exp(out_rho_w[outputs]) + 1.0), window_size)
    w_out = mu_out + SCALING * sig_out * eps_out
    post_out = -0.5 * (eps_out ** 2).sum(1) - jnp.log(sig_out).sum(1)
    prior_out = _compute_prior(w_out)
    # dot-product similarity
    log_target = jnp.log(jax.nn.sigmoid((w_in * w_out).sum(1)))
    # negative sampling (weights is None -> uniform indices)
    noise_idx = jax.random.randint(k3, (batch_size * window_size, NEGS), 0, V)
    noise = -out_embed_w[noise_idx]  # [B*W, NEGS, D]
    log_sampled = jnp.log(jax.nn.sigmoid((w_in[:, None, :] * noise).sum(-1))).mean(-1)
    likelihood = log_target + log_sampled
    kl_pi = 1.0  # kl_tempering == 'none'
    loss = wt * kl_pi * (post_in + post_out - prior_in - prior_out) - likelihood
    return loss.mean()

if __name__ == "__main__":
    import jax
    _d = setup_inputs()
    print(jax.jit(kernel)(*tuple(_d.values())))

</pallas_src>

<mosaic_0001>
#map = affine_map<(d0, d1) -> (0, 0)>
module attributes {stable_mosaic.version = 14 : i64} {
  func.func @gk(%arg0: i32, %arg1: i32, %arg2: memref<1x81920xi32, #tpu.memory_space<hbm>>, %arg3: memref<1x81920xi32, #tpu.memory_space<hbm>>, %arg4: memref<1x409600xi32, #tpu.memory_space<hbm>>, %arg5: memref<2015232x64xf32, #tpu.memory_space<hbm>>, %arg6: memref<81920x64xf32, #tpu.memory_space<hbm>>, %arg7: memref<81920x64xf32, #tpu.memory_space<hbm>>, %arg8: memref<409600x64xf32, #tpu.memory_space<hbm>>) attributes {dimension_semantics = [#tpu.dimension_semantics<core_parallel>, #tpu.dimension_semantics<subcore_parallel>], iteration_bounds = array<i64: 2, 16>, scalar_prefetch = 0 : i64, scratch_operands = 0 : i64, tpu.core_type = #tpu.core_type<sc_vector_subcore>, window_params = [{transform_indices = #map}, {transform_indices = #map}, {transform_indices = #map}, {transform_indices = #map}, {transform_indices = #map}, {transform_indices = #map}, {transform_indices = #map}]} {
    %mul3A = arith.constant 1 : i32
    %mul3A_0 = arith.muli %arg1, %mul3A : i32
    %add3A = arith.constant 0 : i32
    %add3A_1 = arith.addi %add3A, %mul3A_0 : i32
    %mul3A_2 = arith.constant 16 : i32
    %mul3A_3 = arith.muli %arg0, %mul3A_2 : i32
    %add3A_4 = arith.addi %add3A_1, %mul3A_3 : i32
    %mul3A_5 = arith.constant 20 : i32
    %mul3A_6 = arith.muli %add3A_4, %mul3A_5 : i32
    "tpu.region"() ({
      %run_scoped3A = memref.alloca() : memref<2x1x128xi32, #tpu.memory_space<vmem>>
      %run_scoped3A_25 = tpu.sem_alloc : memref<2x!tpu.dma_semaphore, #tpu.memory_space<semaphore_mem>>
      %run_scoped3A_26 = memref.alloca() : memref<2x128x64xf32, #tpu.memory_space<vmem>>
      %run_scoped3A_27 = tpu.sem_alloc : memref<2x!tpu.dma_semaphore, #tpu.memory_space<semaphore_mem>>
      %add3A_28 = arith.constant 0 : i32
      %add3A_29 = arith.addi %add3A_28, %mul3A_6 : i32
      %select_n3A = arith.constant true
      %select_n3A_30 = arith.constant 0 : i32
      %select_n3A_31 = arith.constant -1 : i32
      %select_n3A_32 = arith.select %select_n3A, %select_n3A_31, %select_n3A_30 : i32
      %eq3A = arith.constant -1 : i32
      %eq3A_33 = arith.cmpi eq, %select_n3A_32, %eq3A : i32
      %select_n3A_34 = arith.constant 19 : i32
      %select_n3A_35 = arith.select %eq3A_33, %select_n3A_34, %select_n3A_32 : i32
      %add3A_36 = arith.addi %select_n3A_35, %mul3A_6 : i32
      %select_n3A_37 = arith.constant true
      %select_n3A_38 = arith.constant 0 : i32
      %select_n3A_39 = arith.constant 1 : i32
      %select_n3A_40 = arith.select %select_n3A_37, %select_n3A_39, %select_n3A_38 : i32
      %eq3A_41 = arith.constant 20 : i32
      %eq3A_42 = arith.cmpi eq, %select_n3A_40, %eq3A_41 : i32
      %select_n3A_43 = arith.constant 0 : i32
      %select_n3A_44 = arith.select %eq3A_42, %select_n3A_43, %select_n3A_40 : i32
      %add3A_45 = arith.addi %select_n3A_44, %mul3A_6 : i32
      %add3A_46 = arith.constant 1 : i32
      %add3A_47 = arith.addi %select_n3A_44, %add3A_46 : i32
      %select_n3A_48 = arith.constant true
      %select_n3A_49 = arith.select %select_n3A_48, %add3A_47, %select_n3A_44 : i32
      %eq3A_50 = arith.constant 20 : i32
      %eq3A_51 = arith.cmpi eq, %select_n3A_49, %eq3A_50 : i32
      %select_n3A_52 = arith.constant 0 : i32
      %select_n3A_53 = arith.select %eq3A_51, %select_n3A_52, %select_n3A_49 : i32
      %add3A_54 = arith.addi %select_n3A_53, %mul3A_6 : i32
      "tpu.trace_start"() <{level = 10 : i32, message = "ep_initialize_0"}> : () -> ()
      %rem3A = arith.constant 0 : i32
      %rem3A_55 = arith.constant 2 : i32
      %rem3A_56 = arith.remui %rem3A, %rem3A_55 : i32
      %mul3A_57 = arith.constant 128 : i32
      %mul3A_58 = arith.muli %mul3A_57, %add3A_29 : i32
      %dma_start3A = arith.constant 0 : i32
      %dma_start3A_59 = arith.constant 0 : i32
      %dma_start3A_60 = tpu.memref_slice %run_scoped3A[%rem3A_56, %dma_start3A, %dma_start3A_59] : memref<2x1x128xi32, #tpu.memory_space<vmem>> -> memref<1x1x128xi32, #tpu.memory_space<vmem>>
      %dma_start3A_61 = tpu.memref_squeeze %dma_start3A_60 : memref<1x1x128xi32, #tpu.memory_space<vmem>> -> memref<1x128xi32, #tpu.memory_space<vmem>>
      %dma_start3A_62 = arith.constant 0 : i32
      %dma_start3A_63 = tpu.memref_slice %arg2[%dma_start3A_62, %mul3A_58] : memref<1x81920xi32, #tpu.memory_space<hbm>> -> memref<1x128xi32, #tpu.memory_space<hbm>>
      %dma_start3A_64 = tpu.memref_slice %run_scoped3A_25[%rem3A_56] : memref<2x!tpu.dma_semaphore, #tpu.memory_space<semaphore_mem>> -> memref<1x!tpu.dma_semaphore, #tpu.memory_space<semaphore_mem>>
      %dma_start3A_65 = tpu.memref_squeeze %dma_start3A_64 : memref<1x!tpu.dma_semaphore, #tpu.memory_space<semaphore_mem>> -> memref<!tpu.dma_semaphore, #tpu.memory_space<semaphore_mem>>
      %dma_start3A_66 = arith.constant 0 : i32
      %dma_start3A_67 = arith.constant 0 : i32
      %dma_start3A_68 = tpu.memref_slice %run_scoped3A[%rem3A_56, %dma_start3A_66, %dma_start3A_67] : memref<2x1x128xi32, #tpu.memory_space<vmem>> -> memref<1x1x128xi32, #tpu.memory_space<vmem>>
      %dma_start3A_69 = tpu.memref_squeeze %dma_start3A_68 : memref<1x1x128xi32, #tpu.memory_space<vmem>> -> memref<1x128xi32, #tpu.memory_space<vmem>>
      %dma_start3A_70 = arith.constant 0 : i32
      %dma_start3A_71 = tpu.memref_slice %arg2[%dma_start3A_70, %mul3A_58] : memref<1x81920xi32, #tpu.memory_space<hbm>> -> memref<1x128xi32, #tpu.memory_space<hbm>>
      tpu.enqueue_dma source(%dma_start3A_71 : memref<1x128xi32, #tpu.memory_space<hbm>>) target(%dma_start3A_69 : memref<1x128xi32, #tpu.memory_space<vmem>>) target_semaphore(%dma_start3A_65 : memref<!tpu.dma_semaphore, #tpu.memory_space<semaphore_mem>>)
      %add3A_72 = arith.constant 0 : i32
      %add3A_73 = arith.constant 1 : i32
      %add3A_74 = arith.addi %add3A_72, %add3A_73 : i32
      %select_n3A_75 = arith.constant true
      %select_n3A_76 = arith.constant 0 : i32
      %select_n3A_77 = arith.select %select_n3A_75, %add3A_74, %select_n3A_76 : i32
      "tpu.trace_stop"() : () -> ()
      %scan3A = arith.constant 0 : i32
      %scan3A_78 = arith.constant 0 : i32
      %scan3A_79 = arith.constant 0 : i32
      %scan3A_80 = arith.constant 0 : i32
      %scan3A_81 = arith.constant 0 : i32
      %scan3A_82 = arith.constant 20 : i32
      %scan3A_83 = arith.addi %scan3A_81, %scan3A_82 : i32
      %scan3A_84 = arith.constant 1 : i32
      %scan3A_85:5 = scf.for %scan3A_139 = %scan3A_81 to %scan3A_83 step %scan3A_84 iter_args(%scan3A_140 = %select_n3A_77, %scan3A_141 = %scan3A, %scan3A_142 = %scan3A_78, %scan3A_143 = %scan3A_79, %scan3A_144 = %scan3A_80) -> (i32, i32, i32, i32, i32)  : i32 {
        %eq3A_145 = arith.constant 0 : i32
        %eq3A_146 = arith.cmpi eq, %scan3A_139, %eq3A_145 : i32
        %eq3A_147 = arith.constant 19 : i32
        %eq3A_148 = arith.cmpi eq, %scan3A_139, %eq3A_147 : i32
        %add3A_149 = arith.addi %scan3A_144, %mul3A_6 : i32
        %sub3A_150 = arith.constant 1 : i32
        %sub3A_151 = arith.subi %scan3A_144, %sub3A_150 : i32
        %select_n3A_152 = arith.constant true
        %select_n3A_153 = arith.select %select_n3A_152, %sub3A_151, %scan3A_144 : i32
        %eq3A_154 = arith.constant -1 : i32
        %eq3A_155 = arith.cmpi eq, %select_n3A_153, %eq3A_154 : i32
        %select_n3A_156 = arith.constant 19 : i32
        %select_n3A_157 = arith.select %eq3A_155, %select_n3A_156, %select_n3A_153 : i32
        %add3A_158 = arith.addi %select_n3A_157, %mul3A_6 : i32
        %add3A_159 = arith.constant 1 : i32
        %add3A_160 = arith.addi %scan3A_144, %add3A_159 : i32
        %select_n3A_161 = arith.constant true
        %select_n3A_162 = arith.select %select_n3A_161, %add3A_160, %scan3A_144 : i32
        %eq3A_163 = arith.constant 20 : i32
        %eq3A_164 = arith.cmpi eq, %select_n3A_162, %eq3A_163 : i32
        %select_n3A_165 = arith.constant 0 : i32
        %select_n3A_166 = arith.select %eq3A_164, %select_n3A_165, %select_n3A_162 : i32
        %add3A_167 = arith.addi %select_n3A_166, %mul3A_6 : i32
        %add3A_168 = arith.constant 1 : i32
        %add3A_169 = arith.addi %select_n3A_166, %add3A_168 : i32
        %select_n3A_170 = arith.constant true
        %select_n3A_171 = arith.select %select_n3A_170, %add3A_169, %select_n3A_166 : i32
        %eq3A_172 = arith.constant 20 : i32
        %eq3A_173 = arith.cmpi eq, %select_n3A_171, %eq3A_172 : i32
        %select_n3A_174 = arith.constant 0 : i32
        %select_n3A_175 = arith.select %eq3A_173, %select_n3A_174, %select_n3A_171 : i32
        %add3A_176 = arith.addi %select_n3A_175, %mul3A_6 : i32
        %ne3A = arith.cmpi ne, %add3A_149, %add3A_167 : i32
        %or3A = arith.constant false
        %or3A_177 = arith.ori %or3A, %ne3A : i1
        %ge3A = arith.constant 19 : i32
        %ge3A_178 = arith.cmpi sge, %scan3A_139, %ge3A : i32
        %not3A = arith.constant true
        %not3A_179 = arith.xori %ge3A_178, %not3A : i1
        %and3A = arith.andi %or3A_177, %not3A_179 : i1
        %convert_element_type3A = arith.extui %and3A : i1 to i32
        %cond3A = arith.constant 0 : i32
        %cond3A_180 = arith.cmpi ne, %convert_element_type3A, %cond3A : i32
        scf.if %cond3A_180 {
          "tpu.trace_start"() <{level = 10 : i32, message = "ep_copy_in"}> : () -> ()
          %rem3A_282 = arith.constant 2 : i32
          %rem3A_283 = arith.remui %scan3A_140, %rem3A_282 : i32
          %mul3A_284 = arith.constant 128 : i32
          %mul3A_285 = arith.muli %mul3A_284, %add3A_167 : i32
          %dma_start3A_286 = arith.constant 0 : i32
          %dma_start3A_287 = arith.constant 0 : i32
          %dma_start3A_288 = tpu.memref_slice %run_scoped3A[%rem3A_283, %dma_start3A_286, %dma_start3A_287] : memref<2x1x128xi32, #tpu.memory_space<vmem>> -> memref<1x1x128xi32, #tpu.memory_space<vmem>>
          %dma_start3A_289 = tpu.memref_squeeze %dma_start3A_288 : memref<1x1x128xi32, #tpu.memory_space<vmem>> -> memref<1x128xi32, #tpu.memory_space<vmem>>
          %dma_start3A_290 = arith.constant 0 : i32
          %dma_start3A_291 = tpu.memref_slice %arg2[%dma_start3A_290, %mul3A_285] : memref<1x81920xi32, #tpu.memory_space<hbm>> -> memref<1x128xi32, #tpu.memory_space<hbm>>
          %dma_start3A_292 = tpu.memref_slice %run_scoped3A_25[%rem3A_283] : memref<2x!tpu.dma_semaphore, #tpu.memory_space<semaphore_mem>> -> memref<1x!tpu.dma_semaphore, #tpu.memory_space<semaphore_mem>>
          %dma_start3A_293 = tpu.memref_squeeze %dma_start3A_292 : memref<1x!tpu.dma_semaphore, #tpu.memory_space<semaphore_mem>> -> memref<!tpu.dma_semaphore, #tpu.memory_space<semaphore_mem>>
          %dma_start3A_294 = arith.constant 0 : i32
          %dma_start3A_295 = arith.constant 0 : i32
          %dma_start3A_296 = tpu.memref_slice %run_scoped3A[%rem3A_283, %dma_start3A_294, %dma_start3A_295] : memref<2x1x128xi32, #tpu.memory_space<vmem>> -> memref<1x1x128xi32, #tpu.memory_space<vmem>>
          %dma_start3A_297 = tpu.memref_squeeze %dma_start3A_296 : memref<1x1x128xi32, #tpu.memory_space<vmem>> -> memref<1x128xi32, #tpu.memory_space<vmem>>
          %dma_start3A_298 = arith.constant 0 : i32
          %dma_start3A_299 = tpu.memref_slice %arg2[%dma_start3A_298, %mul3A_285] : memref<1x81920xi32, #tpu.memory_space<hbm>> -> memref<1x128xi32, #tpu.memory_space<hbm>>
          tpu.enqueue_dma source(%dma_start3A_299 : memref<1x128xi32, #tpu.memory_space<hbm>>) target(%dma_start3A_297 : memref<1x128xi32, #tpu.memory_space<vmem>>) target_semaphore(%dma_start3A_293 : memref<!tpu.dma_semaphore, #tpu.memory_space<semaphore_mem>>)
          "tpu.trace_stop"() : () -> ()
        } else {
        }
        %and3A_181 = arith.constant true
        %and3A_182 = arith.andi %and3A, %and3A_181 : i1
        %add3A_183 = arith.constant 1 : i32
        %add3A_184 = arith.addi %scan3A_140, %add3A_183 : i32
        %select_n3A_185 = arith.select %and3A_182, %add3A_184, %scan3A_140 : i32
        %ne3A_186 = arith.cmpi ne, %add3A_149, %add3A_167 : i32
        %or3A_187 = arith.constant false
        %or3A_188 = arith.ori %or3A_187, %ne3A_186 : i1
        %or3A_189 = arith.constant false
        %or3A_190 = arith.ori %or3A_188, %or3A_189 : i1
        %ge3A_191 = arith.constant 19 : i32
        %ge3A_192 = arith.cmpi sge, %scan3A_139, %ge3A_191 : i32
        %not3A_193 = arith.constant true
        %not3A_194 = arith.xori %ge3A_192, %not3A_193 : i1
        %and3A_195 = arith.andi %or3A_190, %not3A_194 : i1
        %ne3A_196 = arith.cmpi ne, %add3A_149, %add3A_158 : i32
        %or3A_197 = arith.constant false
        %or3A_198 = arith.ori %or3A_197, %ne3A_196 : i1
        %or3A_199 = arith.ori %or3A_198, %eq3A_146 : i1
        %convert_element_type3A_200 = arith.extui %or3A_199 : i1 to i32
        %cond3A_201 = arith.constant 0 : i32
        %cond3A_202 = arith.cmpi ne, %convert_element_type3A_200, %cond3A_201 : i32
        scf.if %cond3A_202 {
          "tpu.trace_start"() <{level = 10 : i32, message = "ep_wait_in"}> : () -> ()
          %mul3A_282 = arith.constant 128 : i32
          %mul3A_283 = arith.muli %mul3A_282, %add3A_149 : i32
          %rem3A_284 = arith.constant 2 : i32
          %rem3A_285 = arith.remui %scan3A_141, %rem3A_284 : i32
          %dma_wait3A_286 = arith.constant 0 : i32
          %dma_wait3A_287 = arith.constant 0 : i32
          %dma_wait3A_288 = tpu.memref_slice %run_scoped3A[%rem3A_285, %dma_wait3A_286, %dma_wait3A_287] : memref<2x1x128xi32, #tpu.memory_space<vmem>> -> memref<1x1x128xi32, #tpu.memory_space<vmem>>
          %dma_wait3A_289 = tpu.memref_squeeze %dma_wait3A_288 : memref<1x1x128xi32, #tpu.memory_space<vmem>> -> memref<1x128xi32, #tpu.memory_space<vmem>>
          %dma_wait3A_290 = arith.constant 0 : i32
          %dma_wait3A_291 = tpu.memref_slice %arg2[%dma_wait3A_290, %mul3A_283] : memref<1x81920xi32, #tpu.memory_space<hbm>> -> memref<1x128xi32, #tpu.memory_space<hbm>>
          %dma_wait3A_292 = tpu.memref_slice %run_scoped3A_25[%rem3A_285] : memref<2x!tpu.dma_semaphore, #tpu.memory_space<semaphore_mem>> -> memref<1x!tpu.dma_semaphore, #tpu.memory_space<semaphore_mem>>
          %dma_wait3A_293 = tpu.memref_squeeze %dma_wait3A_292 : memref<1x!tpu.dma_semaphore, #tpu.memory_space<semaphore_mem>> -> memref<!tpu.dma_semaphore, #tpu.memory_space<semaphore_mem>>
          %dma_wait3A_294 = arith.constant 0 : i32
          %dma_wait3A_295 = arith.constant 0 : i32
          %dma_wait3A_296 = tpu.memref_slice %run_scoped3A[%rem3A_285, %dma_wait3A_294, %dma_wait3A_295] : memref<2x1x128xi32, #tpu.memory_space<vmem>> -> memref<1x1x128xi32, #tpu.memory_space<vmem>>
          %dma_wait3A_297 = tpu.memref_squeeze %dma_wait3A_296 : memref<1x1x128xi32, #tpu.memory_space<vmem>> -> memref<1x128xi32, #tpu.memory_space<vmem>>
          %dma_wait3A_298 = arith.constant 0 : i32
          %dma_wait3A_299 = tpu.memref_slice %arg2[%dma_wait3A_298, %mul3A_283] : memref<1x81920xi32, #tpu.memory_space<hbm>> -> memref<1x128xi32, #tpu.memory_space<hbm>>
          tpu.wait_dma2 semaphore(%dma_wait3A_293 : memref<!tpu.dma_semaphore, #tpu.memory_space<semaphore_mem>>) src(%dma_wait3A_299 : memref<1x128xi32, #tpu.memory_space<hbm>>) dst(%dma_wait3A_297 : memref<1x128xi32, #tpu.memory_space<vmem>>)
          "tpu.trace_stop"() : () -> ()
        } else {
        }
        %ne3A_203 = arith.cmpi ne, %add3A_149, %add3A_158 : i32
        %or3A_204 = arith.constant false
        %or3A_205 = arith.ori %or3A_204, %ne3A_203 : i1
        %or3A_206 = arith.constant false
        %or3A_207 = arith.ori %or3A_205, %or3A_206 : i1
        %or3A_208 = arith.ori %or3A_207, %eq3A_146 : i1
        %convert_element_type3A_209 = arith.extui %or3A_208 : i1 to i32
        %cond3A_210 = arith.constant 0 : i32
        %cond3A_211 = arith.cmpi ne, %convert_element_type3A_209, %cond3A_210 : i32
        scf.if %cond3A_211 {
        } else {
        }
        %rem3A_212 = arith.constant 2 : i32
        %rem3A_213 = arith.remui %scan3A_141, %rem3A_212 : i32
        %rem3A_214 = arith.constant 2 : i32
        %rem3A_215 = arith.remui %scan3A_142, %rem3A_214 : i32
        %run_scoped3A_216 = arith.constant 0 : i32
        "tpu.trace_start"() <{level = 10 : i32, message = "ep_run_kernel"}> : () -> ()
        "tpu.region"() ({
          %run_scoped3A_282 = tpu.sem_alloc : memref<!tpu.dma_semaphore, #tpu.memory_space<semaphore_mem>>
          %dma_start3A_283 = arith.constant 0 : i32
          %dma_start3A_284 = arith.constant 0 : i32
          %dma_start3A_285 = tpu.memref_slice %run_scoped3A_26[%rem3A_215, %dma_start3A_283, %dma_start3A_284] : memref<2x128x64xf32, #tpu.memory_space<vmem>> -> memref<1x128x64xf32, #tpu.memory_space<vmem>>
          %dma_start3A_286 = tpu.memref_squeeze %dma_start3A_285 : memref<1x128x64xf32, #tpu.memory_space<vmem>> -> memref<128x64xf32, #tpu.memory_space<vmem>>
          %dma_start3A_287 = arith.constant 0 : i32
          %dma_start3A_288 = arith.constant 0 : i32
          %dma_start3A_289 = tpu.memref_slice %run_scoped3A[%rem3A_213, %dma_start3A_287, %dma_start3A_288] : memref<2x1x128xi32, #tpu.memory_space<vmem>> -> memref<1x1x128xi32, #tpu.memory_space<vmem>>
          %dma_start3A_290 = tpu.memref_squeeze %dma_start3A_289 : memref<1x1x128xi32, #tpu.memory_space<vmem>> -> memref<1x128xi32, #tpu.memory_space<vmem>>
          %dma_start3A_291 = arith.constant 0 : i32
          %dma_start3A_292 = tpu.memref_slice %dma_start3A_290[%run_scoped3A_216, %dma_start3A_291] : memref<1x128xi32, #tpu.memory_space<vmem>> -> memref<1x128xi32, #tpu.memory_space<vmem>>
          %dma_start3A_293 = tpu.memref_squeeze %dma_start3A_292 : memref<1x128xi32, #tpu.memory_space<vmem>> -> memref<128xi32, #tpu.memory_space<vmem>>
          %dma_start3A_294 = arith.constant 0 : i32
          %dma_start3A_295 = arith.constant 0 : i32
          %dma_start3A_296 = tpu.memref_slice %arg5[%dma_start3A_294, %dma_start3A_295] : memref<2015232x64xf32, #tpu.memory_space<hbm>> -> memref<2015232x64xf32, #tpu.memory_space<hbm>>
          tpu.enqueue_indirect_dma source(%dma_start3A_296 : memref<2015232x64xf32, #tpu.memory_space<hbm>>) target(%dma_start3A_286 : memref<128x64xf32, #tpu.memory_space<vmem>>) offsets(%dma_start3A_293 : memref<128xi32, #tpu.memory_space<vmem>>) semaphore(%run_scoped3A_282 : memref<!tpu.dma_semaphore, #tpu.memory_space<semaphore_mem>>)
          %dma_wait3A_297 = arith.constant 0 : i32
          %dma_wait3A_298 = arith.constant 0 : i32
          %dma_wait3A_299 = tpu.memref_slice %run_scoped3A_26[%rem3A_215, %dma_wait3A_297, %dma_wait3A_298] : memref<2x128x64xf32, #tpu.memory_space<vmem>> -> memref<1x128x64xf32, #tpu.memory_space<vmem>>
          %dma_wait3A_300 = tpu.memref_squeeze %dma_wait3A_299 : memref<1x128x64xf32, #tpu.memory_space<vmem>> -> memref<128x64xf32, #tpu.memory_space<vmem>>
          %dma_wait3A_301 = arith.constant 0 : i32
          %dma_wait3A_302 = arith.constant 0 : i32
          %dma_wait3A_303 = tpu.memref_slice %run_scoped3A[%rem3A_213, %dma_wait3A_301, %dma_wait3A_302] : memref<2x1x128xi32, #tpu.memory_space<vmem>> -> memref<1x1x128xi32, #tpu.memory_space<vmem>>
          %dma_wait3A_304 = tpu.memref_squeeze %dma_wait3A_303 : memref<1x1x128xi32, #tpu.memory_space<vmem>> -> memref<1x128xi32, #tpu.memory_space<vmem>>
          %dma_wait3A_305 = arith.constant 0 : i32
          %dma_wait3A_306 = tpu.memref_slice %dma_wait3A_304[%run_scoped3A_216, %dma_wait3A_305] : memref<1x128xi32, #tpu.memory_space<vmem>> -> memref<1x128xi32, #tpu.memory_space<vmem>>
          %dma_wait3A_307 = tpu.memref_squeeze %dma_wait3A_306 : memref<1x128xi32, #tpu.memory_space<vmem>> -> memref<128xi32, #tpu.memory_space<vmem>>
          %dma_wait3A_308 = arith.constant 0 : i32
          %dma_wait3A_309 = arith.constant 0 : i32
          %dma_wait3A_310 = tpu.memref_slice %arg5[%dma_wait3A_308, %dma_wait3A_309] : memref<2015232x64xf32, #tpu.memory_space<hbm>> -> memref<2015232x64xf32, #tpu.memory_space<hbm>>
          tpu.wait_indirect_dma semaphore(%run_scoped3A_282 : memref<!tpu.dma_semaphore, #tpu.memory_space<semaphore_mem>>) src(%dma_wait3A_310 : memref<2015232x64xf32, #tpu.memory_space<hbm>>) dst(%dma_wait3A_300 : memref<128x64xf32, #tpu.memory_space<vmem>>)
          tpu.yield
        }) : () -> ()
        "tpu.trace_stop"() : () -> ()
        %ne3A_217 = arith.cmpi ne, %add3A_149, %add3A_167 : i32
        %or3A_218 = arith.constant false
        %or3A_219 = arith.ori %or3A_218, %ne3A_217 : i1
        %or3A_220 = arith.ori %or3A_219, %eq3A_148 : i1
        %convert_element_type3A_221 = arith.extui %or3A_220 : i1 to i32
        %cond3A_222 = arith.constant 0 : i32
        %cond3A_223 = arith.cmpi ne, %convert_element_type3A_221, %cond3A_222 : i32
        scf.if %cond3A_223 {
        } else {
        }
        %and3A_224 = arith.constant false
        %and3A_225 = arith.andi %or3A_220, %and3A_224 : i1
        %ne3A_226 = arith.cmpi ne, %add3A_149, %add3A_167 : i32
        %or3A_227 = arith.constant false
        %or3A_228 = arith.ori %or3A_227, %ne3A_226 : i1
        %or3A_229 = arith.constant false
        %or3A_230 = arith.ori %or3A_228, %or3A_229 : i1
        %or3A_231 = arith.ori %or3A_230, %eq3A_148 : i1
        %convert_element_type3A_232 = arith.extui %or3A_231 : i1 to i32
        %cond3A_233 = arith.constant 0 : i32
        %cond3A_234 = arith.cmpi ne, %convert_element_type3A_232, %cond3A_233 : i32
        scf.if %cond3A_234 {
          "tpu.trace_start"() <{level = 10 : i32, message = "ep_copy_out"}> : () -> ()
          %rem3A_282 = arith.constant 2 : i32
          %rem3A_283 = arith.remui %scan3A_142, %rem3A_282 : i32
          %mul3A_284 = arith.constant 128 : i32
          %mul3A_285 = arith.muli %mul3A_284, %add3A_149 : i32
          %dma_start3A_286 = arith.constant 0 : i32
          %dma_start3A_287 = arith.constant 0 : i32
          %dma_start3A_288 = tpu.memref_slice %run_scoped3A_26[%rem3A_283, %dma_start3A_286, %dma_start3A_287] : memref<2x128x64xf32, #tpu.memory_space<vmem>> -> memref<1x128x64xf32, #tpu.memory_space<vmem>>
          %dma_start3A_289 = tpu.memref_squeeze %dma_start3A_288 : memref<1x128x64xf32, #tpu.memory_space<vmem>> -> memref<128x64xf32, #tpu.memory_space<vmem>>
          %dma_start3A_290 = arith.constant 0 : i32
          %dma_start3A_291 = tpu.memref_slice %arg6[%mul3A_285, %dma_start3A_290] : memref<81920x64xf32, #tpu.memory_space<hbm>> -> memref<128x64xf32, #tpu.memory_space<hbm>>
          %dma_start3A_292 = tpu.memref_slice %run_scoped3A_27[%rem3A_283] : memref<2x!tpu.dma_semaphore, #tpu.memory_space<semaphore_mem>> -> memref<1x!tpu.dma_semaphore, #tpu.memory_space<semaphore_mem>>
          %dma_start3A_293 = tpu.memref_squeeze %dma_start3A_292 : memref<1x!tpu.dma_semaphore, #tpu.memory_space<semaphore_mem>> -> memref<!tpu.dma_semaphore, #tpu.memory_space<semaphore_mem>>
          %dma_start3A_294 = arith.constant 0 : i32
          %dma_start3A_295 = tpu.memref_slice %arg6[%mul3A_285, %dma_start3A_294] : memref<81920x64xf32, #tpu.memory_space<hbm>> -> memref<128x64xf32, #tpu.memory_space<hbm>>
          %dma_start3A_296 = arith.constant 0 : i32
          %dma_start3A_297 = arith.constant 0 : i32
          %dma_start3A_298 = tpu.memref_slice %run_scoped3A_26[%rem3A_283, %dma_start3A_296, %dma_start3A_297] : memref<2x128x64xf32, #tpu.memory_space<vmem>> -> memref<1x128x64xf32, #tpu.memory_space<vmem>>
          %dma_start3A_299 = tpu.memref_squeeze %dma_start3A_298 : memref<1x128x64xf32, #tpu.memory_space<vmem>> -> memref<128x64xf32, #tpu.memory_space<vmem>>
          tpu.enqueue_dma source(%dma_start3A_299 : memref<128x64xf32, #tpu.memory_space<vmem>>) target(%dma_start3A_295 : memref<128x64xf32, #tpu.memory_space<hbm>>) target_semaphore(%dma_start3A_293 : memref<!tpu.dma_semaphore, #tpu.memory_space<semaphore_mem>>)
          "tpu.trace_stop"() : () -> ()
        } else {
        }
        %and3A_235 = arith.constant true
        %and3A_236 = arith.andi %or3A_231, %and3A_235 : i1
        %add3A_237 = arith.constant 1 : i32
        %add3A_238 = arith.addi %scan3A_142, %add3A_237 : i32
        %select_n3A_239 = arith.select %and3A_236, %add3A_238, %scan3A_142 : i32
        %ne3A_240 = arith.cmpi ne, %add3A_149, %add3A_158 : i32
        %or3A_241 = arith.constant false
        %or3A_242 = arith.ori %or3A_241, %ne3A_240 : i1
        %not3A_243 = arith.constant true
        %not3A_244 = arith.xori %eq3A_146, %not3A_243 : i1
        %and3A_245 = arith.andi %or3A_242, %not3A_244 : i1
        %convert_element_type3A_246 = arith.extui %and3A_245 : i1 to i32
        %cond3A_247 = arith.constant 0 : i32
        %cond3A_248 = arith.cmpi ne, %convert_element_type3A_246, %cond3A_247 : i32
        scf.if %cond3A_248 {
        } else {
        }
        %and3A_249 = arith.constant false
        %and3A_250 = arith.andi %and3A_245, %and3A_249 : i1
        %ne3A_251 = arith.cmpi ne, %add3A_149, %add3A_158 : i32
        %or3A_252 = arith.constant false
        %or3A_253 = arith.ori %or3A_252, %ne3A_251 : i1
        %or3A_254 = arith.constant false
        %or3A_255 = arith.ori %or3A_253, %or3A_254 : i1
        %not3A_256 = arith.constant true
        %not3A_257 = arith.xori %eq3A_146, %not3A_256 : i1
        %and3A_258 = arith.andi %or3A_255, %not3A_257 : i1
        %convert_element_type3A_259 = arith.extui %and3A_258 : i1 to i32
        %cond3A_260 = arith.constant 0 : i32
        %cond3A_261 = arith.cmpi ne, %convert_element_type3A_259, %cond3A_260 : i32
        scf.if %cond3A_261 {
          "tpu.trace_start"() <{level = 10 : i32, message = "ep_wait_out"}> : () -> ()
          %rem3A_282 = arith.constant 2 : i32
          %rem3A_283 = arith.remui %scan3A_143, %rem3A_282 : i32
          %mul3A_284 = arith.constant 128 : i32
          %mul3A_285 = arith.muli %mul3A_284, %add3A_158 : i32
          %dma_wait3A_286 = arith.constant 0 : i32
          %dma_wait3A_287 = arith.constant 0 : i32
          %dma_wait3A_288 = tpu.memref_slice %run_scoped3A_26[%rem3A_283, %dma_wait3A_286, %dma_wait3A_287] : memref<2x128x64xf32, #tpu.memory_space<vmem>> -> memref<1x128x64xf32, #tpu.memory_space<vmem>>
          %dma_wait3A_289 = tpu.memref_squeeze %dma_wait3A_288 : memref<1x128x64xf32, #tpu.memory_space<vmem>> -> memref<128x64xf32, #tpu.memory_space<vmem>>
          %dma_wait3A_290 = arith.constant 0 : i32
          %dma_wait3A_291 = tpu.memref_slice %arg6[%mul3A_285, %dma_wait3A_290] : memref<81920x64xf32, #tpu.memory_space<hbm>> -> memref<128x64xf32, #tpu.memory_space<hbm>>
          %dma_wait3A_292 = tpu.memref_slice %run_scoped3A_27[%rem3A_283] : memref<2x!tpu.dma_semaphore, #tpu.memory_space<semaphore_mem>> -> memref<1x!tpu.dma_semaphore, #tpu.memory_space<semaphore_mem>>
          %dma_wait3A_293 = tpu.memref_squeeze %dma_wait3A_292 : memref<1x!tpu.dma_semaphore, #tpu.memory_space<semaphore_mem>> -> memref<!tpu.dma_semaphore, #tpu.memory_space<semaphore_mem>>
          %dma_wait3A_294 = arith.constant 0 : i32
          %dma_wait3A_295 = tpu.memref_slice %arg6[%mul3A_285, %dma_wait3A_294] : memref<81920x64xf32, #tpu.memory_space<hbm>> -> memref<128x64xf32, #tpu.memory_space<hbm>>
          %dma_wait3A_296 = arith.constant 0 : i32
          %dma_wait3A_297 = arith.constant 0 : i32
          %dma_wait3A_298 = tpu.memref_slice %run_scoped3A_26[%rem3A_283, %dma_wait3A_296, %dma_wait3A_297] : memref<2x128x64xf32, #tpu.memory_space<vmem>> -> memref<1x128x64xf32, #tpu.memory_space<vmem>>
          %dma_wait3A_299 = tpu.memref_squeeze %dma_wait3A_298 : memref<1x128x64xf32, #tpu.memory_space<vmem>> -> memref<128x64xf32, #tpu.memory_space<vmem>>
          tpu.wait_dma2 semaphore(%dma_wait3A_293 : memref<!tpu.dma_semaphore, #tpu.memory_space<semaphore_mem>>) src(%dma_wait3A_299 : memref<128x64xf32, #tpu.memory_space<vmem>>) dst(%dma_wait3A_295 : memref<128x64xf32, #tpu.memory_space<hbm>>)
          "tpu.trace_stop"() : () -> ()
        } else {
        }
        %and3A_262 = arith.constant true
        %and3A_263 = arith.andi %and3A_258, %and3A_262 : i1
        %add3A_264 = arith.constant 1 : i32
        %add3A_265 = arith.addi %scan3A_143, %add3A_264 : i32
        %select_n3A_266 = arith.select %and3A_263, %add3A_265, %scan3A_143 : i32
        %ne3A_267 = arith.cmpi ne, %add3A_149, %add3A_167 : i32
        %or3A_268 = arith.constant false
        %or3A_269 = arith.ori %or3A_268, %ne3A_267 : i1
        %or3A_270 = arith.ori %or3A_269, %eq3A_148 : i1
        %add3A_271 = arith.constant 1 : i32
        %add3A_272 = arith.addi %scan3A_141, %add3A_271 : i32
        %select_n3A_273 = arith.select %or3A_270, %add3A_272, %scan3A_141 : i32
        %add3A_274 = arith.constant 1 : i32
        %add3A_275 = arith.addi %scan3A_144, %add3A_274 : i32
        %select_n3A_276 = arith.constant true
        %select_n3A_277 = arith.select %select_n3A_276, %add3A_275, %scan3A_144 : i32
        %eq3A_278 = arith.constant 20 : i32
        %eq3A_279 = arith.cmpi eq, %select_n3A_277, %eq3A_278 : i32
        %select_n3A_280 = arith.constant 0 : i32
        %select_n3A_281 = arith.select %eq3A_279, %select_n3A_280, %select_n3A_277 : i32
        scf.yield %select_n3A_185, %select_n3A_273, %select_n3A_239, %select_n3A_266, %select_n3A_281 : i32, i32, i32, i32, i32
      }
      %scan3A_86 = arith.constant 20 : i32
      %sub3A = arith.constant 1 : i32
      %sub3A_87 = arith.subi %scan3A_85#4, %sub3A : i32
      %select_n3A_88 = arith.constant true
      %select_n3A_89 = arith.select %select_n3A_88, %sub3A_87, %scan3A_85#4 : i32
      %eq3A_90 = arith.constant -1 : i32
      %eq3A_91 = arith.cmpi eq, %select_n3A_89, %eq3A_90 : i32
      %select_n3A_92 = arith.constant 19 : i32
      %select_n3A_93 = arith.select %eq3A_91, %select_n3A_92, %select_n3A_89 : i32
      %add3A_94 = arith.addi %select_n3A_93, %mul3A_6 : i32
      %sub3A_95 = arith.constant 1 : i32
      %sub3A_96 = arith.subi %select_n3A_93, %sub3A_95 : i32
      %select_n3A_97 = arith.constant true
      %select_n3A_98 = arith.select %select_n3A_97, %sub3A_96, %select_n3A_93 : i32
      %eq3A_99 = arith.constant -1 : i32
      %eq3A_100 = arith.cmpi eq, %select_n3A_98, %eq3A_99 : i32
      %select_n3A_101 = arith.constant 19 : i32
      %select_n3A_102 = arith.select %eq3A_100, %select_n3A_101, %select_n3A_98 : i32
      %add3A_103 = arith.addi %select_n3A_102, %mul3A_6 : i32
      %add3A_104 = arith.constant 1 : i32
      %add3A_105 = arith.addi %select_n3A_93, %add3A_104 : i32
      %select_n3A_106 = arith.constant true
      %select_n3A_107 = arith.select %select_n3A_106, %add3A_105, %select_n3A_93 : i32
      %eq3A_108 = arith.constant 20 : i32
      %eq3A_109 = arith.cmpi eq, %select_n3A_107, %eq3A_108 : i32
      %select_n3A_110 = arith.constant 0 : i32
      %select_n3A_111 = arith.select %eq3A_109, %select_n3A_110, %select_n3A_107 : i32
      %add3A_112 = arith.addi %select_n3A_111, %mul3A_6 : i32
      %add3A_113 = arith.constant 1 : i32
      %add3A_114 = arith.addi %select_n3A_111, %add3A_113 : i32
      %select_n3A_115 = arith.constant true
      %select_n3A_116 = arith.select %select_n3A_115, %add3A_114, %select_n3A_111 : i32
      %eq3A_117 = arith.constant 20 : i32
      %eq3A_118 = arith.cmpi eq, %select_n3A_116, %eq3A_117 : i32
      %select_n3A_119 = arith.constant 0 : i32
      %select_n3A_120 = arith.select %eq3A_118, %select_n3A_119, %select_n3A_116 : i32
      %add3A_121 = arith.addi %select_n3A_120, %mul3A_6 : i32
      "tpu.trace_start"() <{level = 10 : i32, message = "ep_finalize"}> : () -> ()
      %rem3A_122 = arith.constant 2 : i32
      %rem3A_123 = arith.remui %scan3A_85#3, %rem3A_122 : i32
      %mul3A_124 = arith.constant 128 : i32
      %mul3A_125 = arith.muli %mul3A_124, %add3A_94 : i32
      %dma_wait3A = arith.constant 0 : i32
      %dma_wait3A_126 = arith.constant 0 : i32
      %dma_wait3A_127 = tpu.memref_slice %run_scoped3A_26[%rem3A_123, %dma_wait3A, %dma_wait3A_126] : memref<2x128x64xf32, #tpu.memory_space<vmem>> -> memref<1x128x64xf32, #tpu.memory_space<vmem>>
      %dma_wait3A_128 = tpu.memref_squeeze %dma_wait3A_127 : memref<1x128x64xf32, #tpu.memory_space<vmem>> -> memref<128x64xf32, #tpu.memory_space<vmem>>
      %dma_wait3A_129 = arith.constant 0 : i32
      %dma_wait3A_130 = tpu.memref_slice %arg6[%mul3A_125, %dma_wait3A_129] : memref<81920x64xf32, #tpu.memory_space<hbm>> -> memref<128x64xf32, #tpu.memory_space<hbm>>
      %dma_wait3A_131 = tpu.memref_slice %run_scoped3A_27[%rem3A_123] : memref<2x!tpu.dma_semaphore, #tpu.memory_space<semaphore_mem>> -> memref<1x!tpu.dma_semaphore, #tpu.memory_space<semaphore_mem>>
      %dma_wait3A_132 = tpu.memref_squeeze %dma_wait3A_131 : memref<1x!tpu.dma_semaphore, #tpu.memory_space<semaphore_mem>> -> memref<!tpu.dma_semaphore, #tpu.memory_space<semaphore_mem>>
      %dma_wait3A_133 = arith.constant 0 : i32
      %dma_wait3A_134 = tpu.memref_slice %arg6[%mul3A_125, %dma_wait3A_133] : memref<81920x64xf32, #tpu.memory_space<hbm>> -> memref<128x64xf32, #tpu.memory_space<hbm>>
      %dma_wait3A_135 = arith.constant 0 : i32
      %dma_wait3A_136 = arith.constant 0 : i32
      %dma_wait3A_137 = tpu.memref_slice %run_scoped3A_26[%rem3A_123, %dma_wait3A_135, %dma_wait3A_136] : memref<2x128x64xf32, #tpu.memory_space<vmem>> -> memref<1x128x64xf32, #tpu.memory_space<vmem>>
      %dma_wait3A_138 = tpu.memref_squeeze %dma_wait3A_137 : memref<1x128x64xf32, #tpu.memory_space<vmem>> -> memref<128x64xf32, #tpu.memory_space<vmem>>
      tpu.wait_dma2 semaphore(%dma_wait3A_132 : memref<!tpu.dma_semaphore, #tpu.memory_space<semaphore_mem>>) src(%dma_wait3A_138 : memref<128x64xf32, #tpu.memory_space<vmem>>) dst(%dma_wait3A_134 : memref<128x64xf32, #tpu.memory_space<hbm>>)
      "tpu.trace_stop"() : () -> ()
      tpu.yield
    }) : () -> ()
    %mul3A_7 = arith.constant 1 : i32
    %mul3A_8 = arith.muli %arg1, %mul3A_7 : i32
    %add3A_9 = arith.constant 0 : i32
    %add3A_10 = arith.addi %add3A_9, %mul3A_8 : i32
    %mul3A_11 = arith.constant 16 : i32
    %mul3A_12 = arith.muli %arg0, %mul3A_11 : i32
    %add3A_13 = arith.addi %add3A_10, %mul3A_12 : i32
    %mul3A_14 = arith.constant 20 : i32
    %mul3A_15 = arith.muli %add3A_13, %mul3A_14 : i32
    "tpu.region"() ({
      %run_scoped3A = memref.alloca() : memref<2x1x128xi32, #tpu.memory_space<vmem>>
      %run_scoped3A_25 = tpu.sem_alloc : memref<2x!tpu.dma_semaphore, #tpu.memory_space<semaphore_mem>>
      %run_scoped3A_26 = memref.alloca() : memref<2x128x64xf32, #tpu.memory_space<vmem>>
      %run_scoped3A_27 = tpu.sem_alloc : memref<2x!tpu.dma_semaphore, #tpu.memory_space<semaphore_mem>>
      %add3A_28 = arith.constant 0 : i32
      %add3A_29 = arith.addi %add3A_28, %mul3A_15 : i32
      %select_n3A = arith.constant true
      %select_n3A_30 = arith.constant 0 : i32
      %select_n3A_31 = arith.constant -1 : i32
      %select_n3A_32 = arith.select %select_n3A, %select_n3A_31, %select_n3A_30 : i32
      %eq3A = arith.constant -1 : i32
      %eq3A_33 = arith.cmpi eq, %select_n3A_32, %eq3A : i32
      %select_n3A_34 = arith.constant 19 : i32
      %select_n3A_35 = arith.select %eq3A_33, %select_n3A_34, %select_n3A_32 : i32
      %add3A_36 = arith.addi %select_n3A_35, %mul3A_15 : i32
      %select_n3A_37 = arith.constant true
      %select_n3A_38 = arith.constant 0 : i32
      %select_n3A_39 = arith.constant 1 : i32
      %select_n3A_40 = arith.select %select_n3A_37, %select_n3A_39, %select_n3A_38 : i32
      %eq3A_41 = arith.constant 20 : i32
      %eq3A_42 = arith.cmpi eq, %select_n3A_40, %eq3A_41 : i32
      %select_n3A_43 = arith.constant 0 : i32
      %select_n3A_44 = arith.select %eq3A_42, %select_n3A_43, %select_n3A_40 : i32
      %add3A_45 = arith.addi %select_n3A_44, %mul3A_15 : i32
      %add3A_46 = arith.constant 1 : i32
      %add3A_47 = arith.addi %select_n3A_44, %add3A_46 : i32
      %select_n3A_48 = arith.constant true
      %select_n3A_49 = arith.select %select_n3A_48, %add3A_47, %select_n3A_44 : i32
      %eq3A_50 = arith.constant 20 : i32
      %eq3A_51 = arith.cmpi eq, %select_n3A_49, %eq3A_50 : i32
      %select_n3A_52 = arith.constant 0 : i32
      %select_n3A_53 = arith.select %eq3A_51, %select_n3A_52, %select_n3A_49 : i32
      %add3A_54 = arith.addi %select_n3A_53, %mul3A_15 : i32
      "tpu.trace_start"() <{level = 10 : i32, message = "ep_initialize_0"}> : () -> ()
      %rem3A = arith.constant 0 : i32
      %rem3A_55 = arith.constant 2 : i32
      %rem3A_56 = arith.remui %rem3A, %rem3A_55 : i32
      %mul3A_57 = arith.constant 128 : i32
      %mul3A_58 = arith.muli %mul3A_57, %add3A_29 : i32
      %dma_start3A = arith.constant 0 : i32
      %dma_start3A_59 = arith.constant 0 : i32
      %dma_start3A_60 = tpu.memref_slice %run_scoped3A[%rem3A_56, %dma_start3A, %dma_start3A_59] : memref<2x1x128xi32, #tpu.memory_space<vmem>> -> memref<1x1x128xi32, #tpu.memory_space<vmem>>
      %dma_start3A_61 = tpu.memref_squeeze %dma_start3A_60 : memref<1x1x128xi32, #tpu.memory_space<vmem>> -> memref<1x128xi32, #tpu.memory_space<vmem>>
      %dma_start3A_62 = arith.constant 0 : i32
      %dma_start3A_63 = tpu.memref_slice %arg3[%dma_start3A_62, %mul3A_58] : memref<1x81920xi32, #tpu.memory_space<hbm>> -> memref<1x128xi32, #tpu.memory_space<hbm>>
      %dma_start3A_64 = tpu.memref_slice %run_scoped3A_25[%rem3A_56] : memref<2x!tpu.dma_semaphore, #tpu.memory_space<semaphore_mem>> -> memref<1x!tpu.dma_semaphore, #tpu.memory_space<semaphore_mem>>
      %dma_start3A_65 = tpu.memref_squeeze %dma_start3A_64 : memref<1x!tpu.dma_semaphore, #tpu.memory_space<semaphore_mem>> -> memref<!tpu.dma_semaphore, #tpu.memory_space<semaphore_mem>>
      %dma_start3A_66 = arith.constant 0 : i32
      %dma_start3A_67 = arith.constant 0 : i32
      %dma_start3A_68 = tpu.memref_slice %run_scoped3A[%rem3A_56, %dma_start3A_66, %dma_start3A_67] : memref<2x1x128xi32, #tpu.memory_space<vmem>> -> memref<1x1x128xi32, #tpu.memory_space<vmem>>
      %dma_start3A_69 = tpu.memref_squeeze %dma_start3A_68 : memref<1x1x128xi32, #tpu.memory_space<vmem>> -> memref<1x128xi32, #tpu.memory_space<vmem>>
      %dma_start3A_70 = arith.constant 0 : i32
      %dma_start3A_71 = tpu.memref_slice %arg3[%dma_start3A_70, %mul3A_58] : memref<1x81920xi32, #tpu.memory_space<hbm>> -> memref<1x128xi32, #tpu.memory_space<hbm>>
      tpu.enqueue_dma source(%dma_start3A_71 : memref<1x128xi32, #tpu.memory_space<hbm>>) target(%dma_start3A_69 : memref<1x128xi32, #tpu.memory_space<vmem>>) target_semaphore(%dma_start3A_65 : memref<!tpu.dma_semaphore, #tpu.memory_space<semaphore_mem>>)
      %add3A_72 = arith.constant 0 : i32
      %add3A_73 = arith.constant 1 : i32
      %add3A_74 = arith.addi %add3A_72, %add3A_73 : i32
      %select_n3A_75 = arith.constant true
      %select_n3A_76 = arith.constant 0 : i32
      %select_n3A_77 = arith.select %select_n3A_75, %add3A_74, %select_n3A_76 : i32
      "tpu.trace_stop"() : () -> ()
      %scan3A = arith.constant 0 : i32
      %scan3A_78 = arith.constant 0 : i32
      %scan3A_79 = arith.constant 0 : i32
      %scan3A_80 = arith.constant 0 : i32
      %scan3A_81 = arith.constant 0 : i32
      %scan3A_82 = arith.constant 20 : i32
      %scan3A_83 = arith.addi %scan3A_81, %scan3A_82 : i32
      %scan3A_84 = arith.constant 1 : i32
      %scan3A_85:5 = scf.for %scan3A_139 = %scan3A_81 to %scan3A_83 step %scan3A_84 iter_args(%scan3A_140 = %select_n3A_77, %scan3A_141 = %scan3A, %scan3A_142 = %scan3A_78, %scan3A_143 = %scan3A_79, %scan3A_144 = %scan3A_80) -> (i32, i32, i32, i32, i32)  : i32 {
        %eq3A_145 = arith.constant 0 : i32
        %eq3A_146 = arith.cmpi eq, %scan3A_139, %eq3A_145 : i32
        %eq3A_147 = arith.constant 19 : i32
        %eq3A_148 = arith.cmpi eq, %scan3A_139, %eq3A_147 : i32
        %add3A_149 = arith.addi %scan3A_144, %mul3A_15 : i32
        %sub3A_150 = arith.constant 1 : i32
        %sub3A_151 = arith.subi %scan3A_144, %sub3A_150 : i32
        %select_n3A_152 = arith.constant true
        %select_n3A_153 = arith.select %select_n3A_152, %sub3A_151, %scan3A_144 : i32
        %eq3A_154 = arith.constant -1 : i32
        %eq3A_155 = arith.cmpi eq, %select_n3A_153, %eq3A_154 : i32
        %select_n3A_156 = arith.constant 19 : i32
        %select_n3A_157 = arith.select %eq3A_155, %select_n3A_156, %select_n3A_153 : i32
        %add3A_158 = arith.addi %select_n3A_157, %mul3A_15 : i32
        %add3A_159 = arith.constant 1 : i32
        %add3A_160 = arith.addi %scan3A_144, %add3A_159 : i32
        %select_n3A_161 = arith.constant true
        %select_n3A_162 = arith.select %select_n3A_161, %add3A_160, %scan3A_144 : i32
        %eq3A_163 = arith.constant 20 : i32
        %eq3A_164 = arith.cmpi eq, %select_n3A_162, %eq3A_163 : i32
        %select_n3A_165 = arith.constant 0 : i32
        %select_n3A_166 = arith.select %eq3A_164, %select_n3A_165, %select_n3A_162 : i32
        %add3A_167 = arith.addi %select_n3A_166, %mul3A_15 : i32
        %add3A_168 = arith.constant 1 : i32
        %add3A_169 = arith.addi %select_n3A_166, %add3A_168 : i32
        %select_n3A_170 = arith.constant true
        %select_n3A_171 = arith.select %select_n3A_170, %add3A_169, %select_n3A_166 : i32
        %eq3A_172 = arith.constant 20 : i32
        %eq3A_173 = arith.cmpi eq, %select_n3A_171, %eq3A_172 : i32
        %select_n3A_174 = arith.constant 0 : i32
        %select_n3A_175 = arith.select %eq3A_173, %select_n3A_174, %select_n3A_171 : i32
        %add3A_176 = arith.addi %select_n3A_175, %mul3A_15 : i32
        %ne3A = arith.cmpi ne, %add3A_149, %add3A_167 : i32
        %or3A = arith.constant false
        %or3A_177 = arith.ori %or3A, %ne3A : i1
        %ge3A = arith.constant 19 : i32
        %ge3A_178 = arith.cmpi sge, %scan3A_139, %ge3A : i32
        %not3A = arith.constant true
        %not3A_179 = arith.xori %ge3A_178, %not3A : i1
        %and3A = arith.andi %or3A_177, %not3A_179 : i1
        %convert_element_type3A = arith.extui %and3A : i1 to i32
        %cond3A = arith.constant 0 : i32
        %cond3A_180 = arith.cmpi ne, %convert_element_type3A, %cond3A : i32
        scf.if %cond3A_180 {
          "tpu.trace_start"() <{level = 10 : i32, message = "ep_copy_in"}> : () -> ()
          %rem3A_282 = arith.constant 2 : i32
          %rem3A_283 = arith.remui %scan3A_140, %rem3A_282 : i32
          %mul3A_284 = arith.constant 128 : i32
          %mul3A_285 = arith.muli %mul3A_284, %add3A_167 : i32
          %dma_start3A_286 = arith.constant 0 : i32
          %dma_start3A_287 = arith.constant 0 : i32
          %dma_start3A_288 = tpu.memref_slice %run_scoped3A[%rem3A_283, %dma_start3A_286, %dma_start3A_287] : memref<2x1x128xi32, #tpu.memory_space<vmem>> -> memref<1x1x128xi32, #tpu.memory_space<vmem>>
          %dma_start3A_289 = tpu.memref_squeeze %dma_start3A_288 : memref<1x1x128xi32, #tpu.memory_space<vmem>> -> memref<1x128xi32, #tpu.memory_space<vmem>>
          %dma_start3A_290 = arith.constant 0 : i32
          %dma_start3A_291 = tpu.memref_slice %arg3[%dma_start3A_290, %mul3A_285] : memref<1x81920xi32, #tpu.memory_space<hbm>> -> memref<1x128xi32, #tpu.memory_space<hbm>>
          %dma_start3A_292 = tpu.memref_slice %run_scoped3A_25[%rem3A_283] : memref<2x!tpu.dma_semaphore, #tpu.memory_space<semaphore_mem>> -> memref<1x!tpu.dma_semaphore, #tpu.memory_space<semaphore_mem>>
          %dma_start3A_293 = tpu.memref_squeeze %dma_start3A_292 : memref<1x!tpu.dma_semaphore, #tpu.memory_space<semaphore_mem>> -> memref<!tpu.dma_semaphore, #tpu.memory_space<semaphore_mem>>
          %dma_start3A_294 = arith.constant 0 : i32
          %dma_start3A_295 = arith.constant 0 : i32
          %dma_start3A_296 = tpu.memref_slice %run_scoped3A[%rem3A_283, %dma_start3A_294, %dma_start3A_295] : memref<2x1x128xi32, #tpu.memory_space<vmem>> -> memref<1x1x128xi32, #tpu.memory_space<vmem>>
          %dma_start3A_297 = tpu.memref_squeeze %dma_start3A_296 : memref<1x1x128xi32, #tpu.memory_space<vmem>> -> memref<1x128xi32, #tpu.memory_space<vmem>>
          %dma_start3A_298 = arith.constant 0 : i32
          %dma_start3A_299 = tpu.memref_slice %arg3[%dma_start3A_298, %mul3A_285] : memref<1x81920xi32, #tpu.memory_space<hbm>> -> memref<1x128xi32, #tpu.memory_space<hbm>>
          tpu.enqueue_dma source(%dma_start3A_299 : memref<1x128xi32, #tpu.memory_space<hbm>>) target(%dma_start3A_297 : memref<1x128xi32, #tpu.memory_space<vmem>>) target_semaphore(%dma_start3A_293 : memref<!tpu.dma_semaphore, #tpu.memory_space<semaphore_mem>>)
          "tpu.trace_stop"() : () -> ()
        } else {
        }
        %and3A_181 = arith.constant true
        %and3A_182 = arith.andi %and3A, %and3A_181 : i1
        %add3A_183 = arith.constant 1 : i32
        %add3A_184 = arith.addi %scan3A_140, %add3A_183 : i32
        %select_n3A_185 = arith.select %and3A_182, %add3A_184, %scan3A_140 : i32
        %ne3A_186 = arith.cmpi ne, %add3A_149, %add3A_167 : i32
        %or3A_187 = arith.constant false
        %or3A_188 = arith.ori %or3A_187, %ne3A_186 : i1
        %or3A_189 = arith.constant false
        %or3A_190 = arith.ori %or3A_188, %or3A_189 : i1
        %ge3A_191 = arith.constant 19 : i32
        %ge3A_192 = arith.cmpi sge, %scan3A_139, %ge3A_191 : i32
        %not3A_193 = arith.constant true
        %not3A_194 = arith.xori %ge3A_192, %not3A_193 : i1
        %and3A_195 = arith.andi %or3A_190, %not3A_194 : i1
        %ne3A_196 = arith.cmpi ne, %add3A_149, %add3A_158 : i32
        %or3A_197 = arith.constant false
        %or3A_198 = arith.ori %or3A_197, %ne3A_196 : i1
        %or3A_199 = arith.ori %or3A_198, %eq3A_146 : i1
        %convert_element_type3A_200 = arith.extui %or3A_199 : i1 to i32
        %cond3A_201 = arith.constant 0 : i32
        %cond3A_202 = arith.cmpi ne, %convert_element_type3A_200, %cond3A_201 : i32
        scf.if %cond3A_202 {
          "tpu.trace_start"() <{level = 10 : i32, message = "ep_wait_in"}> : () -> ()
          %mul3A_282 = arith.constant 128 : i32
          %mul3A_283 = arith.muli %mul3A_282, %add3A_149 : i32
          %rem3A_284 = arith.constant 2 : i32
          %rem3A_285 = arith.remui %scan3A_141, %rem3A_284 : i32
          %dma_wait3A_286 = arith.constant 0 : i32
          %dma_wait3A_287 = arith.constant 0 : i32
          %dma_wait3A_288 = tpu.memref_slice %run_scoped3A[%rem3A_285, %dma_wait3A_286, %dma_wait3A_287] : memref<2x1x128xi32, #tpu.memory_space<vmem>> -> memref<1x1x128xi32, #tpu.memory_space<vmem>>
          %dma_wait3A_289 = tpu.memref_squeeze %dma_wait3A_288 : memref<1x1x128xi32, #tpu.memory_space<vmem>> -> memref<1x128xi32, #tpu.memory_space<vmem>>
          %dma_wait3A_290 = arith.constant 0 : i32
          %dma_wait3A_291 = tpu.memref_slice %arg3[%dma_wait3A_290, %mul3A_283] : memref<1x81920xi32, #tpu.memory_space<hbm>> -> memref<1x128xi32, #tpu.memory_space<hbm>>
          %dma_wait3A_292 = tpu.memref_slice %run_scoped3A_25[%rem3A_285] : memref<2x!tpu.dma_semaphore, #tpu.memory_space<semaphore_mem>> -> memref<1x!tpu.dma_semaphore, #tpu.memory_space<semaphore_mem>>
          %dma_wait3A_293 = tpu.memref_squeeze %dma_wait3A_292 : memref<1x!tpu.dma_semaphore, #tpu.memory_space<semaphore_mem>> -> memref<!tpu.dma_semaphore, #tpu.memory_space<semaphore_mem>>
          %dma_wait3A_294 = arith.constant 0 : i32
          %dma_wait3A_295 = arith.constant 0 : i32
          %dma_wait3A_296 = tpu.memref_slice %run_scoped3A[%rem3A_285, %dma_wait3A_294, %dma_wait3A_295] : memref<2x1x128xi32, #tpu.memory_space<vmem>> -> memref<1x1x128xi32, #tpu.memory_space<vmem>>
          %dma_wait3A_297 = tpu.memref_squeeze %dma_wait3A_296 : memref<1x1x128xi32, #tpu.memory_space<vmem>> -> memref<1x128xi32, #tpu.memory_space<vmem>>
          %dma_wait3A_298 = arith.constant 0 : i32
          %dma_wait3A_299 = tpu.memref_slice %arg3[%dma_wait3A_298, %mul3A_283] : memref<1x81920xi32, #tpu.memory_space<hbm>> -> memref<1x128xi32, #tpu.memory_space<hbm>>
          tpu.wait_dma2 semaphore(%dma_wait3A_293 : memref<!tpu.dma_semaphore, #tpu.memory_space<semaphore_mem>>) src(%dma_wait3A_299 : memref<1x128xi32, #tpu.memory_space<hbm>>) dst(%dma_wait3A_297 : memref<1x128xi32, #tpu.memory_space<vmem>>)
          "tpu.trace_stop"() : () -> ()
        } else {
        }
        %ne3A_203 = arith.cmpi ne, %add3A_149, %add3A_158 : i32
        %or3A_204 = arith.constant false
        %or3A_205 = arith.ori %or3A_204, %ne3A_203 : i1
        %or3A_206 = arith.constant false
        %or3A_207 = arith.ori %or3A_205, %or3A_206 : i1
        %or3A_208 = arith.ori %or3A_207, %eq3A_146 : i1
        %convert_element_type3A_209 = arith.extui %or3A_208 : i1 to i32
        %cond3A_210 = arith.constant 0 : i32
        %cond3A_211 = arith.cmpi ne, %convert_element_type3A_209, %cond3A_210 : i32
        scf.if %cond3A_211 {
        } else {
        }
        %rem3A_212 = arith.constant 2 : i32
        %rem3A_213 = arith.remui %scan3A_141, %rem3A_212 : i32
        %rem3A_214 = arith.constant 2 : i32
        %rem3A_215 = arith.remui %scan3A_142, %rem3A_214 : i32
        %run_scoped3A_216 = arith.constant 0 : i32
        "tpu.trace_start"() <{level = 10 : i32, message = "ep_run_kernel"}> : () -> ()
        "tpu.region"() ({
          %run_scoped3A_282 = tpu.sem_alloc : memref<!tpu.dma_semaphore, #tpu.memory_space<semaphore_mem>>
          %dma_start3A_283 = arith.constant 0 : i32
          %dma_start3A_284 = arith.constant 0 : i32
          %dma_start3A_285 = tpu.memref_slice %run_scoped3A_26[%rem3A_215, %dma_start3A_283, %dma_start3A_284] : memref<2x128x64xf32, #tpu.memory_space<vmem>> -> memref<1x128x64xf32, #tpu.memory_space<vmem>>
          %dma_start3A_286 = tpu.memref_squeeze %dma_start3A_285 : memref<1x128x64xf32, #tpu.memory_space<vmem>> -> memref<128x64xf32, #tpu.memory_space<vmem>>
          %dma_start3A_287 = arith.constant 0 : i32
          %dma_start3A_288 = arith.constant 0 : i32
          %dma_start3A_289 = tpu.memref_slice %run_scoped3A[%rem3A_213, %dma_start3A_287, %dma_start3A_288] : memref<2x1x128xi32, #tpu.memory_space<vmem>> -> memref<1x1x128xi32, #tpu.memory_space<vmem>>
          %dma_start3A_290 = tpu.memref_squeeze %dma_start3A_289 : memref<1x1x128xi32, #tpu.memory_space<vmem>> -> memref<1x128xi32, #tpu.memory_space<vmem>>
          %dma_start3A_291 = arith.constant 0 : i32
          %dma_start3A_292 = tpu.memref_slice %dma_start3A_290[%run_scoped3A_216, %dma_start3A_291] : memref<1x128xi32, #tpu.memory_space<vmem>> -> memref<1x128xi32, #tpu.memory_space<vmem>>
          %dma_start3A_293 = tpu.memref_squeeze %dma_start3A_292 : memref<1x128xi32, #tpu.memory_space<vmem>> -> memref<128xi32, #tpu.memory_space<vmem>>
          %dma_start3A_294 = arith.constant 0 : i32
          %dma_start3A_295 = arith.constant 0 : i32
          %dma_start3A_296 = tpu.memref_slice %arg5[%dma_start3A_294, %dma_start3A_295] : memref<2015232x64xf32, #tpu.memory_space<hbm>> -> memref<2015232x64xf32, #tpu.memory_space<hbm>>
          tpu.enqueue_indirect_dma source(%dma_start3A_296 : memref<2015232x64xf32, #tpu.memory_space<hbm>>) target(%dma_start3A_286 : memref<128x64xf32, #tpu.memory_space<vmem>>) offsets(%dma_start3A_293 : memref<128xi32, #tpu.memory_space<vmem>>) semaphore(%run_scoped3A_282 : memref<!tpu.dma_semaphore, #tpu.memory_space<semaphore_mem>>)
          %dma_wait3A_297 = arith.constant 0 : i32
          %dma_wait3A_298 = arith.constant 0 : i32
          %dma_wait3A_299 = tpu.memref_slice %run_scoped3A_26[%rem3A_215, %dma_wait3A_297, %dma_wait3A_298] : memref<2x128x64xf32, #tpu.memory_space<vmem>> -> memref<1x128x64xf32, #tpu.memory_space<vmem>>
          %dma_wait3A_300 = tpu.memref_squeeze %dma_wait3A_299 : memref<1x128x64xf32, #tpu.memory_space<vmem>> -> memref<128x64xf32, #tpu.memory_space<vmem>>
          %dma_wait3A_301 = arith.constant 0 : i32
          %dma_wait3A_302 = arith.constant 0 : i32
          %dma_wait3A_303 = tpu.memref_slice %run_scoped3A[%rem3A_213, %dma_wait3A_301, %dma_wait3A_302] : memref<2x1x128xi32, #tpu.memory_space<vmem>> -> memref<1x1x128xi32, #tpu.memory_space<vmem>>
          %dma_wait3A_304 = tpu.memref_squeeze %dma_wait3A_303 : memref<1x1x128xi32, #tpu.memory_space<vmem>> -> memref<1x128xi32, #tpu.memory_space<vmem>>
          %dma_wait3A_305 = arith.constant 0 : i32
          %dma_wait3A_306 = tpu.memref_slice %dma_wait3A_304[%run_scoped3A_216, %dma_wait3A_305] : memref<1x128xi32, #tpu.memory_space<vmem>> -> memref<1x128xi32, #tpu.memory_space<vmem>>
          %dma_wait3A_307 = tpu.memref_squeeze %dma_wait3A_306 : memref<1x128xi32, #tpu.memory_space<vmem>> -> memref<128xi32, #tpu.memory_space<vmem>>
          %dma_wait3A_308 = arith.constant 0 : i32
          %dma_wait3A_309 = arith.constant 0 : i32
          %dma_wait3A_310 = tpu.memref_slice %arg5[%dma_wait3A_308, %dma_wait3A_309] : memref<2015232x64xf32, #tpu.memory_space<hbm>> -> memref<2015232x64xf32, #tpu.memory_space<hbm>>
          tpu.wait_indirect_dma semaphore(%run_scoped3A_282 : memref<!tpu.dma_semaphore, #tpu.memory_space<semaphore_mem>>) src(%dma_wait3A_310 : memref<2015232x64xf32, #tpu.memory_space<hbm>>) dst(%dma_wait3A_300 : memref<128x64xf32, #tpu.memory_space<vmem>>)
          tpu.yield
        }) : () -> ()
        "tpu.trace_stop"() : () -> ()
        %ne3A_217 = arith.cmpi ne, %add3A_149, %add3A_167 : i32
        %or3A_218 = arith.constant false
        %or3A_219 = arith.ori %or3A_218, %ne3A_217 : i1
        %or3A_220 = arith.ori %or3A_219, %eq3A_148 : i1
        %convert_element_type3A_221 = arith.extui %or3A_220 : i1 to i32
        %cond3A_222 = arith.constant 0 : i32
        %cond3A_223 = arith.cmpi ne, %convert_element_type3A_221, %cond3A_222 : i32
        scf.if %cond3A_223 {
        } else {
        }
        %and3A_224 = arith.constant false
        %and3A_225 = arith.andi %or3A_220, %and3A_224 : i1
        %ne3A_226 = arith.cmpi ne, %add3A_149, %add3A_167 : i32
        %or3A_227 = arith.constant false
        %or3A_228 = arith.ori %or3A_227, %ne3A_226 : i1
        %or3A_229 = arith.constant false
        %or3A_230 = arith.ori %or3A_228, %or3A_229 : i1
        %or3A_231 = arith.ori %or3A_230, %eq3A_148 : i1
        %convert_element_type3A_232 = arith.extui %or3A_231 : i1 to i32
        %cond3A_233 = arith.constant 0 : i32
        %cond3A_234 = arith.cmpi ne, %convert_element_type3A_232, %cond3A_233 : i32
        scf.if %cond3A_234 {
          "tpu.trace_start"() <{level = 10 : i32, message = "ep_copy_out"}> : () -> ()
          %rem3A_282 = arith.constant 2 : i32
          %rem3A_283 = arith.remui %scan3A_142, %rem3A_282 : i32
          %mul3A_284 = arith.constant 128 : i32
          %mul3A_285 = arith.muli %mul3A_284, %add3A_149 : i32
          %dma_start3A_286 = arith.constant 0 : i32
          %dma_start3A_287 = arith.constant 0 : i32
          %dma_start3A_288 = tpu.memref_slice %run_scoped3A_26[%rem3A_283, %dma_start3A_286, %dma_start3A_287] : memref<2x128x64xf32, #tpu.memory_space<vmem>> -> memref<1x128x64xf32, #tpu.memory_space<vmem>>
          %dma_start3A_289 = tpu.memref_squeeze %dma_start3A_288 : memref<1x128x64xf32, #tpu.memory_space<vmem>> -> memref<128x64xf32, #tpu.memory_space<vmem>>
          %dma_start3A_290 = arith.constant 0 : i32
          %dma_start3A_291 = tpu.memref_slice %arg7[%mul3A_285, %dma_start3A_290] : memref<81920x64xf32, #tpu.memory_space<hbm>> -> memref<128x64xf32, #tpu.memory_space<hbm>>
          %dma_start3A_292 = tpu.memref_slice %run_scoped3A_27[%rem3A_283] : memref<2x!tpu.dma_semaphore, #tpu.memory_space<semaphore_mem>> -> memref<1x!tpu.dma_semaphore, #tpu.memory_space<semaphore_mem>>
          %dma_start3A_293 = tpu.memref_squeeze %dma_start3A_292 : memref<1x!tpu.dma_semaphore, #tpu.memory_space<semaphore_mem>> -> memref<!tpu.dma_semaphore, #tpu.memory_space<semaphore_mem>>
          %dma_start3A_294 = arith.constant 0 : i32
          %dma_start3A_295 = tpu.memref_slice %arg7[%mul3A_285, %dma_start3A_294] : memref<81920x64xf32, #tpu.memory_space<hbm>> -> memref<128x64xf32, #tpu.memory_space<hbm>>
          %dma_start3A_296 = arith.constant 0 : i32
          %dma_start3A_297 = arith.constant 0 : i32
          %dma_start3A_298 = tpu.memref_slice %run_scoped3A_26[%rem3A_283, %dma_start3A_296, %dma_start3A_297] : memref<2x128x64xf32, #tpu.memory_space<vmem>> -> memref<1x128x64xf32, #tpu.memory_space<vmem>>
          %dma_start3A_299 = tpu.memref_squeeze %dma_start3A_298 : memref<1x128x64xf32, #tpu.memory_space<vmem>> -> memref<128x64xf32, #tpu.memory_space<vmem>>
          tpu.enqueue_dma source(%dma_start3A_299 : memref<128x64xf32, #tpu.memory_space<vmem>>) target(%dma_start3A_295 : memref<128x64xf32, #tpu.memory_space<hbm>>) target_semaphore(%dma_start3A_293 : memref<!tpu.dma_semaphore, #tpu.memory_space<semaphore_mem>>)
          "tpu.trace_stop"() : () -> ()
        } else {
        }
        %and3A_235 = arith.constant true
        %and3A_236 = arith.andi %or3A_231, %and3A_235 : i1
        %add3A_237 = arith.constant 1 : i32
        %add3A_238 = arith.addi %scan3A_142, %add3A_237 : i32
        %select_n3A_239 = arith.select %and3A_236, %add3A_238, %scan3A_142 : i32
        %ne3A_240 = arith.cmpi ne, %add3A_149, %add3A_158 : i32
        %or3A_241 = arith.constant false
        %or3A_242 = arith.ori %or3A_241, %ne3A_240 : i1
        %not3A_243 = arith.constant true
        %not3A_244 = arith.xori %eq3A_146, %not3A_243 : i1
        %and3A_245 = arith.andi %or3A_242, %not3A_244 : i1
        %convert_element_type3A_246 = arith.extui %and3A_245 : i1 to i32
        %cond3A_247 = arith.constant 0 : i32
        %cond3A_248 = arith.cmpi ne, %convert_element_type3A_246, %cond3A_247 : i32
        scf.if %cond3A_248 {
        } else {
        }
        %and3A_249 = arith.constant false
        %and3A_250 = arith.andi %and3A_245, %and3A_249 : i1
        %ne3A_251 = arith.cmpi ne, %add3A_149, %add3A_158 : i32
        %or3A_252 = arith.constant false
        %or3A_253 = arith.ori %or3A_252, %ne3A_251 : i1
        %or3A_254 = arith.constant false
        %or3A_255 = arith.ori %or3A_253, %or3A_254 : i1
        %not3A_256 = arith.constant true
        %not3A_257 = arith.xori %eq3A_146, %not3A_256 : i1
        %and3A_258 = arith.andi %or3A_255, %not3A_257 : i1
        %convert_element_type3A_259 = arith.extui %and3A_258 : i1 to i32
        %cond3A_260 = arith.constant 0 : i32
        %cond3A_261 = arith.cmpi ne, %convert_element_type3A_259, %cond3A_260 : i32
        scf.if %cond3A_261 {
          "tpu.trace_start"() <{level = 10 : i32, message = "ep_wait_out"}> : () -> ()
          %rem3A_282 = arith.constant 2 : i32
          %rem3A_283 = arith.remui %scan3A_143, %rem3A_282 : i32
          %mul3A_284 = arith.constant 128 : i32
          %mul3A_285 = arith.muli %mul3A_284, %add3A_158 : i32
          %dma_wait3A_286 = arith.constant 0 : i32
          %dma_wait3A_287 = arith.constant 0 : i32
          %dma_wait3A_288 = tpu.memref_slice %run_scoped3A_26[%rem3A_283, %dma_wait3A_286, %dma_wait3A_287] : memref<2x128x64xf32, #tpu.memory_space<vmem>> -> memref<1x128x64xf32, #tpu.memory_space<vmem>>
          %dma_wait3A_289 = tpu.memref_squeeze %dma_wait3A_288 : memref<1x128x64xf32, #tpu.memory_space<vmem>> -> memref<128x64xf32, #tpu.memory_space<vmem>>
          %dma_wait3A_290 = arith.constant 0 : i32
          %dma_wait3A_291 = tpu.memref_slice %arg7[%mul3A_285, %dma_wait3A_290] : memref<81920x64xf32, #tpu.memory_space<hbm>> -> memref<128x64xf32, #tpu.memory_space<hbm>>
          %dma_wait3A_292 = tpu.memref_slice %run_scoped3A_27[%rem3A_283] : memref<2x!tpu.dma_semaphore, #tpu.memory_space<semaphore_mem>> -> memref<1x!tpu.dma_semaphore, #tpu.memory_space<semaphore_mem>>
          %dma_wait3A_293 = tpu.memref_squeeze %dma_wait3A_292 : memref<1x!tpu.dma_semaphore, #tpu.memory_space<semaphore_mem>> -> memref<!tpu.dma_semaphore, #tpu.memory_space<semaphore_mem>>
          %dma_wait3A_294 = arith.constant 0 : i32
          %dma_wait3A_295 = tpu.memref_slice %arg7[%mul3A_285, %dma_wait3A_294] : memref<81920x64xf32, #tpu.memory_space<hbm>> -> memref<128x64xf32, #tpu.memory_space<hbm>>
          %dma_wait3A_296 = arith.constant 0 : i32
          %dma_wait3A_297 = arith.constant 0 : i32
          %dma_wait3A_298 = tpu.memref_slice %run_scoped3A_26[%rem3A_283, %dma_wait3A_296, %dma_wait3A_297] : memref<2x128x64xf32, #tpu.memory_space<vmem>> -> memref<1x128x64xf32, #tpu.memory_space<vmem>>
          %dma_wait3A_299 = tpu.memref_squeeze %dma_wait3A_298 : memref<1x128x64xf32, #tpu.memory_space<vmem>> -> memref<128x64xf32, #tpu.memory_space<vmem>>
          tpu.wait_dma2 semaphore(%dma_wait3A_293 : memref<!tpu.dma_semaphore, #tpu.memory_space<semaphore_mem>>) src(%dma_wait3A_299 : memref<128x64xf32, #tpu.memory_space<vmem>>) dst(%dma_wait3A_295 : memref<128x64xf32, #tpu.memory_space<hbm>>)
          "tpu.trace_stop"() : () -> ()
        } else {
        }
        %and3A_262 = arith.constant true
        %and3A_263 = arith.andi %and3A_258, %and3A_262 : i1
        %add3A_264 = arith.constant 1 : i32
        %add3A_265 = arith.addi %scan3A_143, %add3A_264 : i32
        %select_n3A_266 = arith.select %and3A_263, %add3A_265, %scan3A_143 : i32
        %ne3A_267 = arith.cmpi ne, %add3A_149, %add3A_167 : i32
        %or3A_268 = arith.constant false
        %or3A_269 = arith.ori %or3A_268, %ne3A_267 : i1
        %or3A_270 = arith.ori %or3A_269, %eq3A_148 : i1
        %add3A_271 = arith.constant 1 : i32
        %add3A_272 = arith.addi %scan3A_141, %add3A_271 : i32
        %select_n3A_273 = arith.select %or3A_270, %add3A_272, %scan3A_141 : i32
        %add3A_274 = arith.constant 1 : i32
        %add3A_275 = arith.addi %scan3A_144, %add3A_274 : i32
        %select_n3A_276 = arith.constant true
        %select_n3A_277 = arith.select %select_n3A_276, %add3A_275, %scan3A_144 : i32
        %eq3A_278 = arith.constant 20 : i32
        %eq3A_279 = arith.cmpi eq, %select_n3A_277, %eq3A_278 : i32
        %select_n3A_280 = arith.constant 0 : i32
        %select_n3A_281 = arith.select %eq3A_279, %select_n3A_280, %select_n3A_277 : i32
        scf.yield %select_n3A_185, %select_n3A_273, %select_n3A_239, %select_n3A_266, %select_n3A_281 : i32, i32, i32, i32, i32
      }
      %scan3A_86 = arith.constant 20 : i32
      %sub3A = arith.constant 1 : i32
      %sub3A_87 = arith.subi %scan3A_85#4, %sub3A : i32
      %select_n3A_88 = arith.constant true
      %select_n3A_89 = arith.select %select_n3A_88, %sub3A_87, %scan3A_85#4 : i32
      %eq3A_90 = arith.constant -1 : i32
      %eq3A_91 = arith.cmpi eq, %select_n3A_89, %eq3A_90 : i32
      %select_n3A_92 = arith.constant 19 : i32
      %select_n3A_93 = arith.select %eq3A_91, %select_n3A_92, %select_n3A_89 : i32
      %add3A_94 = arith.addi %select_n3A_93, %mul3A_15 : i32
      %sub3A_95 = arith.constant 1 : i32
      %sub3A_96 = arith.subi %select_n3A_93, %sub3A_95 : i32
      %select_n3A_97 = arith.constant true
      %select_n3A_98 = arith.select %select_n3A_97, %sub3A_96, %select_n3A_93 : i32
      %eq3A_99 = arith.constant -1 : i32
      %eq3A_100 = arith.cmpi eq, %select_n3A_98, %eq3A_99 : i32
      %select_n3A_101 = arith.constant 19 : i32
      %select_n3A_102 = arith.select %eq3A_100, %select_n3A_101, %select_n3A_98 : i32
      %add3A_103 = arith.addi %select_n3A_102, %mul3A_15 : i32
      %add3A_104 = arith.constant 1 : i32
      %add3A_105 = arith.addi %select_n3A_93, %add3A_104 : i32
      %select_n3A_106 = arith.constant true
      %select_n3A_107 = arith.select %select_n3A_106, %add3A_105, %select_n3A_93 : i32
      %eq3A_108 = arith.constant 20 : i32
      %eq3A_109 = arith.cmpi eq, %select_n3A_107, %eq3A_108 : i32
      %select_n3A_110 = arith.constant 0 : i32
      %select_n3A_111 = arith.select %eq3A_109, %select_n3A_110, %select_n3A_107 : i32
      %add3A_112 = arith.addi %select_n3A_111, %mul3A_15 : i32
      %add3A_113 = arith.constant 1 : i32
      %add3A_114 = arith.addi %select_n3A_111, %add3A_113 : i32
      %select_n3A_115 = arith.constant true
      %select_n3A_116 = arith.select %select_n3A_115, %add3A_114, %select_n3A_111 : i32
      %eq3A_117 = arith.constant 20 : i32
      %eq3A_118 = arith.cmpi eq, %select_n3A_116, %eq3A_117 : i32
      %select_n3A_119 = arith.constant 0 : i32
      %select_n3A_120 = arith.select %eq3A_118, %select_n3A_119, %select_n3A_116 : i32
      %add3A_121 = arith.addi %select_n3A_120, %mul3A_15 : i32
      "tpu.trace_start"() <{level = 10 : i32, message = "ep_finalize"}> : () -> ()
      %rem3A_122 = arith.constant 2 : i32
      %rem3A_123 = arith.remui %scan3A_85#3, %rem3A_122 : i32
      %mul3A_124 = arith.constant 128 : i32
      %mul3A_125 = arith.muli %mul3A_124, %add3A_94 : i32
      %dma_wait3A = arith.constant 0 : i32
      %dma_wait3A_126 = arith.constant 0 : i32
      %dma_wait3A_127 = tpu.memref_slice %run_scoped3A_26[%rem3A_123, %dma_wait3A, %dma_wait3A_126] : memref<2x128x64xf32, #tpu.memory_space<vmem>> -> memref<1x128x64xf32, #tpu.memory_space<vmem>>
      %dma_wait3A_128 = tpu.memref_squeeze %dma_wait3A_127 : memref<1x128x64xf32, #tpu.memory_space<vmem>> -> memref<128x64xf32, #tpu.memory_space<vmem>>
      %dma_wait3A_129 = arith.constant 0 : i32
      %dma_wait3A_130 = tpu.memref_slice %arg7[%mul3A_125, %dma_wait3A_129] : memref<81920x64xf32, #tpu.memory_space<hbm>> -> memref<128x64xf32, #tpu.memory_space<hbm>>
      %dma_wait3A_131 = tpu.memref_slice %run_scoped3A_27[%rem3A_123] : memref<2x!tpu.dma_semaphore, #tpu.memory_space<semaphore_mem>> -> memref<1x!tpu.dma_semaphore, #tpu.memory_space<semaphore_mem>>
      %dma_wait3A_132 = tpu.memref_squeeze %dma_wait3A_131 : memref<1x!tpu.dma_semaphore, #tpu.memory_space<semaphore_mem>> -> memref<!tpu.dma_semaphore, #tpu.memory_space<semaphore_mem>>
      %dma_wait3A_133 = arith.constant 0 : i32
      %dma_wait3A_134 = tpu.memref_slice %arg7[%mul3A_125, %dma_wait3A_133] : memref<81920x64xf32, #tpu.memory_space<hbm>> -> memref<128x64xf32, #tpu.memory_space<hbm>>
      %dma_wait3A_135 = arith.constant 0 : i32
      %dma_wait3A_136 = arith.constant 0 : i32
      %dma_wait3A_137 = tpu.memref_slice %run_scoped3A_26[%rem3A_123, %dma_wait3A_135, %dma_wait3A_136] : memref<2x128x64xf32, #tpu.memory_space<vmem>> -> memref<1x128x64xf32, #tpu.memory_space<vmem>>
      %dma_wait3A_138 = tpu.memref_squeeze %dma_wait3A_137 : memref<1x128x64xf32, #tpu.memory_space<vmem>> -> memref<128x64xf32, #tpu.memory_space<vmem>>
      tpu.wait_dma2 semaphore(%dma_wait3A_132 : memref<!tpu.dma_semaphore, #tpu.memory_space<semaphore_mem>>) src(%dma_wait3A_138 : memref<128x64xf32, #tpu.memory_space<vmem>>) dst(%dma_wait3A_134 : memref<128x64xf32, #tpu.memory_space<hbm>>)
      "tpu.trace_stop"() : () -> ()
      tpu.yield
    }) : () -> ()
    %mul3A_16 = arith.constant 1 : i32
    %mul3A_17 = arith.muli %arg1, %mul3A_16 : i32
    %add3A_18 = arith.constant 0 : i32
    %add3A_19 = arith.addi %add3A_18, %mul3A_17 : i32
    %mul3A_20 = arith.constant 16 : i32
    %mul3A_21 = arith.muli %arg0, %mul3A_20 : i32
    %add3A_22 = arith.addi %add3A_19, %mul3A_21 : i32
    %mul3A_23 = arith.constant 100 : i32
    %mul3A_24 = arith.muli %add3A_22, %mul3A_23 : i32
    "tpu.region"() ({
      %run_scoped3A = memref.alloca() : memref<2x1x128xi32, #tpu.memory_space<vmem>>
      %run_scoped3A_25 = tpu.sem_alloc : memref<2x!tpu.dma_semaphore, #tpu.memory_space<semaphore_mem>>
      %run_scoped3A_26 = memref.alloca() : memref<2x128x64xf32, #tpu.memory_space<vmem>>
      %run_scoped3A_27 = tpu.sem_alloc : memref<2x!tpu.dma_semaphore, #tpu.memory_space<semaphore_mem>>
      %add3A_28 = arith.constant 0 : i32
      %add3A_29 = arith.addi %add3A_28, %mul3A_24 : i32
      %select_n3A = arith.constant true
      %select_n3A_30 = arith.constant 0 : i32
      %select_n3A_31 = arith.constant -1 : i32
      %select_n3A_32 = arith.select %select_n3A, %select_n3A_31, %select_n3A_30 : i32
      %eq3A = arith.constant -1 : i32
      %eq3A_33 = arith.cmpi eq, %select_n3A_32, %eq3A : i32
      %select_n3A_34 = arith.constant 99 : i32
      %select_n3A_35 = arith.select %eq3A_33, %select_n3A_34, %select_n3A_32 : i32
      %add3A_36 = arith.addi %select_n3A_35, %mul3A_24 : i32
      %select_n3A_37 = arith.constant true
      %select_n3A_38 = arith.constant 0 : i32
      %select_n3A_39 = arith.constant 1 : i32
      %select_n3A_40 = arith.select %select_n3A_37, %select_n3A_39, %select_n3A_38 : i32
      %eq3A_41 = arith.constant 100 : i32
      %eq3A_42 = arith.cmpi eq, %select_n3A_40, %eq3A_41 : i32
      %select_n3A_43 = arith.constant 0 : i32
      %select_n3A_44 = arith.select %eq3A_42, %select_n3A_43, %select_n3A_40 : i32
      %add3A_45 = arith.addi %select_n3A_44, %mul3A_24 : i32
      %add3A_46 = arith.constant 1 : i32
      %add3A_47 = arith.addi %select_n3A_44, %add3A_46 : i32
      %select_n3A_48 = arith.constant true
      %select_n3A_49 = arith.select %select_n3A_48, %add3A_47, %select_n3A_44 : i32
      %eq3A_50 = arith.constant 100 : i32
      %eq3A_51 = arith.cmpi eq, %select_n3A_49, %eq3A_50 : i32
      %select_n3A_52 = arith.constant 0 : i32
      %select_n3A_53 = arith.select %eq3A_51, %select_n3A_52, %select_n3A_49 : i32
      %add3A_54 = arith.addi %select_n3A_53, %mul3A_24 : i32
      "tpu.trace_start"() <{level = 10 : i32, message = "ep_initialize_0"}> : () -> ()
      %rem3A = arith.constant 0 : i32
      %rem3A_55 = arith.constant 2 : i32
      %rem3A_56 = arith.remui %rem3A, %rem3A_55 : i32
      %mul3A_57 = arith.constant 128 : i32
      %mul3A_58 = arith.muli %mul3A_57, %add3A_29 : i32
      %dma_start3A = arith.constant 0 : i32
      %dma_start3A_59 = arith.constant 0 : i32
      %dma_start3A_60 = tpu.memref_slice %run_scoped3A[%rem3A_56, %dma_start3A, %dma_start3A_59] : memref<2x1x128xi32, #tpu.memory_space<vmem>> -> memref<1x1x128xi32, #tpu.memory_space<vmem>>
      %dma_start3A_61 = tpu.memref_squeeze %dma_start3A_60 : memref<1x1x128xi32, #tpu.memory_space<vmem>> -> memref<1x128xi32, #tpu.memory_space<vmem>>
      %dma_start3A_62 = arith.constant 0 : i32
      %dma_start3A_63 = tpu.memref_slice %arg4[%dma_start3A_62, %mul3A_58] : memref<1x409600xi32, #tpu.memory_space<hbm>> -> memref<1x128xi32, #tpu.memory_space<hbm>>
      %dma_start3A_64 = tpu.memref_slice %run_scoped3A_25[%rem3A_56] : memref<2x!tpu.dma_semaphore, #tpu.memory_space<semaphore_mem>> -> memref<1x!tpu.dma_semaphore, #tpu.memory_space<semaphore_mem>>
      %dma_start3A_65 = tpu.memref_squeeze %dma_start3A_64 : memref<1x!tpu.dma_semaphore, #tpu.memory_space<semaphore_mem>> -> memref<!tpu.dma_semaphore, #tpu.memory_space<semaphore_mem>>
      %dma_start3A_66 = arith.constant 0 : i32
      %dma_start3A_67 = arith.constant 0 : i32
      %dma_start3A_68 = tpu.memref_slice %run_scoped3A[%rem3A_56, %dma_start3A_66, %dma_start3A_67] : memref<2x1x128xi32, #tpu.memory_space<vmem>> -> memref<1x1x128xi32, #tpu.memory_space<vmem>>
      %dma_start3A_69 = tpu.memref_squeeze %dma_start3A_68 : memref<1x1x128xi32, #tpu.memory_space<vmem>> -> memref<1x128xi32, #tpu.memory_space<vmem>>
      %dma_start3A_70 = arith.constant 0 : i32
      %dma_start3A_71 = tpu.memref_slice %arg4[%dma_start3A_70, %mul3A_58] : memref<1x409600xi32, #tpu.memory_space<hbm>> -> memref<1x128xi32, #tpu.memory_space<hbm>>
      tpu.enqueue_dma source(%dma_start3A_71 : memref<1x128xi32, #tpu.memory_space<hbm>>) target(%dma_start3A_69 : memref<1x128xi32, #tpu.memory_space<vmem>>) target_semaphore(%dma_start3A_65 : memref<!tpu.dma_semaphore, #tpu.memory_space<semaphore_mem>>)
      %add3A_72 = arith.constant 0 : i32
      %add3A_73 = arith.constant 1 : i32
      %add3A_74 = arith.addi %add3A_72, %add3A_73 : i32
      %select_n3A_75 = arith.constant true
      %select_n3A_76 = arith.constant 0 : i32
      %select_n3A_77 = arith.select %select_n3A_75, %add3A_74, %select_n3A_76 : i32
      "tpu.trace_stop"() : () -> ()
      %scan3A = arith.constant 0 : i32
      %scan3A_78 = arith.constant 0 : i32
      %scan3A_79 = arith.constant 0 : i32
      %scan3A_80 = arith.constant 0 : i32
      %scan3A_81 = arith.constant 0 : i32
      %scan3A_82 = arith.constant 100 : i32
      %scan3A_83 = arith.addi %scan3A_81, %scan3A_82 : i32
      %scan3A_84 = arith.constant 1 : i32
      %scan3A_85:5 = scf.for %scan3A_139 = %scan3A_81 to %scan3A_83 step %scan3A_84 iter_args(%scan3A_140 = %select_n3A_77, %scan3A_141 = %scan3A, %scan3A_142 = %scan3A_78, %scan3A_143 = %scan3A_79, %scan3A_144 = %scan3A_80) -> (i32, i32, i32, i32, i32)  : i32 {
        %eq3A_145 = arith.constant 0 : i32
        %eq3A_146 = arith.cmpi eq, %scan3A_139, %eq3A_145 : i32
        %eq3A_147 = arith.constant 99 : i32
        %eq3A_148 = arith.cmpi eq, %scan3A_139, %eq3A_147 : i32
        %add3A_149 = arith.addi %scan3A_144, %mul3A_24 : i32
        %sub3A_150 = arith.constant 1 : i32
        %sub3A_151 = arith.subi %scan3A_144, %sub3A_150 : i32
        %select_n3A_152 = arith.constant true
        %select_n3A_153 = arith.select %select_n3A_152, %sub3A_151, %scan3A_144 : i32
        %eq3A_154 = arith.constant -1 : i32
        %eq3A_155 = arith.cmpi eq, %select_n3A_153, %eq3A_154 : i32
        %select_n3A_156 = arith.constant 99 : i32
        %select_n3A_157 = arith.select %eq3A_155, %select_n3A_156, %select_n3A_153 : i32
        %add3A_158 = arith.addi %select_n3A_157, %mul3A_24 : i32
        %add3A_159 = arith.constant 1 : i32
        %add3A_160 = arith.addi %scan3A_144, %add3A_159 : i32
        %select_n3A_161 = arith.constant true
        %select_n3A_162 = arith.select %select_n3A_161, %add3A_160, %scan3A_144 : i32
        %eq3A_163 = arith.constant 100 : i32
        %eq3A_164 = arith.cmpi eq, %select_n3A_162, %eq3A_163 : i32
        %select_n3A_165 = arith.constant 0 : i32
        %select_n3A_166 = arith.select %eq3A_164, %select_n3A_165, %select_n3A_162 : i32
        %add3A_167 = arith.addi %select_n3A_166, %mul3A_24 : i32
        %add3A_168 = arith.constant 1 : i32
        %add3A_169 = arith.addi %select_n3A_166, %add3A_168 : i32
        %select_n3A_170 = arith.constant true
        %select_n3A_171 = arith.select %select_n3A_170, %add3A_169, %select_n3A_166 : i32
        %eq3A_172 = arith.constant 100 : i32
        %eq3A_173 = arith.cmpi eq, %select_n3A_171, %eq3A_172 : i32
        %select_n3A_174 = arith.constant 0 : i32
        %select_n3A_175 = arith.select %eq3A_173, %select_n3A_174, %select_n3A_171 : i32
        %add3A_176 = arith.addi %select_n3A_175, %mul3A_24 : i32
        %ne3A = arith.cmpi ne, %add3A_149, %add3A_167 : i32
        %or3A = arith.constant false
        %or3A_177 = arith.ori %or3A, %ne3A : i1
        %ge3A = arith.constant 99 : i32
        %ge3A_178 = arith.cmpi sge, %scan3A_139, %ge3A : i32
        %not3A = arith.constant true
        %not3A_179 = arith.xori %ge3A_178, %not3A : i1
        %and3A = arith.andi %or3A_177, %not3A_179 : i1
        %convert_element_type3A = arith.extui %and3A : i1 to i32
        %cond3A = arith.constant 0 : i32
        %cond3A_180 = arith.cmpi ne, %convert_element_type3A, %cond3A : i32
        scf.if %cond3A_180 {
          "tpu.trace_start"() <{level = 10 : i32, message = "ep_copy_in"}> : () -> ()
          %rem3A_282 = arith.constant 2 : i32
          %rem3A_283 = arith.remui %scan3A_140, %rem3A_282 : i32
          %mul3A_284 = arith.constant 128 : i32
          %mul3A_285 = arith.muli %mul3A_284, %add3A_167 : i32
          %dma_start3A_286 = arith.constant 0 : i32
          %dma_start3A_287 = arith.constant 0 : i32
          %dma_start3A_288 = tpu.memref_slice %run_scoped3A[%rem3A_283, %dma_start3A_286, %dma_start3A_287] : memref<2x1x128xi32, #tpu.memory_space<vmem>> -> memref<1x1x128xi32, #tpu.memory_space<vmem>>
          %dma_start3A_289 = tpu.memref_squeeze %dma_start3A_288 : memref<1x1x128xi32, #tpu.memory_space<vmem>> -> memref<1x128xi32, #tpu.memory_space<vmem>>
          %dma_start3A_290 = arith.constant 0 : i32
          %dma_start3A_291 = tpu.memref_slice %arg4[%dma_start3A_290, %mul3A_285] : memref<1x409600xi32, #tpu.memory_space<hbm>> -> memref<1x128xi32, #tpu.memory_space<hbm>>
          %dma_start3A_292 = tpu.memref_slice %run_scoped3A_25[%rem3A_283] : memref<2x!tpu.dma_semaphore, #tpu.memory_space<semaphore_mem>> -> memref<1x!tpu.dma_semaphore, #tpu.memory_space<semaphore_mem>>
          %dma_start3A_293 = tpu.memref_squeeze %dma_start3A_292 : memref<1x!tpu.dma_semaphore, #tpu.memory_space<semaphore_mem>> -> memref<!tpu.dma_semaphore, #tpu.memory_space<semaphore_mem>>
          %dma_start3A_294 = arith.constant 0 : i32
          %dma_start3A_295 = arith.constant 0 : i32
          %dma_start3A_296 = tpu.memref_slice %run_scoped3A[%rem3A_283, %dma_start3A_294, %dma_start3A_295] : memref<2x1x128xi32, #tpu.memory_space<vmem>> -> memref<1x1x128xi32, #tpu.memory_space<vmem>>
          %dma_start3A_297 = tpu.memref_squeeze %dma_start3A_296 : memref<1x1x128xi32, #tpu.memory_space<vmem>> -> memref<1x128xi32, #tpu.memory_space<vmem>>
          %dma_start3A_298 = arith.constant 0 : i32
          %dma_start3A_299 = tpu.memref_slice %arg4[%dma_start3A_298, %mul3A_285] : memref<1x409600xi32, #tpu.memory_space<hbm>> -> memref<1x128xi32, #tpu.memory_space<hbm>>
          tpu.enqueue_dma source(%dma_start3A_299 : memref<1x128xi32, #tpu.memory_space<hbm>>) target(%dma_start3A_297 : memref<1x128xi32, #tpu.memory_space<vmem>>) target_semaphore(%dma_start3A_293 : memref<!tpu.dma_semaphore, #tpu.memory_space<semaphore_mem>>)
          "tpu.trace_stop"() : () -> ()
        } else {
        }
        %and3A_181 = arith.constant true
        %and3A_182 = arith.andi %and3A, %and3A_181 : i1
        %add3A_183 = arith.constant 1 : i32
        %add3A_184 = arith.addi %scan3A_140, %add3A_183 : i32
        %select_n3A_185 = arith.select %and3A_182, %add3A_184, %scan3A_140 : i32
        %ne3A_186 = arith.cmpi ne, %add3A_149, %add3A_167 : i32
        %or3A_187 = arith.constant false
        %or3A_188 = arith.ori %or3A_187, %ne3A_186 : i1
        %or3A_189 = arith.constant false
        %or3A_190 = arith.ori %or3A_188, %or3A_189 : i1
        %ge3A_191 = arith.constant 99 : i32
        %ge3A_192 = arith.cmpi sge, %scan3A_139, %ge3A_191 : i32
        %not3A_193 = arith.constant true
        %not3A_194 = arith.xori %ge3A_192, %not3A_193 : i1
        %and3A_195 = arith.andi %or3A_190, %not3A_194 : i1
        %ne3A_196 = arith.cmpi ne, %add3A_149, %add3A_158 : i32
        %or3A_197 = arith.constant false
        %or3A_198 = arith.ori %or3A_197, %ne3A_196 : i1
        %or3A_199 = arith.ori %or3A_198, %eq3A_146 : i1
        %convert_element_type3A_200 = arith.extui %or3A_199 : i1 to i32
        %cond3A_201 = arith.constant 0 : i32
        %cond3A_202 = arith.cmpi ne, %convert_element_type3A_200, %cond3A_201 : i32
        scf.if %cond3A_202 {
          "tpu.trace_start"() <{level = 10 : i32, message = "ep_wait_in"}> : () -> ()
          %mul3A_282 = arith.constant 128 : i32
          %mul3A_283 = arith.muli %mul3A_282, %add3A_149 : i32
          %rem3A_284 = arith.constant 2 : i32
          %rem3A_285 = arith.remui %scan3A_141, %rem3A_284 : i32
          %dma_wait3A_286 = arith.constant 0 : i32
          %dma_wait3A_287 = arith.constant 0 : i32
          %dma_wait3A_288 = tpu.memref_slice %run_scoped3A[%rem3A_285, %dma_wait3A_286, %dma_wait3A_287] : memref<2x1x128xi32, #tpu.memory_space<vmem>> -> memref<1x1x128xi32, #tpu.memory_space<vmem>>
          %dma_wait3A_289 = tpu.memref_squeeze %dma_wait3A_288 : memref<1x1x128xi32, #tpu.memory_space<vmem>> -> memref<1x128xi32, #tpu.memory_space<vmem>>
          %dma_wait3A_290 = arith.constant 0 : i32
          %dma_wait3A_291 = tpu.memref_slice %arg4[%dma_wait3A_290, %mul3A_283] : memref<1x409600xi32, #tpu.memory_space<hbm>> -> memref<1x128xi32, #tpu.memory_space<hbm>>
          %dma_wait3A_292 = tpu.memref_slice %run_scoped3A_25[%rem3A_285] : memref<2x!tpu.dma_semaphore, #tpu.memory_space<semaphore_mem>> -> memref<1x!tpu.dma_semaphore, #tpu.memory_space<semaphore_mem>>
          %dma_wait3A_293 = tpu.memref_squeeze %dma_wait3A_292 : memref<1x!tpu.dma_semaphore, #tpu.memory_space<semaphore_mem>> -> memref<!tpu.dma_semaphore, #tpu.memory_space<semaphore_mem>>
          %dma_wait3A_294 = arith.constant 0 : i32
          %dma_wait3A_295 = arith.constant 0 : i32
          %dma_wait3A_296 = tpu.memref_slice %run_scoped3A[%rem3A_285, %dma_wait3A_294, %dma_wait3A_295] : memref<2x1x128xi32, #tpu.memory_space<vmem>> -> memref<1x1x128xi32, #tpu.memory_space<vmem>>
          %dma_wait3A_297 = tpu.memref_squeeze %dma_wait3A_296 : memref<1x1x128xi32, #tpu.memory_space<vmem>> -> memref<1x128xi32, #tpu.memory_space<vmem>>
          %dma_wait3A_298 = arith.constant 0 : i32
          %dma_wait3A_299 = tpu.memref_slice %arg4[%dma_wait3A_298, %mul3A_283] : memref<1x409600xi32, #tpu.memory_space<hbm>> -> memref<1x128xi32, #tpu.memory_space<hbm>>
          tpu.wait_dma2 semaphore(%dma_wait3A_293 : memref<!tpu.dma_semaphore, #tpu.memory_space<semaphore_mem>>) src(%dma_wait3A_299 : memref<1x128xi32, #tpu.memory_space<hbm>>) dst(%dma_wait3A_297 : memref<1x128xi32, #tpu.memory_space<vmem>>)
          "tpu.trace_stop"() : () -> ()
        } else {
        }
        %ne3A_203 = arith.cmpi ne, %add3A_149, %add3A_158 : i32
        %or3A_204 = arith.constant false
        %or3A_205 = arith.ori %or3A_204, %ne3A_203 : i1
        %or3A_206 = arith.constant false
        %or3A_207 = arith.ori %or3A_205, %or3A_206 : i1
        %or3A_208 = arith.ori %or3A_207, %eq3A_146 : i1
        %convert_element_type3A_209 = arith.extui %or3A_208 : i1 to i32
        %cond3A_210 = arith.constant 0 : i32
        %cond3A_211 = arith.cmpi ne, %convert_element_type3A_209, %cond3A_210 : i32
        scf.if %cond3A_211 {
        } else {
        }
        %rem3A_212 = arith.constant 2 : i32
        %rem3A_213 = arith.remui %scan3A_141, %rem3A_212 : i32
        %rem3A_214 = arith.constant 2 : i32
        %rem3A_215 = arith.remui %scan3A_142, %rem3A_214 : i32
        %run_scoped3A_216 = arith.constant 0 : i32
        "tpu.trace_start"() <{level = 10 : i32, message = "ep_run_kernel"}> : () -> ()
        "tpu.region"() ({
          %run_scoped3A_282 = tpu.sem_alloc : memref<!tpu.dma_semaphore, #tpu.memory_space<semaphore_mem>>
          %dma_start3A_283 = arith.constant 0 : i32
          %dma_start3A_284 = arith.constant 0 : i32
          %dma_start3A_285 = tpu.memref_slice %run_scoped3A_26[%rem3A_215, %dma_start3A_283, %dma_start3A_284] : memref<2x128x64xf32, #tpu.memory_space<vmem>> -> memref<1x128x64xf32, #tpu.memory_space<vmem>>
          %dma_start3A_286 = tpu.memref_squeeze %dma_start3A_285 : memref<1x128x64xf32, #tpu.memory_space<vmem>> -> memref<128x64xf32, #tpu.memory_space<vmem>>
          %dma_start3A_287 = arith.constant 0 : i32
          %dma_start3A_288 = arith.constant 0 : i32
          %dma_start3A_289 = tpu.memref_slice %run_scoped3A[%rem3A_213, %dma_start3A_287, %dma_start3A_288] : memref<2x1x128xi32, #tpu.memory_space<vmem>> -> memref<1x1x128xi32, #tpu.memory_space<vmem>>
          %dma_start3A_290 = tpu.memref_squeeze %dma_start3A_289 : memref<1x1x128xi32, #tpu.memory_space<vmem>> -> memref<1x128xi32, #tpu.memory_space<vmem>>
          %dma_start3A_291 = arith.constant 0 : i32
          %dma_start3A_292 = tpu.memref_slice %dma_start3A_290[%run_scoped3A_216, %dma_start3A_291] : memref<1x128xi32, #tpu.memory_space<vmem>> -> memref<1x128xi32, #tpu.memory_space<vmem>>
          %dma_start3A_293 = tpu.memref_squeeze %dma_start3A_292 : memref<1x128xi32, #tpu.memory_space<vmem>> -> memref<128xi32, #tpu.memory_space<vmem>>
          %dma_start3A_294 = arith.constant 0 : i32
          %dma_start3A_295 = arith.constant 0 : i32
          %dma_start3A_296 = tpu.memref_slice %arg5[%dma_start3A_294, %dma_start3A_295] : memref<2015232x64xf32, #tpu.memory_space<hbm>> -> memref<2015232x64xf32, #tpu.memory_space<hbm>>
          tpu.enqueue_indirect_dma source(%dma_start3A_296 : memref<2015232x64xf32, #tpu.memory_space<hbm>>) target(%dma_start3A_286 : memref<128x64xf32, #tpu.memory_space<vmem>>) offsets(%dma_start3A_293 : memref<128xi32, #tpu.memory_space<vmem>>) semaphore(%run_scoped3A_282 : memref<!tpu.dma_semaphore, #tpu.memory_space<semaphore_mem>>)
          %dma_wait3A_297 = arith.constant 0 : i32
          %dma_wait3A_298 = arith.constant 0 : i32
          %dma_wait3A_299 = tpu.memref_slice %run_scoped3A_26[%rem3A_215, %dma_wait3A_297, %dma_wait3A_298] : memref<2x128x64xf32, #tpu.memory_space<vmem>> -> memref<1x128x64xf32, #tpu.memory_space<vmem>>
          %dma_wait3A_300 = tpu.memref_squeeze %dma_wait3A_299 : memref<1x128x64xf32, #tpu.memory_space<vmem>> -> memref<128x64xf32, #tpu.memory_space<vmem>>
          %dma_wait3A_301 = arith.constant 0 : i32
          %dma_wait3A_302 = arith.constant 0 : i32
          %dma_wait3A_303 = tpu.memref_slice %run_scoped3A[%rem3A_213, %dma_wait3A_301, %dma_wait3A_302] : memref<2x1x128xi32, #tpu.memory_space<vmem>> -> memref<1x1x128xi32, #tpu.memory_space<vmem>>
          %dma_wait3A_304 = tpu.memref_squeeze %dma_wait3A_303 : memref<1x1x128xi32, #tpu.memory_space<vmem>> -> memref<1x128xi32, #tpu.memory_space<vmem>>
          %dma_wait3A_305 = arith.constant 0 : i32
          %dma_wait3A_306 = tpu.memref_slice %dma_wait3A_304[%run_scoped3A_216, %dma_wait3A_305] : memref<1x128xi32, #tpu.memory_space<vmem>> -> memref<1x128xi32, #tpu.memory_space<vmem>>
          %dma_wait3A_307 = tpu.memref_squeeze %dma_wait3A_306 : memref<1x128xi32, #tpu.memory_space<vmem>> -> memref<128xi32, #tpu.memory_space<vmem>>
          %dma_wait3A_308 = arith.constant 0 : i32
          %dma_wait3A_309 = arith.constant 0 : i32
          %dma_wait3A_310 = tpu.memref_slice %arg5[%dma_wait3A_308, %dma_wait3A_309] : memref<2015232x64xf32, #tpu.memory_space<hbm>> -> memref<2015232x64xf32, #tpu.memory_space<hbm>>
          tpu.wait_indirect_dma semaphore(%run_scoped3A_282 : memref<!tpu.dma_semaphore, #tpu.memory_space<semaphore_mem>>) src(%dma_wait3A_310 : memref<2015232x64xf32, #tpu.memory_space<hbm>>) dst(%dma_wait3A_300 : memref<128x64xf32, #tpu.memory_space<vmem>>)
          tpu.yield
        }) : () -> ()
        "tpu.trace_stop"() : () -> ()
        %ne3A_217 = arith.cmpi ne, %add3A_149, %add3A_167 : i32
        %or3A_218 = arith.constant false
        %or3A_219 = arith.ori %or3A_218, %ne3A_217 : i1
        %or3A_220 = arith.ori %or3A_219, %eq3A_148 : i1
        %convert_element_type3A_221 = arith.extui %or3A_220 : i1 to i32
        %cond3A_222 = arith.constant 0 : i32
        %cond3A_223 = arith.cmpi ne, %convert_element_type3A_221, %cond3A_222 : i32
        scf.if %cond3A_223 {
        } else {
        }
        %and3A_224 = arith.constant false
        %and3A_225 = arith.andi %or3A_220, %and3A_224 : i1
        %ne3A_226 = arith.cmpi ne, %add3A_149, %add3A_167 : i32
        %or3A_227 = arith.constant false
        %or3A_228 = arith.ori %or3A_227, %ne3A_226 : i1
        %or3A_229 = arith.constant false
        %or3A_230 = arith.ori %or3A_228, %or3A_229 : i1
        %or3A_231 = arith.ori %or3A_230, %eq3A_148 : i1
        %convert_element_type3A_232 = arith.extui %or3A_231 : i1 to i32
        %cond3A_233 = arith.constant 0 : i32
        %cond3A_234 = arith.cmpi ne, %convert_element_type3A_232, %cond3A_233 : i32
        scf.if %cond3A_234 {
          "tpu.trace_start"() <{level = 10 : i32, message = "ep_copy_out"}> : () -> ()
          %rem3A_282 = arith.constant 2 : i32
          %rem3A_283 = arith.remui %scan3A_142, %rem3A_282 : i32
          %mul3A_284 = arith.constant 128 : i32
          %mul3A_285 = arith.muli %mul3A_284, %add3A_149 : i32
          %dma_start3A_286 = arith.constant 0 : i32
          %dma_start3A_287 = arith.constant 0 : i32
          %dma_start3A_288 = tpu.memref_slice %run_scoped3A_26[%rem3A_283, %dma_start3A_286, %dma_start3A_287] : memref<2x128x64xf32, #tpu.memory_space<vmem>> -> memref<1x128x64xf32, #tpu.memory_space<vmem>>
          %dma_start3A_289 = tpu.memref_squeeze %dma_start3A_288 : memref<1x128x64xf32, #tpu.memory_space<vmem>> -> memref<128x64xf32, #tpu.memory_space<vmem>>
          %dma_start3A_290 = arith.constant 0 : i32
          %dma_start3A_291 = tpu.memref_slice %arg8[%mul3A_285, %dma_start3A_290] : memref<409600x64xf32, #tpu.memory_space<hbm>> -> memref<128x64xf32, #tpu.memory_space<hbm>>
          %dma_start3A_292 = tpu.memref_slice %run_scoped3A_27[%rem3A_283] : memref<2x!tpu.dma_semaphore, #tpu.memory_space<semaphore_mem>> -> memref<1x!tpu.dma_semaphore, #tpu.memory_space<semaphore_mem>>
          %dma_start3A_293 = tpu.memref_squeeze %dma_start3A_292 : memref<1x!tpu.dma_semaphore, #tpu.memory_space<semaphore_mem>> -> memref<!tpu.dma_semaphore, #tpu.memory_space<semaphore_mem>>
          %dma_start3A_294 = arith.constant 0 : i32
          %dma_start3A_295 = tpu.memref_slice %arg8[%mul3A_285, %dma_start3A_294] : memref<409600x64xf32, #tpu.memory_space<hbm>> -> memref<128x64xf32, #tpu.memory_space<hbm>>
          %dma_start3A_296 = arith.constant 0 : i32
          %dma_start3A_297 = arith.constant 0 : i32
          %dma_start3A_298 = tpu.memref_slice %run_scoped3A_26[%rem3A_283, %dma_start3A_296, %dma_start3A_297] : memref<2x128x64xf32, #tpu.memory_space<vmem>> -> memref<1x128x64xf32, #tpu.memory_space<vmem>>
          %dma_start3A_299 = tpu.memref_squeeze %dma_start3A_298 : memref<1x128x64xf32, #tpu.memory_space<vmem>> -> memref<128x64xf32, #tpu.memory_space<vmem>>
          tpu.enqueue_dma source(%dma_start3A_299 : memref<128x64xf32, #tpu.memory_space<vmem>>) target(%dma_start3A_295 : memref<128x64xf32, #tpu.memory_space<hbm>>) target_semaphore(%dma_start3A_293 : memref<!tpu.dma_semaphore, #tpu.memory_space<semaphore_mem>>)
          "tpu.trace_stop"() : () -> ()
        } else {
        }
        %and3A_235 = arith.constant true
        %and3A_236 = arith.andi %or3A_231, %and3A_235 : i1
        %add3A_237 = arith.constant 1 : i32
        %add3A_238 = arith.addi %scan3A_142, %add3A_237 : i32
        %select_n3A_239 = arith.select %and3A_236, %add3A_238, %scan3A_142 : i32
        %ne3A_240 = arith.cmpi ne, %add3A_149, %add3A_158 : i32
        %or3A_241 = arith.constant false
        %or3A_242 = arith.ori %or3A_241, %ne3A_240 : i1
        %not3A_243 = arith.constant true
        %not3A_244 = arith.xori %eq3A_146, %not3A_243 : i1
        %and3A_245 = arith.andi %or3A_242, %not3A_244 : i1
        %convert_element_type3A_246 = arith.extui %and3A_245 : i1 to i32
        %cond3A_247 = arith.constant 0 : i32
        %cond3A_248 = arith.cmpi ne, %convert_element_type3A_246, %cond3A_247 : i32
        scf.if %cond3A_248 {
        } else {
        }
        %and3A_249 = arith.constant false
        %and3A_250 = arith.andi %and3A_245, %and3A_249 : i1
        %ne3A_251 = arith.cmpi ne, %add3A_149, %add3A_158 : i32
        %or3A_252 = arith.constant false
        %or3A_253 = arith.ori %or3A_252, %ne3A_251 : i1
        %or3A_254 = arith.constant false
        %or3A_255 = arith.ori %or3A_253, %or3A_254 : i1
        %not3A_256 = arith.constant true
        %not3A_257 = arith.xori %eq3A_146, %not3A_256 : i1
        %and3A_258 = arith.andi %or3A_255, %not3A_257 : i1
        %convert_element_type3A_259 = arith.extui %and3A_258 : i1 to i32
        %cond3A_260 = arith.constant 0 : i32
        %cond3A_261 = arith.cmpi ne, %convert_element_type3A_259, %cond3A_260 : i32
        scf.if %cond3A_261 {
          "tpu.trace_start"() <{level = 10 : i32, message = "ep_wait_out"}> : () -> ()
          %rem3A_282 = arith.constant 2 : i32
          %rem3A_283 = arith.remui %scan3A_143, %rem3A_282 : i32
          %mul3A_284 = arith.constant 128 : i32
          %mul3A_285 = arith.muli %mul3A_284, %add3A_158 : i32
          %dma_wait3A_286 = arith.constant 0 : i32
          %dma_wait3A_287 = arith.constant 0 : i32
          %dma_wait3A_288 = tpu.memref_slice %run_scoped3A_26[%rem3A_283, %dma_wait3A_286, %dma_wait3A_287] : memref<2x128x64xf32, #tpu.memory_space<vmem>> -> memref<1x128x64xf32, #tpu.memory_space<vmem>>
          %dma_wait3A_289 = tpu.memref_squeeze %dma_wait3A_288 : memref<1x128x64xf32, #tpu.memory_space<vmem>> -> memref<128x64xf32, #tpu.memory_space<vmem>>
          %dma_wait3A_290 = arith.constant 0 : i32
          %dma_wait3A_291 = tpu.memref_slice %arg8[%mul3A_285, %dma_wait3A_290] : memref<409600x64xf32, #tpu.memory_space<hbm>> -> memref<128x64xf32, #tpu.memory_space<hbm>>
          %dma_wait3A_292 = tpu.memref_slice %run_scoped3A_27[%rem3A_283] : memref<2x!tpu.dma_semaphore, #tpu.memory_space<semaphore_mem>> -> memref<1x!tpu.dma_semaphore, #tpu.memory_space<semaphore_mem>>
          %dma_wait3A_293 = tpu.memref_squeeze %dma_wait3A_292 : memref<1x!tpu.dma_semaphore, #tpu.memory_space<semaphore_mem>> -> memref<!tpu.dma_semaphore, #tpu.memory_space<semaphore_mem>>
          %dma_wait3A_294 = arith.constant 0 : i32
          %dma_wait3A_295 = tpu.memref_slice %arg8[%mul3A_285, %dma_wait3A_294] : memref<409600x64xf32, #tpu.memory_space<hbm>> -> memref<128x64xf32, #tpu.memory_space<hbm>>
          %dma_wait3A_296 = arith.constant 0 : i32
          %dma_wait3A_297 = arith.constant 0 : i32
          %dma_wait3A_298 = tpu.memref_slice %run_scoped3A_26[%rem3A_283, %dma_wait3A_296, %dma_wait3A_297] : memref<2x128x64xf32, #tpu.memory_space<vmem>> -> memref<1x128x64xf32, #tpu.memory_space<vmem>>
          %dma_wait3A_299 = tpu.memref_squeeze %dma_wait3A_298 : memref<1x128x64xf32, #tpu.memory_space<vmem>> -> memref<128x64xf32, #tpu.memory_space<vmem>>
          tpu.wait_dma2 semaphore(%dma_wait3A_293 : memref<!tpu.dma_semaphore, #tpu.memory_space<semaphore_mem>>) src(%dma_wait3A_299 : memref<128x64xf32, #tpu.memory_space<vmem>>) dst(%dma_wait3A_295 : memref<128x64xf32, #tpu.memory_space<hbm>>)
          "tpu.trace_stop"() : () -> ()
        } else {
        }
        %and3A_262 = arith.constant true
        %and3A_263 = arith.andi %and3A_258, %and3A_262 : i1
        %add3A_264 = arith.constant 1 : i32
        %add3A_265 = arith.addi %scan3A_143, %add3A_264 : i32
        %select_n3A_266 = arith.select %and3A_263, %add3A_265, %scan3A_143 : i32
        %ne3A_267 = arith.cmpi ne, %add3A_149, %add3A_167 : i32
        %or3A_268 = arith.constant false
        %or3A_269 = arith.ori %or3A_268, %ne3A_267 : i1
        %or3A_270 = arith.ori %or3A_269, %eq3A_148 : i1
        %add3A_271 = arith.constant 1 : i32
        %add3A_272 = arith.addi %scan3A_141, %add3A_271 : i32
        %select_n3A_273 = arith.select %or3A_270, %add3A_272, %scan3A_141 : i32
        %add3A_274 = arith.constant 1 : i32
        %add3A_275 = arith.addi %scan3A_144, %add3A_274 : i32
        %select_n3A_276 = arith.constant true
        %select_n3A_277 = arith.select %select_n3A_276, %add3A_275, %scan3A_144 : i32
        %eq3A_278 = arith.constant 100 : i32
        %eq3A_279 = arith.cmpi eq, %select_n3A_277, %eq3A_278 : i32
        %select_n3A_280 = arith.constant 0 : i32
        %select_n3A_281 = arith.select %eq3A_279, %select_n3A_280, %select_n3A_277 : i32
        scf.yield %select_n3A_185, %select_n3A_273, %select_n3A_239, %select_n3A_266, %select_n3A_281 : i32, i32, i32, i32, i32
      }
      %scan3A_86 = arith.constant 100 : i32
      %sub3A = arith.constant 1 : i32
      %sub3A_87 = arith.subi %scan3A_85#4, %sub3A : i32
      %select_n3A_88 = arith.constant true
      %select_n3A_89 = arith.select %select_n3A_88, %sub3A_87, %scan3A_85#4 : i32
      %eq3A_90 = arith.constant -1 : i32
      %eq3A_91 = arith.cmpi eq, %select_n3A_89, %eq3A_90 : i32
      %select_n3A_92 = arith.constant 99 : i32
      %select_n3A_93 = arith.select %eq3A_91, %select_n3A_92, %select_n3A_89 : i32
      %add3A_94 = arith.addi %select_n3A_93, %mul3A_24 : i32
      %sub3A_95 = arith.constant 1 : i32
      %sub3A_96 = arith.subi %select_n3A_93, %sub3A_95 : i32
      %select_n3A_97 = arith.constant true
      %select_n3A_98 = arith.select %select_n3A_97, %sub3A_96, %select_n3A_93 : i32
      %eq3A_99 = arith.constant -1 : i32
      %eq3A_100 = arith.cmpi eq, %select_n3A_98, %eq3A_99 : i32
      %select_n3A_101 = arith.constant 99 : i32
      %select_n3A_102 = arith.select %eq3A_100, %select_n3A_101, %select_n3A_98 : i32
      %add3A_103 = arith.addi %select_n3A_102, %mul3A_24 : i32
      %add3A_104 = arith.constant 1 : i32
      %add3A_105 = arith.addi %select_n3A_93, %add3A_104 : i32
      %select_n3A_106 = arith.constant true
      %select_n3A_107 = arith.select %select_n3A_106, %add3A_105, %select_n3A_93 : i32
      %eq3A_108 = arith.constant 100 : i32
      %eq3A_109 = arith.cmpi eq, %select_n3A_107, %eq3A_108 : i32
      %select_n3A_110 = arith.constant 0 : i32
      %select_n3A_111 = arith.select %eq3A_109, %select_n3A_110, %select_n3A_107 : i32
      %add3A_112 = arith.addi %select_n3A_111, %mul3A_24 : i32
      %add3A_113 = arith.constant 1 : i32
      %add3A_114 = arith.addi %select_n3A_111, %add3A_113 : i32
      %select_n3A_115 = arith.constant true
      %select_n3A_116 = arith.select %select_n3A_115, %add3A_114, %select_n3A_111 : i32
      %eq3A_117 = arith.constant 100 : i32
      %eq3A_118 = arith.cmpi eq, %select_n3A_116, %eq3A_117 : i32
      %select_n3A_119 = arith.constant 0 : i32
      %select_n3A_120 = arith.select %eq3A_118, %select_n3A_119, %select_n3A_116 : i32
      %add3A_121 = arith.addi %select_n3A_120, %mul3A_24 : i32
      "tpu.trace_start"() <{level = 10 : i32, message = "ep_finalize"}> : () -> ()
      %rem3A_122 = arith.constant 2 : i32
      %rem3A_123 = arith.remui %scan3A_85#3, %rem3A_122 : i32
      %mul3A_124 = arith.constant 128 : i32
      %mul3A_125 = arith.muli %mul3A_124, %add3A_94 : i32
      %dma_wait3A = arith.constant 0 : i32
      %dma_wait3A_126 = arith.constant 0 : i32
      %dma_wait3A_127 = tpu.memref_slice %run_scoped3A_26[%rem3A_123, %dma_wait3A, %dma_wait3A_126] : memref<2x128x64xf32, #tpu.memory_space<vmem>> -> memref<1x128x64xf32, #tpu.memory_space<vmem>>
      %dma_wait3A_128 = tpu.memref_squeeze %dma_wait3A_127 : memref<1x128x64xf32, #tpu.memory_space<vmem>> -> memref<128x64xf32, #tpu.memory_space<vmem>>
      %dma_wait3A_129 = arith.constant 0 : i32
      %dma_wait3A_130 = tpu.memref_slice %arg8[%mul3A_125, %dma_wait3A_129] : memref<409600x64xf32, #tpu.memory_space<hbm>> -> memref<128x64xf32, #tpu.memory_space<hbm>>
      %dma_wait3A_131 = tpu.memref_slice %run_scoped3A_27[%rem3A_123] : memref<2x!tpu.dma_semaphore, #tpu.memory_space<semaphore_mem>> -> memref<1x!tpu.dma_semaphore, #tpu.memory_space<semaphore_mem>>
      %dma_wait3A_132 = tpu.memref_squeeze %dma_wait3A_131 : memref<1x!tpu.dma_semaphore, #tpu.memory_space<semaphore_mem>> -> memref<!tpu.dma_semaphore, #tpu.memory_space<semaphore_mem>>
      %dma_wait3A_133 = arith.constant 0 : i32
      %dma_wait3A_134 = tpu.memref_slice %arg8[%mul3A_125, %dma_wait3A_133] : memref<409600x64xf32, #tpu.memory_space<hbm>> -> memref<128x64xf32, #tpu.memory_space<hbm>>
      %dma_wait3A_135 = arith.constant 0 : i32
      %dma_wait3A_136 = arith.constant 0 : i32
      %dma_wait3A_137 = tpu.memref_slice %run_scoped3A_26[%rem3A_123, %dma_wait3A_135, %dma_wait3A_136] : memref<2x128x64xf32, #tpu.memory_space<vmem>> -> memref<1x128x64xf32, #tpu.memory_space<vmem>>
      %dma_wait3A_138 = tpu.memref_squeeze %dma_wait3A_137 : memref<1x128x64xf32, #tpu.memory_space<vmem>> -> memref<128x64xf32, #tpu.memory_space<vmem>>
      tpu.wait_dma2 semaphore(%dma_wait3A_132 : memref<!tpu.dma_semaphore, #tpu.memory_space<semaphore_mem>>) src(%dma_wait3A_138 : memref<128x64xf32, #tpu.memory_space<vmem>>) dst(%dma_wait3A_134 : memref<128x64xf32, #tpu.memory_space<hbm>>)
      "tpu.trace_stop"() : () -> ()
      tpu.yield
    }) : () -> ()
    return
  }
}

#map = affine_map<(d0, d1) -> (0, 0)>
module attributes {stable_mosaic.version = 14 : i64} {
  func.func @gk(%arg0: i32, %arg1: i32, %arg2: memref<1x4096xi32, #tpu.memory_space<hbm>>, %arg3: memref<1x4096xi32, #tpu.memory_space<hbm>>, %arg4: memref<2015232x64xf32, #tpu.memory_space<hbm>>, %arg5: memref<4096x64xf32, #tpu.memory_space<hbm>>, %arg6: memref<4096x64xf32, #tpu.memory_space<hbm>>) attributes {dimension_semantics = [#tpu.dimension_semantics<core_parallel>, #tpu.dimension_semantics<subcore_parallel>], iteration_bounds = array<i64: 2, 16>, scalar_prefetch = 0 : i64, scratch_operands = 0 : i64, tpu.core_type = #tpu.core_type<sc_vector_subcore>, window_params = [{transform_indices = #map}, {transform_indices = #map}, {transform_indices = #map}, {transform_indices = #map}, {transform_indices = #map}]} {
    %mul3A = arith.constant 1 : i32
    %mul3A_0 = arith.muli %arg1, %mul3A : i32
    %add3A = arith.constant 0 : i32
    %add3A_1 = arith.addi %add3A, %mul3A_0 : i32
    %mul3A_2 = arith.constant 16 : i32
    %mul3A_3 = arith.muli %arg0, %mul3A_2 : i32
    %add3A_4 = arith.addi %add3A_1, %mul3A_3 : i32
    %mul3A_5 = arith.constant 1 : i32
    %mul3A_6 = arith.muli %add3A_4, %mul3A_5 : i32
    "tpu.region"() ({
      %run_scoped3A = memref.alloca() : memref<2x1x128xi32, #tpu.memory_space<vmem>>
      %run_scoped3A_16 = tpu.sem_alloc : memref<2x!tpu.dma_semaphore, #tpu.memory_space<semaphore_mem>>
      %run_scoped3A_17 = memref.alloca() : memref<2x128x64xf32, #tpu.memory_space<vmem>>
      %run_scoped3A_18 = tpu.sem_alloc : memref<2x!tpu.dma_semaphore, #tpu.memory_space<semaphore_mem>>
      %add3A_19 = arith.constant 0 : i32
      %add3A_20 = arith.addi %add3A_19, %mul3A_6 : i32
      %select_n3A = arith.constant true
      %select_n3A_21 = arith.constant 0 : i32
      %select_n3A_22 = arith.constant -1 : i32
      %select_n3A_23 = arith.select %select_n3A, %select_n3A_22, %select_n3A_21 : i32
      %eq3A = arith.constant -1 : i32
      %eq3A_24 = arith.cmpi eq, %select_n3A_23, %eq3A : i32
      %select_n3A_25 = arith.constant 0 : i32
      %select_n3A_26 = arith.select %eq3A_24, %select_n3A_25, %select_n3A_23 : i32
      %add3A_27 = arith.constant 0 : i32
      %add3A_28 = arith.addi %add3A_27, %mul3A_6 : i32
      %select_n3A_29 = arith.constant true
      %select_n3A_30 = arith.constant 0 : i32
      %select_n3A_31 = arith.constant 1 : i32
      %select_n3A_32 = arith.select %select_n3A_29, %select_n3A_31, %select_n3A_30 : i32
      %eq3A_33 = arith.constant 1 : i32
      %eq3A_34 = arith.cmpi eq, %select_n3A_32, %eq3A_33 : i32
      %select_n3A_35 = arith.constant 0 : i32
      %select_n3A_36 = arith.select %eq3A_34, %select_n3A_35, %select_n3A_32 : i32
      %add3A_37 = arith.constant 0 : i32
      %add3A_38 = arith.addi %add3A_37, %mul3A_6 : i32
      %select_n3A_39 = arith.constant true
      %select_n3A_40 = arith.constant 0 : i32
      %select_n3A_41 = arith.constant 1 : i32
      %select_n3A_42 = arith.select %select_n3A_39, %select_n3A_41, %select_n3A_40 : i32
      %eq3A_43 = arith.constant 1 : i32
      %eq3A_44 = arith.cmpi eq, %select_n3A_42, %eq3A_43 : i32
      %select_n3A_45 = arith.constant 0 : i32
      %select_n3A_46 = arith.select %eq3A_44, %select_n3A_45, %select_n3A_42 : i32
      %add3A_47 = arith.constant 0 : i32
      %add3A_48 = arith.addi %add3A_47, %mul3A_6 : i32
      "tpu.trace_start"() <{level = 10 : i32, message = "ep_initialize_0"}> : () -> ()
      %rem3A = arith.constant 0 : i32
      %rem3A_49 = arith.constant 2 : i32
      %rem3A_50 = arith.remui %rem3A, %rem3A_49 : i32
      %mul3A_51 = arith.constant 128 : i32
      %mul3A_52 = arith.muli %mul3A_51, %add3A_20 : i32
      %dma_start3A = arith.constant 0 : i32
      %dma_start3A_53 = arith.constant 0 : i32
      %dma_start3A_54 = tpu.memref_slice %run_scoped3A[%rem3A_50, %dma_start3A, %dma_start3A_53] : memref<2x1x128xi32, #tpu.memory_space<vmem>> -> memref<1x1x128xi32, #tpu.memory_space<vmem>>
      %dma_start3A_55 = tpu.memref_squeeze %dma_start3A_54 : memref<1x1x128xi32, #tpu.memory_space<vmem>> -> memref<1x128xi32, #tpu.memory_space<vmem>>
      %dma_start3A_56 = arith.constant 0 : i32
      %dma_start3A_57 = tpu.memref_slice %arg2[%dma_start3A_56, %mul3A_52] : memref<1x4096xi32, #tpu.memory_space<hbm>> -> memref<1x128xi32, #tpu.memory_space<hbm>>
      %dma_start3A_58 = tpu.memref_slice %run_scoped3A_16[%rem3A_50] : memref<2x!tpu.dma_semaphore, #tpu.memory_space<semaphore_mem>> -> memref<1x!tpu.dma_semaphore, #tpu.memory_space<semaphore_mem>>
      %dma_start3A_59 = tpu.memref_squeeze %dma_start3A_58 : memref<1x!tpu.dma_semaphore, #tpu.memory_space<semaphore_mem>> -> memref<!tpu.dma_semaphore, #tpu.memory_space<semaphore_mem>>
      %dma_start3A_60 = arith.constant 0 : i32
      %dma_start3A_61 = arith.constant 0 : i32
      %dma_start3A_62 = tpu.memref_slice %run_scoped3A[%rem3A_50, %dma_start3A_60, %dma_start3A_61] : memref<2x1x128xi32, #tpu.memory_space<vmem>> -> memref<1x1x128xi32, #tpu.memory_space<vmem>>
      %dma_start3A_63 = tpu.memref_squeeze %dma_start3A_62 : memref<1x1x128xi32, #tpu.memory_space<vmem>> -> memref<1x128xi32, #tpu.memory_space<vmem>>
      %dma_start3A_64 = arith.constant 0 : i32
      %dma_start3A_65 = tpu.memref_slice %arg2[%dma_start3A_64, %mul3A_52] : memref<1x4096xi32, #tpu.memory_space<hbm>> -> memref<1x128xi32, #tpu.memory_space<hbm>>
      tpu.enqueue_dma source(%dma_start3A_65 : memref<1x128xi32, #tpu.memory_space<hbm>>) target(%dma_start3A_63 : memref<1x128xi32, #tpu.memory_space<vmem>>) target_semaphore(%dma_start3A_59 : memref<!tpu.dma_semaphore, #tpu.memory_space<semaphore_mem>>)
      %add3A_66 = arith.constant 0 : i32
      %add3A_67 = arith.constant 1 : i32
      %add3A_68 = arith.addi %add3A_66, %add3A_67 : i32
      %select_n3A_69 = arith.constant true
      %select_n3A_70 = arith.constant 0 : i32
      %select_n3A_71 = arith.select %select_n3A_69, %add3A_68, %select_n3A_70 : i32
      "tpu.trace_stop"() : () -> ()
      %scan3A = arith.constant 0 : i32
      %scan3A_72 = arith.constant 0 : i32
      %scan3A_73 = arith.constant 0 : i32
      %scan3A_74 = arith.constant 0 : i32
      %scan3A_75 = arith.constant 0 : i32
      %eq3A_76 = arith.constant 0 : i32
      %eq3A_77 = arith.cmpi eq, %scan3A_75, %eq3A_76 : i32
      %eq3A_78 = arith.constant 0 : i32
      %eq3A_79 = arith.cmpi eq, %scan3A_75, %eq3A_78 : i32
      %add3A_80 = arith.constant 0 : i32
      %add3A_81 = arith.addi %add3A_80, %mul3A_6 : i32
      %select_n3A_82 = arith.constant true
      %select_n3A_83 = arith.constant 0 : i32
      %select_n3A_84 = arith.constant -1 : i32
      %select_n3A_85 = arith.select %select_n3A_82, %select_n3A_84, %select_n3A_83 : i32
      %eq3A_86 = arith.constant -1 : i32
      %eq3A_87 = arith.cmpi eq, %select_n3A_85, %eq3A_86 : i32
      %select_n3A_88 = arith.constant 0 : i32
      %select_n3A_89 = arith.select %eq3A_87, %select_n3A_88, %select_n3A_85 : i32
      %add3A_90 = arith.constant 0 : i32
      %add3A_91 = arith.addi %add3A_90, %mul3A_6 : i32
      %select_n3A_92 = arith.constant true
      %select_n3A_93 = arith.constant 0 : i32
      %select_n3A_94 = arith.constant 1 : i32
      %select_n3A_95 = arith.select %select_n3A_92, %select_n3A_94, %select_n3A_93 : i32
      %eq3A_96 = arith.constant 1 : i32
      %eq3A_97 = arith.cmpi eq, %select_n3A_95, %eq3A_96 : i32
      %select_n3A_98 = arith.constant 0 : i32
      %select_n3A_99 = arith.select %eq3A_97, %select_n3A_98, %select_n3A_95 : i32
      %add3A_100 = arith.constant 0 : i32
      %add3A_101 = arith.addi %add3A_100, %mul3A_6 : i32
      %select_n3A_102 = arith.constant true
      %select_n3A_103 = arith.constant 0 : i32
      %select_n3A_104 = arith.constant 1 : i32
      %select_n3A_105 = arith.select %select_n3A_102, %select_n3A_104, %select_n3A_103 : i32
      %eq3A_106 = arith.constant 1 : i32
      %eq3A_107 = arith.cmpi eq, %select_n3A_105, %eq3A_106 : i32
      %select_n3A_108 = arith.constant 0 : i32
      %select_n3A_109 = arith.select %eq3A_107, %select_n3A_108, %select_n3A_105 : i32
      %add3A_110 = arith.constant 0 : i32
      %add3A_111 = arith.addi %add3A_110, %mul3A_6 : i32
      %ne3A = arith.cmpi ne, %add3A_81, %add3A_101 : i32
      %or3A = arith.constant false
      %or3A_112 = arith.ori %or3A, %ne3A : i1
      %ge3A = arith.constant 0 : i32
      %ge3A_113 = arith.cmpi sge, %scan3A_75, %ge3A : i32
      %not3A = arith.constant true
      %not3A_114 = arith.xori %ge3A_113, %not3A : i1
      %and3A = arith.andi %or3A_112, %not3A_114 : i1
      %convert_element_type3A = arith.extui %and3A : i1 to i32
      %cond3A = arith.constant 0 : i32
      %cond3A_115 = arith.cmpi ne, %convert_element_type3A, %cond3A : i32
      scf.if %cond3A_115 {
        "tpu.trace_start"() <{level = 10 : i32, message = "ep_copy_in"}> : () -> ()
        %rem3A_275 = arith.constant 2 : i32
        %rem3A_276 = arith.remui %select_n3A_71, %rem3A_275 : i32
        %mul3A_277 = arith.constant 128 : i32
        %mul3A_278 = arith.muli %mul3A_277, %add3A_101 : i32
        %dma_start3A_279 = arith.constant 0 : i32
        %dma_start3A_280 = arith.constant 0 : i32
        %dma_start3A_281 = tpu.memref_slice %run_scoped3A[%rem3A_276, %dma_start3A_279, %dma_start3A_280] : memref<2x1x128xi32, #tpu.memory_space<vmem>> -> memref<1x1x128xi32, #tpu.memory_space<vmem>>
        %dma_start3A_282 = tpu.memref_squeeze %dma_start3A_281 : memref<1x1x128xi32, #tpu.memory_space<vmem>> -> memref<1x128xi32, #tpu.memory_space<vmem>>
        %dma_start3A_283 = arith.constant 0 : i32
        %dma_start3A_284 = tpu.memref_slice %arg2[%dma_start3A_283, %mul3A_278] : memref<1x4096xi32, #tpu.memory_space<hbm>> -> memref<1x128xi32, #tpu.memory_space<hbm>>
        %dma_start3A_285 = tpu.memref_slice %run_scoped3A_16[%rem3A_276] : memref<2x!tpu.dma_semaphore, #tpu.memory_space<semaphore_mem>> -> memref<1x!tpu.dma_semaphore, #tpu.memory_space<semaphore_mem>>
        %dma_start3A_286 = tpu.memref_squeeze %dma_start3A_285 : memref<1x!tpu.dma_semaphore, #tpu.memory_space<semaphore_mem>> -> memref<!tpu.dma_semaphore, #tpu.memory_space<semaphore_mem>>
        %dma_start3A_287 = arith.constant 0 : i32
        %dma_start3A_288 = arith.constant 0 : i32
        %dma_start3A_289 = tpu.memref_slice %run_scoped3A[%rem3A_276, %dma_start3A_287, %dma_start3A_288] : memref<2x1x128xi32, #tpu.memory_space<vmem>> -> memref<1x1x128xi32, #tpu.memory_space<vmem>>
        %dma_start3A_290 = tpu.memref_squeeze %dma_start3A_289 : memref<1x1x128xi32, #tpu.memory_space<vmem>> -> memref<1x128xi32, #tpu.memory_space<vmem>>
        %dma_start3A_291 = arith.constant 0 : i32
        %dma_start3A_292 = tpu.memref_slice %arg2[%dma_start3A_291, %mul3A_278] : memref<1x4096xi32, #tpu.memory_space<hbm>> -> memref<1x128xi32, #tpu.memory_space<hbm>>
        tpu.enqueue_dma source(%dma_start3A_292 : memref<1x128xi32, #tpu.memory_space<hbm>>) target(%dma_start3A_290 : memref<1x128xi32, #tpu.memory_space<vmem>>) target_semaphore(%dma_start3A_286 : memref<!tpu.dma_semaphore, #tpu.memory_space<semaphore_mem>>)
        "tpu.trace_stop"() : () -> ()
      } else {
      }
      %and3A_116 = arith.constant true
      %and3A_117 = arith.andi %and3A, %and3A_116 : i1
      %add3A_118 = arith.constant 1 : i32
      %add3A_119 = arith.addi %select_n3A_71, %add3A_118 : i32
      %select_n3A_120 = arith.select %and3A_117, %add3A_119, %select_n3A_71 : i32
      %ne3A_121 = arith.cmpi ne, %add3A_81, %add3A_101 : i32
      %or3A_122 = arith.constant false
      %or3A_123 = arith.ori %or3A_122, %ne3A_121 : i1
      %or3A_124 = arith.constant false
      %or3A_125 = arith.ori %or3A_123, %or3A_124 : i1
      %ge3A_126 = arith.constant 0 : i32
      %ge3A_127 = arith.cmpi sge, %scan3A_75, %ge3A_126 : i32
      %not3A_128 = arith.constant true
      %not3A_129 = arith.xori %ge3A_127, %not3A_128 : i1
      %and3A_130 = arith.andi %or3A_125, %not3A_129 : i1
      %ne3A_131 = arith.cmpi ne, %add3A_81, %add3A_91 : i32
      %or3A_132 = arith.constant false
      %or3A_133 = arith.ori %or3A_132, %ne3A_131 : i1
      %or3A_134 = arith.ori %or3A_133, %eq3A_77 : i1
      %convert_element_type3A_135 = arith.extui %or3A_134 : i1 to i32
      %cond3A_136 = arith.constant 0 : i32
      %cond3A_137 = arith.cmpi ne, %convert_element_type3A_135, %cond3A_136 : i32
      scf.if %cond3A_137 {
        "tpu.trace_start"() <{level = 10 : i32, message = "ep_wait_in"}> : () -> ()
        %mul3A_275 = arith.constant 128 : i32
        %mul3A_276 = arith.muli %mul3A_275, %add3A_81 : i32
        %rem3A_277 = arith.constant 2 : i32
        %rem3A_278 = arith.remui %scan3A, %rem3A_277 : i32
        %dma_wait3A_279 = arith.constant 0 : i32
        %dma_wait3A_280 = arith.constant 0 : i32
        %dma_wait3A_281 = tpu.memref_slice %run_scoped3A[%rem3A_278, %dma_wait3A_279, %dma_wait3A_280] : memref<2x1x128xi32, #tpu.memory_space<vmem>> -> memref<1x1x128xi32, #tpu.memory_space<vmem>>
        %dma_wait3A_282 = tpu.memref_squeeze %dma_wait3A_281 : memref<1x1x128xi32, #tpu.memory_space<vmem>> -> memref<1x128xi32, #tpu.memory_space<vmem>>
        %dma_wait3A_283 = arith.constant 0 : i32
        %dma_wait3A_284 = tpu.memref_slice %arg2[%dma_wait3A_283, %mul3A_276] : memref<1x4096xi32, #tpu.memory_space<hbm>> -> memref<1x128xi32, #tpu.memory_space<hbm>>
        %dma_wait3A_285 = tpu.memref_slice %run_scoped3A_16[%rem3A_278] : memref<2x!tpu.dma_semaphore, #tpu.memory_space<semaphore_mem>> -> memref<1x!tpu.dma_semaphore, #tpu.memory_space<semaphore_mem>>
        %dma_wait3A_286 = tpu.memref_squeeze %dma_wait3A_285 : memref<1x!tpu.dma_semaphore, #tpu.memory_space<semaphore_mem>> -> memref<!tpu.dma_semaphore, #tpu.memory_space<semaphore_mem>>
        %dma_wait3A_287 = arith.constant 0 : i32
        %dma_wait3A_288 = arith.constant 0 : i32
        %dma_wait3A_289 = tpu.memref_slice %run_scoped3A[%rem3A_278, %dma_wait3A_287, %dma_wait3A_288] : memref<2x1x128xi32, #tpu.memory_space<vmem>> -> memref<1x1x128xi32, #tpu.memory_space<vmem>>
        %dma_wait3A_290 = tpu.memref_squeeze %dma_wait3A_289 : memref<1x1x128xi32, #tpu.memory_space<vmem>> -> memref<1x128xi32, #tpu.memory_space<vmem>>
        %dma_wait3A_291 = arith.constant 0 : i32
        %dma_wait3A_292 = tpu.memref_slice %arg2[%dma_wait3A_291, %mul3A_276] : memref<1x4096xi32, #tpu.memory_space<hbm>> -> memref<1x128xi32, #tpu.memory_space<hbm>>
        tpu.wait_dma2 semaphore(%dma_wait3A_286 : memref<!tpu.dma_semaphore, #tpu.memory_space<semaphore_mem>>) src(%dma_wait3A_292 : memref<1x128xi32, #tpu.memory_space<hbm>>) dst(%dma_wait3A_290 : memref<1x128xi32, #tpu.memory_space<vmem>>)
        "tpu.trace_stop"() : () -> ()
      } else {
      }
      %ne3A_138 = arith.cmpi ne, %add3A_81, %add3A_91 : i32
      %or3A_139 = arith.constant false
      %or3A_140 = arith.ori %or3A_139, %ne3A_138 : i1
      %or3A_141 = arith.constant false
      %or3A_142 = arith.ori %or3A_140, %or3A_141 : i1
      %or3A_143 = arith.ori %or3A_142, %eq3A_77 : i1
      %convert_element_type3A_144 = arith.extui %or3A_143 : i1 to i32
      %cond3A_145 = arith.constant 0 : i32
      %cond3A_146 = arith.cmpi ne, %convert_element_type3A_144, %cond3A_145 : i32
      scf.if %cond3A_146 {
      } else {
      }
      %rem3A_147 = arith.constant 2 : i32
      %rem3A_148 = arith.remui %scan3A, %rem3A_147 : i32
      %rem3A_149 = arith.constant 2 : i32
      %rem3A_150 = arith.remui %scan3A_72, %rem3A_149 : i32
      %run_scoped3A_151 = arith.constant 0 : i32
      "tpu.trace_start"() <{level = 10 : i32, message = "ep_run_kernel"}> : () -> ()
      "tpu.region"() ({
        %run_scoped3A_275 = tpu.sem_alloc : memref<!tpu.dma_semaphore, #tpu.memory_space<semaphore_mem>>
        %dma_start3A_276 = arith.constant 0 : i32
        %dma_start3A_277 = arith.constant 0 : i32
        %dma_start3A_278 = tpu.memref_slice %run_scoped3A_17[%rem3A_150, %dma_start3A_276, %dma_start3A_277] : memref<2x128x64xf32, #tpu.memory_space<vmem>> -> memref<1x128x64xf32, #tpu.memory_space<vmem>>
        %dma_start3A_279 = tpu.memref_squeeze %dma_start3A_278 : memref<1x128x64xf32, #tpu.memory_space<vmem>> -> memref<128x64xf32, #tpu.memory_space<vmem>>
        %dma_start3A_280 = arith.constant 0 : i32
        %dma_start3A_281 = arith.constant 0 : i32
        %dma_start3A_282 = tpu.memref_slice %run_scoped3A[%rem3A_148, %dma_start3A_280, %dma_start3A_281] : memref<2x1x128xi32, #tpu.memory_space<vmem>> -> memref<1x1x128xi32, #tpu.memory_space<vmem>>
        %dma_start3A_283 = tpu.memref_squeeze %dma_start3A_282 : memref<1x1x128xi32, #tpu.memory_space<vmem>> -> memref<1x128xi32, #tpu.memory_space<vmem>>
        %dma_start3A_284 = arith.constant 0 : i32
        %dma_start3A_285 = tpu.memref_slice %dma_start3A_283[%run_scoped3A_151, %dma_start3A_284] : memref<1x128xi32, #tpu.memory_space<vmem>> -> memref<1x128xi32, #tpu.memory_space<vmem>>
        %dma_start3A_286 = tpu.memref_squeeze %dma_start3A_285 : memref<1x128xi32, #tpu.memory_space<vmem>> -> memref<128xi32, #tpu.memory_space<vmem>>
        %dma_start3A_287 = arith.constant 0 : i32
        %dma_start3A_288 = arith.constant 0 : i32
        %dma_start3A_289 = tpu.memref_slice %arg4[%dma_start3A_287, %dma_start3A_288] : memref<2015232x64xf32, #tpu.memory_space<hbm>> -> memref<2015232x64xf32, #tpu.memory_space<hbm>>
        tpu.enqueue_indirect_dma source(%dma_start3A_289 : memref<2015232x64xf32, #tpu.memory_space<hbm>>) target(%dma_start3A_279 : memref<128x64xf32, #tpu.memory_space<vmem>>) offsets(%dma_start3A_286 : memref<128xi32, #tpu.memory_space<vmem>>) semaphore(%run_scoped3A_275 : memref<!tpu.dma_semaphore, #tpu.memory_space<semaphore_mem>>)
        %dma_wait3A_290 = arith.constant 0 : i32
        %dma_wait3A_291 = arith.constant 0 : i32
        %dma_wait3A_292 = tpu.memref_slice %run_scoped3A_17[%rem3A_150, %dma_wait3A_290, %dma_wait3A_291] : memref<2x128x64xf32, #tpu.memory_space<vmem>> -> memref<1x128x64xf32, #tpu.memory_space<vmem>>
        %dma_wait3A_293 = tpu.memref_squeeze %dma_wait3A_292 : memref<1x128x64xf32, #tpu.memory_space<vmem>> -> memref<128x64xf32, #tpu.memory_space<vmem>>
        %dma_wait3A_294 = arith.constant 0 : i32
        %dma_wait3A_295 = arith.constant 0 : i32
        %dma_wait3A_296 = tpu.memref_slice %run_scoped3A[%rem3A_148, %dma_wait3A_294, %dma_wait3A_295] : memref<2x1x128xi32, #tpu.memory_space<vmem>> -> memref<1x1x128xi32, #tpu.memory_space<vmem>>
        %dma_wait3A_297 = tpu.memref_squeeze %dma_wait3A_296 : memref<1x1x128xi32, #tpu.memory_space<vmem>> -> memref<1x128xi32, #tpu.memory_space<vmem>>
        %dma_wait3A_298 = arith.constant 0 : i32
        %dma_wait3A_299 = tpu.memref_slice %dma_wait3A_297[%run_scoped3A_151, %dma_wait3A_298] : memref<1x128xi32, #tpu.memory_space<vmem>> -> memref<1x128xi32, #tpu.memory_space<vmem>>
        %dma_wait3A_300 = tpu.memref_squeeze %dma_wait3A_299 : memref<1x128xi32, #tpu.memory_space<vmem>> -> memref<128xi32, #tpu.memory_space<vmem>>
        %dma_wait3A_301 = arith.constant 0 : i32
        %dma_wait3A_302 = arith.constant 0 : i32
        %dma_wait3A_303 = tpu.memref_slice %arg4[%dma_wait3A_301, %dma_wait3A_302] : memref<2015232x64xf32, #tpu.memory_space<hbm>> -> memref<2015232x64xf32, #tpu.memory_space<hbm>>
        tpu.wait_indirect_dma semaphore(%run_scoped3A_275 : memref<!tpu.dma_semaphore, #tpu.memory_space<semaphore_mem>>) src(%dma_wait3A_303 : memref<2015232x64xf32, #tpu.memory_space<hbm>>) dst(%dma_wait3A_293 : memref<128x64xf32, #tpu.memory_space<vmem>>)
        tpu.yield
      }) : () -> ()
      "tpu.trace_stop"() : () -> ()
      %ne3A_152 = arith.cmpi ne, %add3A_81, %add3A_101 : i32
      %or3A_153 = arith.constant false
      %or3A_154 = arith.ori %or3A_153, %ne3A_152 : i1
      %or3A_155 = arith.ori %or3A_154, %eq3A_79 : i1
      %convert_element_type3A_156 = arith.extui %or3A_155 : i1 to i32
      %cond3A_157 = arith.constant 0 : i32
      %cond3A_158 = arith.cmpi ne, %convert_element_type3A_156, %cond3A_157 : i32
      scf.if %cond3A_158 {
      } else {
      }
      %and3A_159 = arith.constant false
      %and3A_160 = arith.andi %or3A_155, %and3A_159 : i1
      %ne3A_161 = arith.cmpi ne, %add3A_81, %add3A_101 : i32
      %or3A_162 = arith.constant false
      %or3A_163 = arith.ori %or3A_162, %ne3A_161 : i1
      %or3A_164 = arith.constant false
      %or3A_165 = arith.ori %or3A_163, %or3A_164 : i1
      %or3A_166 = arith.ori %or3A_165, %eq3A_79 : i1
      %convert_element_type3A_167 = arith.extui %or3A_166 : i1 to i32
      %cond3A_168 = arith.constant 0 : i32
      %cond3A_169 = arith.cmpi ne, %convert_element_type3A_167, %cond3A_168 : i32
      scf.if %cond3A_169 {
        "tpu.trace_start"() <{level = 10 : i32, message = "ep_copy_out"}> : () -> ()
        %rem3A_275 = arith.constant 2 : i32
        %rem3A_276 = arith.remui %scan3A_72, %rem3A_275 : i32
        %mul3A_277 = arith.constant 128 : i32
        %mul3A_278 = arith.muli %mul3A_277, %add3A_81 : i32
        %dma_start3A_279 = arith.constant 0 : i32
        %dma_start3A_280 = arith.constant 0 : i32
        %dma_start3A_281 = tpu.memref_slice %run_scoped3A_17[%rem3A_276, %dma_start3A_279, %dma_start3A_280] : memref<2x128x64xf32, #tpu.memory_space<vmem>> -> memref<1x128x64xf32, #tpu.memory_space<vmem>>
        %dma_start3A_282 = tpu.memref_squeeze %dma_start3A_281 : memref<1x128x64xf32, #tpu.memory_space<vmem>> -> memref<128x64xf32, #tpu.memory_space<vmem>>
        %dma_start3A_283 = arith.constant 0 : i32
        %dma_start3A_284 = tpu.memref_slice %arg5[%mul3A_278, %dma_start3A_283] : memref<4096x64xf32, #tpu.memory_space<hbm>> -> memref<128x64xf32, #tpu.memory_space<hbm>>
        %dma_start3A_285 = tpu.memref_slice %run_scoped3A_18[%rem3A_276] : memref<2x!tpu.dma_semaphore, #tpu.memory_space<semaphore_mem>> -> memref<1x!tpu.dma_semaphore, #tpu.memory_space<semaphore_mem>>
        %dma_start3A_286 = tpu.memref_squeeze %dma_start3A_285 : memref<1x!tpu.dma_semaphore, #tpu.memory_space<semaphore_mem>> -> memref<!tpu.dma_semaphore, #tpu.memory_space<semaphore_mem>>
        %dma_start3A_287 = arith.constant 0 : i32
        %dma_start3A_288 = tpu.memref_slice %arg5[%mul3A_278, %dma_start3A_287] : memref<4096x64xf32, #tpu.memory_space<hbm>> -> memref<128x64xf32, #tpu.memory_space<hbm>>
        %dma_start3A_289 = arith.constant 0 : i32
        %dma_start3A_290 = arith.constant 0 : i32
        %dma_start3A_291 = tpu.memref_slice %run_scoped3A_17[%rem3A_276, %dma_start3A_289, %dma_start3A_290] : memref<2x128x64xf32, #tpu.memory_space<vmem>> -> memref<1x128x64xf32, #tpu.memory_space<vmem>>
        %dma_start3A_292 = tpu.memref_squeeze %dma_start3A_291 : memref<1x128x64xf32, #tpu.memory_space<vmem>> -> memref<128x64xf32, #tpu.memory_space<vmem>>
        tpu.enqueue_dma source(%dma_start3A_292 : memref<128x64xf32, #tpu.memory_space<vmem>>) target(%dma_start3A_288 : memref<128x64xf32, #tpu.memory_space<hbm>>) target_semaphore(%dma_start3A_286 : memref<!tpu.dma_semaphore, #tpu.memory_space<semaphore_mem>>)
        "tpu.trace_stop"() : () -> ()
      } else {
      }
      %and3A_170 = arith.constant true
      %and3A_171 = arith.andi %or3A_166, %and3A_170 : i1
      %add3A_172 = arith.constant 1 : i32
      %add3A_173 = arith.addi %scan3A_72, %add3A_172 : i32
      %select_n3A_174 = arith.select %and3A_171, %add3A_173, %scan3A_72 : i32
      %ne3A_175 = arith.cmpi ne, %add3A_81, %add3A_91 : i32
      %or3A_176 = arith.constant false
      %or3A_177 = arith.ori %or3A_176, %ne3A_175 : i1
      %not3A_178 = arith.constant true
      %not3A_179 = arith.xori %eq3A_77, %not3A_178 : i1
      %and3A_180 = arith.andi %or3A_177, %not3A_179 : i1
      %convert_element_type3A_181 = arith.extui %and3A_180 : i1 to i32
      %cond3A_182 = arith.constant 0 : i32
      %cond3A_183 = arith.cmpi ne, %convert_element_type3A_181, %cond3A_182 : i32
      scf.if %cond3A_183 {
      } else {
      }
      %and3A_184 = arith.constant false
      %and3A_185 = arith.andi %and3A_180, %and3A_184 : i1
      %ne3A_186 = arith.cmpi ne, %add3A_81, %add3A_91 : i32
      %or3A_187 = arith.constant false
      %or3A_188 = arith.ori %or3A_187, %ne3A_186 : i1
      %or3A_189 = arith.constant false
      %or3A_190 = arith.ori %or3A_188, %or3A_189 : i1
      %not3A_191 = arith.constant true
      %not3A_192 = arith.xori %eq3A_77, %not3A_191 : i1
      %and3A_193 = arith.andi %or3A_190, %not3A_192 : i1
      %convert_element_type3A_194 = arith.extui %and3A_193 : i1 to i32
      %cond3A_195 = arith.constant 0 : i32
      %cond3A_196 = arith.cmpi ne, %convert_element_type3A_194, %cond3A_195 : i32
      scf.if %cond3A_196 {
        "tpu.trace_start"() <{level = 10 : i32, message = "ep_wait_out"}> : () -> ()
        %rem3A_275 = arith.constant 2 : i32
        %rem3A_276 = arith.remui %scan3A_73, %rem3A_275 : i32
        %mul3A_277 = arith.constant 128 : i32
        %mul3A_278 = arith.muli %mul3A_277, %add3A_91 : i32
        %dma_wait3A_279 = arith.constant 0 : i32
        %dma_wait3A_280 = arith.constant 0 : i32
        %dma_wait3A_281 = tpu.memref_slice %run_scoped3A_17[%rem3A_276, %dma_wait3A_279, %dma_wait3A_280] : memref<2x128x64xf32, #tpu.memory_space<vmem>> -> memref<1x128x64xf32, #tpu.memory_space<vmem>>
        %dma_wait3A_282 = tpu.memref_squeeze %dma_wait3A_281 : memref<1x128x64xf32, #tpu.memory_space<vmem>> -> memref<128x64xf32, #tpu.memory_space<vmem>>
        %dma_wait3A_283 = arith.constant 0 : i32
        %dma_wait3A_284 = tpu.memref_slice %arg5[%mul3A_278, %dma_wait3A_283] : memref<4096x64xf32, #tpu.memory_space<hbm>> -> memref<128x64xf32, #tpu.memory_space<hbm>>
        %dma_wait3A_285 = tpu.memref_slice %run_scoped3A_18[%rem3A_276] : memref<2x!tpu.dma_semaphore, #tpu.memory_space<semaphore_mem>> -> memref<1x!tpu.dma_semaphore, #tpu.memory_space<semaphore_mem>>
        %dma_wait3A_286 = tpu.memref_squeeze %dma_wait3A_285 : memref<1x!tpu.dma_semaphore, #tpu.memory_space<semaphore_mem>> -> memref<!tpu.dma_semaphore, #tpu.memory_space<semaphore_mem>>
        %dma_wait3A_287 = arith.constant 0 : i32
        %dma_wait3A_288 = tpu.memref_slice %arg5[%mul3A_278, %dma_wait3A_287] : memref<4096x64xf32, #tpu.memory_space<hbm>> -> memref<128x64xf32, #tpu.memory_space<hbm>>
        %dma_wait3A_289 = arith.constant 0 : i32
        %dma_wait3A_290 = arith.constant 0 : i32
        %dma_wait3A_291 = tpu.memref_slice %run_scoped3A_17[%rem3A_276, %dma_wait3A_289, %dma_wait3A_290] : memref<2x128x64xf32, #tpu.memory_space<vmem>> -> memref<1x128x64xf32, #tpu.memory_space<vmem>>
        %dma_wait3A_292 = tpu.memref_squeeze %dma_wait3A_291 : memref<1x128x64xf32, #tpu.memory_space<vmem>> -> memref<128x64xf32, #tpu.memory_space<vmem>>
        tpu.wait_dma2 semaphore(%dma_wait3A_286 : memref<!tpu.dma_semaphore, #tpu.memory_space<semaphore_mem>>) src(%dma_wait3A_292 : memref<128x64xf32, #tpu.memory_space<vmem>>) dst(%dma_wait3A_288 : memref<128x64xf32, #tpu.memory_space<hbm>>)
        "tpu.trace_stop"() : () -> ()
      } else {
      }
      %and3A_197 = arith.constant true
      %and3A_198 = arith.andi %and3A_193, %and3A_197 : i1
      %add3A_199 = arith.constant 1 : i32
      %add3A_200 = arith.addi %scan3A_73, %add3A_199 : i32
      %select_n3A_201 = arith.select %and3A_198, %add3A_200, %scan3A_73 : i32
      %ne3A_202 = arith.cmpi ne, %add3A_81, %add3A_101 : i32
      %or3A_203 = arith.constant false
      %or3A_204 = arith.ori %or3A_203, %ne3A_202 : i1
      %or3A_205 = arith.ori %or3A_204, %eq3A_79 : i1
      %add3A_206 = arith.constant 1 : i32
      %add3A_207 = arith.addi %scan3A, %add3A_206 : i32
      %select_n3A_208 = arith.select %or3A_205, %add3A_207, %scan3A : i32
      %select_n3A_209 = arith.constant true
      %select_n3A_210 = arith.constant 0 : i32
      %select_n3A_211 = arith.constant 1 : i32
      %select_n3A_212 = arith.select %select_n3A_209, %select_n3A_211, %select_n3A_210 : i32
      %eq3A_213 = arith.constant 1 : i32
      %eq3A_214 = arith.cmpi eq, %select_n3A_212, %eq3A_213 : i32
      %select_n3A_215 = arith.constant 0 : i32
      %select_n3A_216 = arith.select %eq3A_214, %select_n3A_215, %select_n3A_212 : i32
      %scan3A_217 = arith.constant 0 : i32
      %scan3A_218 = arith.constant 1 : i32
      %sub3A = arith.constant 1 : i32
      %sub3A_219 = arith.subi %scan3A_217, %sub3A : i32
      %select_n3A_220 = arith.constant true
      %select_n3A_221 = arith.select %select_n3A_220, %sub3A_219, %scan3A_217 : i32
      %eq3A_222 = arith.constant -1 : i32
      %eq3A_223 = arith.cmpi eq, %select_n3A_221, %eq3A_222 : i32
      %select_n3A_224 = arith.constant 0 : i32
      %select_n3A_225 = arith.select %eq3A_223, %select_n3A_224, %select_n3A_221 : i32
      %add3A_226 = arith.constant 0 : i32
      %add3A_227 = arith.addi %add3A_226, %mul3A_6 : i32
      %select_n3A_228 = arith.constant true
      %select_n3A_229 = arith.constant 0 : i32
      %select_n3A_230 = arith.constant -1 : i32
      %select_n3A_231 = arith.select %select_n3A_228, %select_n3A_230, %select_n3A_229 : i32
      %eq3A_232 = arith.constant -1 : i32
      %eq3A_233 = arith.cmpi eq, %select_n3A_231, %eq3A_232 : i32
      %select_n3A_234 = arith.constant 0 : i32
      %select_n3A_235 = arith.select %eq3A_233, %select_n3A_234, %select_n3A_231 : i32
      %add3A_236 = arith.constant 0 : i32
      %add3A_237 = arith.addi %add3A_236, %mul3A_6 : i32
      %select_n3A_238 = arith.constant true
      %select_n3A_239 = arith.constant 0 : i32
      %select_n3A_240 = arith.constant 1 : i32
      %select_n3A_241 = arith.select %select_n3A_238, %select_n3A_240, %select_n3A_239 : i32
      %eq3A_242 = arith.constant 1 : i32
      %eq3A_243 = arith.cmpi eq, %select_n3A_241, %eq3A_242 : i32
      %select_n3A_244 = arith.constant 0 : i32
      %select_n3A_245 = arith.select %eq3A_243, %select_n3A_244, %select_n3A_241 : i32
      %add3A_246 = arith.constant 0 : i32
      %add3A_247 = arith.addi %add3A_246, %mul3A_6 : i32
      %select_n3A_248 = arith.constant true
      %select_n3A_249 = arith.constant 0 : i32
      %select_n3A_250 = arith.constant 1 : i32
      %select_n3A_251 = arith.select %select_n3A_248, %select_n3A_250, %select_n3A_249 : i32
      %eq3A_252 = arith.constant 1 : i32
      %eq3A_253 = arith.cmpi eq, %select_n3A_251, %eq3A_252 : i32
      %select_n3A_254 = arith.constant 0 : i32
      %select_n3A_255 = arith.select %eq3A_253, %select_n3A_254, %select_n3A_251 : i32
      %add3A_256 = arith.constant 0 : i32
      %add3A_257 = arith.addi %add3A_256, %mul3A_6 : i32
      "tpu.trace_start"() <{level = 10 : i32, message = "ep_finalize"}> : () -> ()
      %rem3A_258 = arith.constant 2 : i32
      %rem3A_259 = arith.remui %select_n3A_201, %rem3A_258 : i32
      %mul3A_260 = arith.constant 128 : i32
      %mul3A_261 = arith.muli %mul3A_260, %add3A_227 : i32
      %dma_wait3A = arith.constant 0 : i32
      %dma_wait3A_262 = arith.constant 0 : i32
      %dma_wait3A_263 = tpu.memref_slice %run_scoped3A_17[%rem3A_259, %dma_wait3A, %dma_wait3A_262] : memref<2x128x64xf32, #tpu.memory_space<vmem>> -> memref<1x128x64xf32, #tpu.memory_space<vmem>>
      %dma_wait3A_264 = tpu.memref_squeeze %dma_wait3A_263 : memref<1x128x64xf32, #tpu.memory_space<vmem>> -> memref<128x64xf32, #tpu.memory_space<vmem>>
      %dma_wait3A_265 = arith.constant 0 : i32
      %dma_wait3A_266 = tpu.memref_slice %arg5[%mul3A_261, %dma_wait3A_265] : memref<4096x64xf32, #tpu.memory_space<hbm>> -> memref<128x64xf32, #tpu.memory_space<hbm>>
      %dma_wait3A_267 = tpu.memref_slice %run_scoped3A_18[%rem3A_259] : memref<2x!tpu.dma_semaphore, #tpu.memory_space<semaphore_mem>> -> memref<1x!tpu.dma_semaphore, #tpu.memory_space<semaphore_mem>>
      %dma_wait3A_268 = tpu.memref_squeeze %dma_wait3A_267 : memref<1x!tpu.dma_semaphore, #tpu.memory_space<semaphore_mem>> -> memref<!tpu.dma_semaphore, #tpu.memory_space<semaphore_mem>>
      %dma_wait3A_269 = arith.constant 0 : i32
      %dma_wait3A_270 = tpu.memref_slice %arg5[%mul3A_261, %dma_wait3A_269] : memref<4096x64xf32, #tpu.memory_space<hbm>> -> memref<128x64xf32, #tpu.memory_space<hbm>>
      %dma_wait3A_271 = arith.constant 0 : i32
      %dma_wait3A_272 = arith.constant 0 : i32
      %dma_wait3A_273 = tpu.memref_slice %run_scoped3A_17[%rem3A_259, %dma_wait3A_271, %dma_wait3A_272] : memref<2x128x64xf32, #tpu.memory_space<vmem>> -> memref<1x128x64xf32, #tpu.memory_space<vmem>>
      %dma_wait3A_274 = tpu.memref_squeeze %dma_wait3A_273 : memref<1x128x64xf32, #tpu.memory_space<vmem>> -> memref<128x64xf32, #tpu.memory_space<vmem>>
      tpu.wait_dma2 semaphore(%dma_wait3A_268 : memref<!tpu.dma_semaphore, #tpu.memory_space<semaphore_mem>>) src(%dma_wait3A_274 : memref<128x64xf32, #tpu.memory_space<vmem>>) dst(%dma_wait3A_270 : memref<128x64xf32, #tpu.memory_space<hbm>>)
      "tpu.trace_stop"() : () -> ()
      tpu.yield
    }) : () -> ()
    %mul3A_7 = arith.constant 1 : i32
    %mul3A_8 = arith.muli %arg1, %mul3A_7 : i32
    %add3A_9 = arith.constant 0 : i32
    %add3A_10 = arith.addi %add3A_9, %mul3A_8 : i32
    %mul3A_11 = arith.constant 16 : i32
    %mul3A_12 = arith.muli %arg0, %mul3A_11 : i32
    %add3A_13 = arith.addi %add3A_10, %mul3A_12 : i32
    %mul3A_14 = arith.constant 1 : i32
    %mul3A_15 = arith.muli %add3A_13, %mul3A_14 : i32
    "tpu.region"() ({
      %run_scoped3A = memref.alloca() : memref<2x1x128xi32, #tpu.memory_space<vmem>>
      %run_scoped3A_16 = tpu.sem_alloc : memref<2x!tpu.dma_semaphore, #tpu.memory_space<semaphore_mem>>
      %run_scoped3A_17 = memref.alloca() : memref<2x128x64xf32, #tpu.memory_space<vmem>>
      %run_scoped3A_18 = tpu.sem_alloc : memref<2x!tpu.dma_semaphore, #tpu.memory_space<semaphore_mem>>
      %add3A_19 = arith.constant 0 : i32
      %add3A_20 = arith.addi %add3A_19, %mul3A_15 : i32
      %select_n3A = arith.constant true
      %select_n3A_21 = arith.constant 0 : i32
      %select_n3A_22 = arith.constant -1 : i32
      %select_n3A_23 = arith.select %select_n3A, %select_n3A_22, %select_n3A_21 : i32
      %eq3A = arith.constant -1 : i32
      %eq3A_24 = arith.cmpi eq, %select_n3A_23, %eq3A : i32
      %select_n3A_25 = arith.constant 0 : i32
      %select_n3A_26 = arith.select %eq3A_24, %select_n3A_25, %select_n3A_23 : i32
      %add3A_27 = arith.constant 0 : i32
      %add3A_28 = arith.addi %add3A_27, %mul3A_15 : i32
      %select_n3A_29 = arith.constant true
      %select_n3A_30 = arith.constant 0 : i32
      %select_n3A_31 = arith.constant 1 : i32
      %select_n3A_32 = arith.select %select_n3A_29, %select_n3A_31, %select_n3A_30 : i32
      %eq3A_33 = arith.constant 1 : i32
      %eq3A_34 = arith.cmpi eq, %select_n3A_32, %eq3A_33 : i32
      %select_n3A_35 = arith.constant 0 : i32
      %select_n3A_36 = arith.select %eq3A_34, %select_n3A_35, %select_n3A_32 : i32
      %add3A_37 = arith.constant 0 : i32
      %add3A_38 = arith.addi %add3A_37, %mul3A_15 : i32
      %select_n3A_39 = arith.constant true
      %select_n3A_40 = arith.constant 0 : i32
      %select_n3A_41 = arith.constant 1 : i32
      %select_n3A_42 = arith.select %select_n3A_39, %select_n3A_41, %select_n3A_40 : i32
      %eq3A_43 = arith.constant 1 : i32
      %eq3A_44 = arith.cmpi eq, %select_n3A_42, %eq3A_43 : i32
      %select_n3A_45 = arith.constant 0 : i32
      %select_n3A_46 = arith.select %eq3A_44, %select_n3A_45, %select_n3A_42 : i32
      %add3A_47 = arith.constant 0 : i32
      %add3A_48 = arith.addi %add3A_47, %mul3A_15 : i32
      "tpu.trace_start"() <{level = 10 : i32, message = "ep_initialize_0"}> : () -> ()
      %rem3A = arith.constant 0 : i32
      %rem3A_49 = arith.constant 2 : i32
      %rem3A_50 = arith.remui %rem3A, %rem3A_49 : i32
      %mul3A_51 = arith.constant 128 : i32
      %mul3A_52 = arith.muli %mul3A_51, %add3A_20 : i32
      %dma_start3A = arith.constant 0 : i32
      %dma_start3A_53 = arith.constant 0 : i32
      %dma_start3A_54 = tpu.memref_slice %run_scoped3A[%rem3A_50, %dma_start3A, %dma_start3A_53] : memref<2x1x128xi32, #tpu.memory_space<vmem>> -> memref<1x1x128xi32, #tpu.memory_space<vmem>>
      %dma_start3A_55 = tpu.memref_squeeze %dma_start3A_54 : memref<1x1x128xi32, #tpu.memory_space<vmem>> -> memref<1x128xi32, #tpu.memory_space<vmem>>
      %dma_start3A_56 = arith.constant 0 : i32
      %dma_start3A_57 = tpu.memref_slice %arg3[%dma_start3A_56, %mul3A_52] : memref<1x4096xi32, #tpu.memory_space<hbm>> -> memref<1x128xi32, #tpu.memory_space<hbm>>
      %dma_start3A_58 = tpu.memref_slice %run_scoped3A_16[%rem3A_50] : memref<2x!tpu.dma_semaphore, #tpu.memory_space<semaphore_mem>> -> memref<1x!tpu.dma_semaphore, #tpu.memory_space<semaphore_mem>>
      %dma_start3A_59 = tpu.memref_squeeze %dma_start3A_58 : memref<1x!tpu.dma_semaphore, #tpu.memory_space<semaphore_mem>> -> memref<!tpu.dma_semaphore, #tpu.memory_space<semaphore_mem>>
      %dma_start3A_60 = arith.constant 0 : i32
      %dma_start3A_61 = arith.constant 0 : i32
      %dma_start3A_62 = tpu.memref_slice %run_scoped3A[%rem3A_50, %dma_start3A_60, %dma_start3A_61] : memref<2x1x128xi32, #tpu.memory_space<vmem>> -> memref<1x1x128xi32, #tpu.memory_space<vmem>>
      %dma_start3A_63 = tpu.memref_squeeze %dma_start3A_62 : memref<1x1x128xi32, #tpu.memory_space<vmem>> -> memref<1x128xi32, #tpu.memory_space<vmem>>
      %dma_start3A_64 = arith.constant 0 : i32
      %dma_start3A_65 = tpu.memref_slice %arg3[%dma_start3A_64, %mul3A_52] : memref<1x4096xi32, #tpu.memory_space<hbm>> -> memref<1x128xi32, #tpu.memory_space<hbm>>
      tpu.enqueue_dma source(%dma_start3A_65 : memref<1x128xi32, #tpu.memory_space<hbm>>) target(%dma_start3A_63 : memref<1x128xi32, #tpu.memory_space<vmem>>) target_semaphore(%dma_start3A_59 : memref<!tpu.dma_semaphore, #tpu.memory_space<semaphore_mem>>)
      %add3A_66 = arith.constant 0 : i32
      %add3A_67 = arith.constant 1 : i32
      %add3A_68 = arith.addi %add3A_66, %add3A_67 : i32
      %select_n3A_69 = arith.constant true
      %select_n3A_70 = arith.constant 0 : i32
      %select_n3A_71 = arith.select %select_n3A_69, %add3A_68, %select_n3A_70 : i32
      "tpu.trace_stop"() : () -> ()
      %scan3A = arith.constant 0 : i32
      %scan3A_72 = arith.constant 0 : i32
      %scan3A_73 = arith.constant 0 : i32
      %scan3A_74 = arith.constant 0 : i32
      %scan3A_75 = arith.constant 0 : i32
      %eq3A_76 = arith.constant 0 : i32
      %eq3A_77 = arith.cmpi eq, %scan3A_75, %eq3A_76 : i32
      %eq3A_78 = arith.constant 0 : i32
      %eq3A_79 = arith.cmpi eq, %scan3A_75, %eq3A_78 : i32
      %add3A_80 = arith.constant 0 : i32
      %add3A_81 = arith.addi %add3A_80, %mul3A_15 : i32
      %select_n3A_82 = arith.constant true
      %select_n3A_83 = arith.constant 0 : i32
      %select_n3A_84 = arith.constant -1 : i32
      %select_n3A_85 = arith.select %select_n3A_82, %select_n3A_84, %select_n3A_83 : i32
      %eq3A_86 = arith.constant -1 : i32
      %eq3A_87 = arith.cmpi eq, %select_n3A_85, %eq3A_86 : i32
      %select_n3A_88 = arith.constant 0 : i32
      %select_n3A_89 = arith.select %eq3A_87, %select_n3A_88, %select_n3A_85 : i32
      %add3A_90 = arith.constant 0 : i32
      %add3A_91 = arith.addi %add3A_90, %mul3A_15 : i32
      %select_n3A_92 = arith.constant true
      %select_n3A_93 = arith.constant 0 : i32
      %select_n3A_94 = arith.constant 1 : i32
      %select_n3A_95 = arith.select %select_n3A_92, %select_n3A_94, %select_n3A_93 : i32
      %eq3A_96 = arith.constant 1 : i32
      %eq3A_97 = arith.cmpi eq, %select_n3A_95, %eq3A_96 : i32
      %select_n3A_98 = arith.constant 0 : i32
      %select_n3A_99 = arith.select %eq3A_97, %select_n3A_98, %select_n3A_95 : i32
      %add3A_100 = arith.constant 0 : i32
      %add3A_101 = arith.addi %add3A_100, %mul3A_15 : i32
      %select_n3A_102 = arith.constant true
      %select_n3A_103 = arith.constant 0 : i32
      %select_n3A_104 = arith.constant 1 : i32
      %select_n3A_105 = arith.select %select_n3A_102, %select_n3A_104, %select_n3A_103 : i32
      %eq3A_106 = arith.constant 1 : i32
      %eq3A_107 = arith.cmpi eq, %select_n3A_105, %eq3A_106 : i32
      %select_n3A_108 = arith.constant 0 : i32
      %select_n3A_109 = arith.select %eq3A_107, %select_n3A_108, %select_n3A_105 : i32
      %add3A_110 = arith.constant 0 : i32
      %add3A_111 = arith.addi %add3A_110, %mul3A_15 : i32
      %ne3A = arith.cmpi ne, %add3A_81, %add3A_101 : i32
      %or3A = arith.constant false
      %or3A_112 = arith.ori %or3A, %ne3A : i1
      %ge3A = arith.constant 0 : i32
      %ge3A_113 = arith.cmpi sge, %scan3A_75, %ge3A : i32
      %not3A = arith.constant true
      %not3A_114 = arith.xori %ge3A_113, %not3A : i1
      %and3A = arith.andi %or3A_112, %not3A_114 : i1
      %convert_element_type3A = arith.extui %and3A : i1 to i32
      %cond3A = arith.constant 0 : i32
      %cond3A_115 = arith.cmpi ne, %convert_element_type3A, %cond3A : i32
      scf.if %cond3A_115 {
        "tpu.trace_start"() <{level = 10 : i32, message = "ep_copy_in"}> : () -> ()
        %rem3A_275 = arith.constant 2 : i32
        %rem3A_276 = arith.remui %select_n3A_71, %rem3A_275 : i32
        %mul3A_277 = arith.constant 128 : i32
        %mul3A_278 = arith.muli %mul3A_277, %add3A_101 : i32
        %dma_start3A_279 = arith.constant 0 : i32
        %dma_start3A_280 = arith.constant 0 : i32
        %dma_start3A_281 = tpu.memref_slice %run_scoped3A[%rem3A_276, %dma_start3A_279, %dma_start3A_280] : memref<2x1x128xi32, #tpu.memory_space<vmem>> -> memref<1x1x128xi32, #tpu.memory_space<vmem>>
        %dma_start3A_282 = tpu.memref_squeeze %dma_start3A_281 : memref<1x1x128xi32, #tpu.memory_space<vmem>> -> memref<1x128xi32, #tpu.memory_space<vmem>>
        %dma_start3A_283 = arith.constant 0 : i32
        %dma_start3A_284 = tpu.memref_slice %arg3[%dma_start3A_283, %mul3A_278] : memref<1x4096xi32, #tpu.memory_space<hbm>> -> memref<1x128xi32, #tpu.memory_space<hbm>>
        %dma_start3A_285 = tpu.memref_slice %run_scoped3A_16[%rem3A_276] : memref<2x!tpu.dma_semaphore, #tpu.memory_space<semaphore_mem>> -> memref<1x!tpu.dma_semaphore, #tpu.memory_space<semaphore_mem>>
        %dma_start3A_286 = tpu.memref_squeeze %dma_start3A_285 : memref<1x!tpu.dma_semaphore, #tpu.memory_space<semaphore_mem>> -> memref<!tpu.dma_semaphore, #tpu.memory_space<semaphore_mem>>
        %dma_start3A_287 = arith.constant 0 : i32
        %dma_start3A_288 = arith.constant 0 : i32
        %dma_start3A_289 = tpu.memref_slice %run_scoped3A[%rem3A_276, %dma_start3A_287, %dma_start3A_288] : memref<2x1x128xi32, #tpu.memory_space<vmem>> -> memref<1x1x128xi32, #tpu.memory_space<vmem>>
        %dma_start3A_290 = tpu.memref_squeeze %dma_start3A_289 : memref<1x1x128xi32, #tpu.memory_space<vmem>> -> memref<1x128xi32, #tpu.memory_space<vmem>>
        %dma_start3A_291 = arith.constant 0 : i32
        %dma_start3A_292 = tpu.memref_slice %arg3[%dma_start3A_291, %mul3A_278] : memref<1x4096xi32, #tpu.memory_space<hbm>> -> memref<1x128xi32, #tpu.memory_space<hbm>>
        tpu.enqueue_dma source(%dma_start3A_292 : memref<1x128xi32, #tpu.memory_space<hbm>>) target(%dma_start3A_290 : memref<1x128xi32, #tpu.memory_space<vmem>>) target_semaphore(%dma_start3A_286 : memref<!tpu.dma_semaphore, #tpu.memory_space<semaphore_mem>>)
        "tpu.trace_stop"() : () -> ()
      } else {
      }
      %and3A_116 = arith.constant true
      %and3A_117 = arith.andi %and3A, %and3A_116 : i1
      %add3A_118 = arith.constant 1 : i32
      %add3A_119 = arith.addi %select_n3A_71, %add3A_118 : i32
      %select_n3A_120 = arith.select %and3A_117, %add3A_119, %select_n3A_71 : i32
      %ne3A_121 = arith.cmpi ne, %add3A_81, %add3A_101 : i32
      %or3A_122 = arith.constant false
      %or3A_123 = arith.ori %or3A_122, %ne3A_121 : i1
      %or3A_124 = arith.constant false
      %or3A_125 = arith.ori %or3A_123, %or3A_124 : i1
      %ge3A_126 = arith.constant 0 : i32
      %ge3A_127 = arith.cmpi sge, %scan3A_75, %ge3A_126 : i32
      %not3A_128 = arith.constant true
      %not3A_129 = arith.xori %ge3A_127, %not3A_128 : i1
      %and3A_130 = arith.andi %or3A_125, %not3A_129 : i1
      %ne3A_131 = arith.cmpi ne, %add3A_81, %add3A_91 : i32
      %or3A_132 = arith.constant false
      %or3A_133 = arith.ori %or3A_132, %ne3A_131 : i1
      %or3A_134 = arith.ori %or3A_133, %eq3A_77 : i1
      %convert_element_type3A_135 = arith.extui %or3A_134 : i1 to i32
      %cond3A_136 = arith.constant 0 : i32
      %cond3A_137 = arith.cmpi ne, %convert_element_type3A_135, %cond3A_136 : i32
      scf.if %cond3A_137 {
        "tpu.trace_start"() <{level = 10 : i32, message = "ep_wait_in"}> : () -> ()
        %mul3A_275 = arith.constant 128 : i32
        %mul3A_276 = arith.muli %mul3A_275, %add3A_81 : i32
        %rem3A_277 = arith.constant 2 : i32
        %rem3A_278 = arith.remui %scan3A, %rem3A_277 : i32
        %dma_wait3A_279 = arith.constant 0 : i32
        %dma_wait3A_280 = arith.constant 0 : i32
        %dma_wait3A_281 = tpu.memref_slice %run_scoped3A[%rem3A_278, %dma_wait3A_279, %dma_wait3A_280] : memref<2x1x128xi32, #tpu.memory_space<vmem>> -> memref<1x1x128xi32, #tpu.memory_space<vmem>>
        %dma_wait3A_282 = tpu.memref_squeeze %dma_wait3A_281 : memref<1x1x128xi32, #tpu.memory_space<vmem>> -> memref<1x128xi32, #tpu.memory_space<vmem>>
        %dma_wait3A_283 = arith.constant 0 : i32
        %dma_wait3A_284 = tpu.memref_slice %arg3[%dma_wait3A_283, %mul3A_276] : memref<1x4096xi32, #tpu.memory_space<hbm>> -> memref<1x128xi32, #tpu.memory_space<hbm>>
        %dma_wait3A_285 = tpu.memref_slice %run_scoped3A_16[%rem3A_278] : memref<2x!tpu.dma_semaphore, #tpu.memory_space<semaphore_mem>> -> memref<1x!tpu.dma_semaphore, #tpu.memory_space<semaphore_mem>>
        %dma_wait3A_286 = tpu.memref_squeeze %dma_wait3A_285 : memref<1x!tpu.dma_semaphore, #tpu.memory_space<semaphore_mem>> -> memref<!tpu.dma_semaphore, #tpu.memory_space<semaphore_mem>>
        %dma_wait3A_287 = arith.constant 0 : i32
        %dma_wait3A_288 = arith.constant 0 : i32
        %dma_wait3A_289 = tpu.memref_slice %run_scoped3A[%rem3A_278, %dma_wait3A_287, %dma_wait3A_288] : memref<2x1x128xi32, #tpu.memory_space<vmem>> -> memref<1x1x128xi32, #tpu.memory_space<vmem>>
        %dma_wait3A_290 = tpu.memref_squeeze %dma_wait3A_289 : memref<1x1x128xi32, #tpu.memory_space<vmem>> -> memref<1x128xi32, #tpu.memory_space<vmem>>
        %dma_wait3A_291 = arith.constant 0 : i32
        %dma_wait3A_292 = tpu.memref_slice %arg3[%dma_wait3A_291, %mul3A_276] : memref<1x4096xi32, #tpu.memory_space<hbm>> -> memref<1x128xi32, #tpu.memory_space<hbm>>
        tpu.wait_dma2 semaphore(%dma_wait3A_286 : memref<!tpu.dma_semaphore, #tpu.memory_space<semaphore_mem>>) src(%dma_wait3A_292 : memref<1x128xi32, #tpu.memory_space<hbm>>) dst(%dma_wait3A_290 : memref<1x128xi32, #tpu.memory_space<vmem>>)
        "tpu.trace_stop"() : () -> ()
      } else {
      }
      %ne3A_138 = arith.cmpi ne, %add3A_81, %add3A_91 : i32
      %or3A_139 = arith.constant false
      %or3A_140 = arith.ori %or3A_139, %ne3A_138 : i1
      %or3A_141 = arith.constant false
      %or3A_142 = arith.ori %or3A_140, %or3A_141 : i1
      %or3A_143 = arith.ori %or3A_142, %eq3A_77 : i1
      %convert_element_type3A_144 = arith.extui %or3A_143 : i1 to i32
      %cond3A_145 = arith.constant 0 : i32
      %cond3A_146 = arith.cmpi ne, %convert_element_type3A_144, %cond3A_145 : i32
      scf.if %cond3A_146 {
      } else {
      }
      %rem3A_147 = arith.constant 2 : i32
      %rem3A_148 = arith.remui %scan3A, %rem3A_147 : i32
      %rem3A_149 = arith.constant 2 : i32
      %rem3A_150 = arith.remui %scan3A_72, %rem3A_149 : i32
      %run_scoped3A_151 = arith.constant 0 : i32
      "tpu.trace_start"() <{level = 10 : i32, message = "ep_run_kernel"}> : () -> ()
      "tpu.region"() ({
        %run_scoped3A_275 = tpu.sem_alloc : memref<!tpu.dma_semaphore, #tpu.memory_space<semaphore_mem>>
        %dma_start3A_276 = arith.constant 0 : i32
        %dma_start3A_277 = arith.constant 0 : i32
        %dma_start3A_278 = tpu.memref_slice %run_scoped3A_17[%rem3A_150, %dma_start3A_276, %dma_start3A_277] : memref<2x128x64xf32, #tpu.memory_space<vmem>> -> memref<1x128x64xf32, #tpu.memory_space<vmem>>
        %dma_start3A_279 = tpu.memref_squeeze %dma_start3A_278 : memref<1x128x64xf32, #tpu.memory_space<vmem>> -> memref<128x64xf32, #tpu.memory_space<vmem>>
        %dma_start3A_280 = arith.constant 0 : i32
        %dma_start3A_281 = arith.constant 0 : i32
        %dma_start3A_282 = tpu.memref_slice %run_scoped3A[%rem3A_148, %dma_start3A_280, %dma_start3A_281] : memref<2x1x128xi32, #tpu.memory_space<vmem>> -> memref<1x1x128xi32, #tpu.memory_space<vmem>>
        %dma_start3A_283 = tpu.memref_squeeze %dma_start3A_282 : memref<1x1x128xi32, #tpu.memory_space<vmem>> -> memref<1x128xi32, #tpu.memory_space<vmem>>
        %dma_start3A_284 = arith.constant 0 : i32
        %dma_start3A_285 = tpu.memref_slice %dma_start3A_283[%run_scoped3A_151, %dma_start3A_284] : memref<1x128xi32, #tpu.memory_space<vmem>> -> memref<1x128xi32, #tpu.memory_space<vmem>>
        %dma_start3A_286 = tpu.memref_squeeze %dma_start3A_285 : memref<1x128xi32, #tpu.memory_space<vmem>> -> memref<128xi32, #tpu.memory_space<vmem>>
        %dma_start3A_287 = arith.constant 0 : i32
        %dma_start3A_288 = arith.constant 0 : i32
        %dma_start3A_289 = tpu.memref_slice %arg4[%dma_start3A_287, %dma_start3A_288] : memref<2015232x64xf32, #tpu.memory_space<hbm>> -> memref<2015232x64xf32, #tpu.memory_space<hbm>>
        tpu.enqueue_indirect_dma source(%dma_start3A_289 : memref<2015232x64xf32, #tpu.memory_space<hbm>>) target(%dma_start3A_279 : memref<128x64xf32, #tpu.memory_space<vmem>>) offsets(%dma_start3A_286 : memref<128xi32, #tpu.memory_space<vmem>>) semaphore(%run_scoped3A_275 : memref<!tpu.dma_semaphore, #tpu.memory_space<semaphore_mem>>)
        %dma_wait3A_290 = arith.constant 0 : i32
        %dma_wait3A_291 = arith.constant 0 : i32
        %dma_wait3A_292 = tpu.memref_slice %run_scoped3A_17[%rem3A_150, %dma_wait3A_290, %dma_wait3A_291] : memref<2x128x64xf32, #tpu.memory_space<vmem>> -> memref<1x128x64xf32, #tpu.memory_space<vmem>>
        %dma_wait3A_293 = tpu.memref_squeeze %dma_wait3A_292 : memref<1x128x64xf32, #tpu.memory_space<vmem>> -> memref<128x64xf32, #tpu.memory_space<vmem>>
        %dma_wait3A_294 = arith.constant 0 : i32
        %dma_wait3A_295 = arith.constant 0 : i32
        %dma_wait3A_296 = tpu.memref_slice %run_scoped3A[%rem3A_148, %dma_wait3A_294, %dma_wait3A_295] : memref<2x1x128xi32, #tpu.memory_space<vmem>> -> memref<1x1x128xi32, #tpu.memory_space<vmem>>
        %dma_wait3A_297 = tpu.memref_squeeze %dma_wait3A_296 : memref<1x1x128xi32, #tpu.memory_space<vmem>> -> memref<1x128xi32, #tpu.memory_space<vmem>>
        %dma_wait3A_298 = arith.constant 0 : i32
        %dma_wait3A_299 = tpu.memref_slice %dma_wait3A_297[%run_scoped3A_151, %dma_wait3A_298] : memref<1x128xi32, #tpu.memory_space<vmem>> -> memref<1x128xi32, #tpu.memory_space<vmem>>
        %dma_wait3A_300 = tpu.memref_squeeze %dma_wait3A_299 : memref<1x128xi32, #tpu.memory_space<vmem>> -> memref<128xi32, #tpu.memory_space<vmem>>
        %dma_wait3A_301 = arith.constant 0 : i32
        %dma_wait3A_302 = arith.constant 0 : i32
        %dma_wait3A_303 = tpu.memref_slice %arg4[%dma_wait3A_301, %dma_wait3A_302] : memref<2015232x64xf32, #tpu.memory_space<hbm>> -> memref<2015232x64xf32, #tpu.memory_space<hbm>>
        tpu.wait_indirect_dma semaphore(%run_scoped3A_275 : memref<!tpu.dma_semaphore, #tpu.memory_space<semaphore_mem>>) src(%dma_wait3A_303 : memref<2015232x64xf32, #tpu.memory_space<hbm>>) dst(%dma_wait3A_293 : memref<128x64xf32, #tpu.memory_space<vmem>>)
        tpu.yield
      }) : () -> ()
      "tpu.trace_stop"() : () -> ()
      %ne3A_152 = arith.cmpi ne, %add3A_81, %add3A_101 : i32
      %or3A_153 = arith.constant false
      %or3A_154 = arith.ori %or3A_153, %ne3A_152 : i1
      %or3A_155 = arith.ori %or3A_154, %eq3A_79 : i1
      %convert_element_type3A_156 = arith.extui %or3A_155 : i1 to i32
      %cond3A_157 = arith.constant 0 : i32
      %cond3A_158 = arith.cmpi ne, %convert_element_type3A_156, %cond3A_157 : i32
      scf.if %cond3A_158 {
      } else {
      }
      %and3A_159 = arith.constant false
      %and3A_160 = arith.andi %or3A_155, %and3A_159 : i1
      %ne3A_161 = arith.cmpi ne, %add3A_81, %add3A_101 : i32
      %or3A_162 = arith.constant false
      %or3A_163 = arith.ori %or3A_162, %ne3A_161 : i1
      %or3A_164 = arith.constant false
      %or3A_165 = arith.ori %or3A_163, %or3A_164 : i1
      %or3A_166 = arith.ori %or3A_165, %eq3A_79 : i1
      %convert_element_type3A_167 = arith.extui %or3A_166 : i1 to i32
      %cond3A_168 = arith.constant 0 : i32
      %cond3A_169 = arith.cmpi ne, %convert_element_type3A_167, %cond3A_168 : i32
      scf.if %cond3A_169 {
        "tpu.trace_start"() <{level = 10 : i32, message = "ep_copy_out"}> : () -> ()
        %rem3A_275 = arith.constant 2 : i32
        %rem3A_276 = arith.remui %scan3A_72, %rem3A_275 : i32
        %mul3A_277 = arith.constant 128 : i32
        %mul3A_278 = arith.muli %mul3A_277, %add3A_81 : i32
        %dma_start3A_279 = arith.constant 0 : i32
        %dma_start3A_280 = arith.constant 0 : i32
        %dma_start3A_281 = tpu.memref_slice %run_scoped3A_17[%rem3A_276, %dma_start3A_279, %dma_start3A_280] : memref<2x128x64xf32, #tpu.memory_space<vmem>> -> memref<1x128x64xf32, #tpu.memory_space<vmem>>
        %dma_start3A_282 = tpu.memref_squeeze %dma_start3A_281 : memref<1x128x64xf32, #tpu.memory_space<vmem>> -> memref<128x64xf32, #tpu.memory_space<vmem>>
        %dma_start3A_283 = arith.constant 0 : i32
        %dma_start3A_284 = tpu.memref_slice %arg6[%mul3A_278, %dma_start3A_283] : memref<4096x64xf32, #tpu.memory_space<hbm>> -> memref<128x64xf32, #tpu.memory_space<hbm>>
        %dma_start3A_285 = tpu.memref_slice %run_scoped3A_18[%rem3A_276] : memref<2x!tpu.dma_semaphore, #tpu.memory_space<semaphore_mem>> -> memref<1x!tpu.dma_semaphore, #tpu.memory_space<semaphore_mem>>
        %dma_start3A_286 = tpu.memref_squeeze %dma_start3A_285 : memref<1x!tpu.dma_semaphore, #tpu.memory_space<semaphore_mem>> -> memref<!tpu.dma_semaphore, #tpu.memory_space<semaphore_mem>>
        %dma_start3A_287 = arith.constant 0 : i32
        %dma_start3A_288 = tpu.memref_slice %arg6[%mul3A_278, %dma_start3A_287] : memref<4096x64xf32, #tpu.memory_space<hbm>> -> memref<128x64xf32, #tpu.memory_space<hbm>>
        %dma_start3A_289 = arith.constant 0 : i32
        %dma_start3A_290 = arith.constant 0 : i32
        %dma_start3A_291 = tpu.memref_slice %run_scoped3A_17[%rem3A_276, %dma_start3A_289, %dma_start3A_290] : memref<2x128x64xf32, #tpu.memory_space<vmem>> -> memref<1x128x64xf32, #tpu.memory_space<vmem>>
        %dma_start3A_292 = tpu.memref_squeeze %dma_start3A_291 : memref<1x128x64xf32, #tpu.memory_space<vmem>> -> memref<128x64xf32, #tpu.memory_space<vmem>>
        tpu.enqueue_dma source(%dma_start3A_292 : memref<128x64xf32, #tpu.memory_space<vmem>>) target(%dma_start3A_288 : memref<128x64xf32, #tpu.memory_space<hbm>>) target_semaphore(%dma_start3A_286 : memref<!tpu.dma_semaphore, #tpu.memory_space<semaphore_mem>>)
        "tpu.trace_stop"() : () -> ()
      } else {
      }
      %and3A_170 = arith.constant true
      %and3A_171 = arith.andi %or3A_166, %and3A_170 : i1
      %add3A_172 = arith.constant 1 : i32
      %add3A_173 = arith.addi %scan3A_72, %add3A_172 : i32
      %select_n3A_174 = arith.select %and3A_171, %add3A_173, %scan3A_72 : i32
      %ne3A_175 = arith.cmpi ne, %add3A_81, %add3A_91 : i32
      %or3A_176 = arith.constant false
      %or3A_177 = arith.ori %or3A_176, %ne3A_175 : i1
      %not3A_178 = arith.constant true
      %not3A_179 = arith.xori %eq3A_77, %not3A_178 : i1
      %and3A_180 = arith.andi %or3A_177, %not3A_179 : i1
      %convert_element_type3A_181 = arith.extui %and3A_180 : i1 to i32
      %cond3A_182 = arith.constant 0 : i32
      %cond3A_183 = arith.cmpi ne, %convert_element_type3A_181, %cond3A_182 : i32
      scf.if %cond3A_183 {
      } else {
      }
      %and3A_184 = arith.constant false
      %and3A_185 = arith.andi %and3A_180, %and3A_184 : i1
      %ne3A_186 = arith.cmpi ne, %add3A_81, %add3A_91 : i32
      %or3A_187 = arith.constant false
      %or3A_188 = arith.ori %or3A_187, %ne3A_186 : i1
      %or3A_189 = arith.constant false
      %or3A_190 = arith.ori %or3A_188, %or3A_189 : i1
      %not3A_191 = arith.constant true
      %not3A_192 = arith.xori %eq3A_77, %not3A_191 : i1
      %and3A_193 = arith.andi %or3A_190, %not3A_192 : i1
      %convert_element_type3A_194 = arith.extui %and3A_193 : i1 to i32
      %cond3A_195 = arith.constant 0 : i32
      %cond3A_196 = arith.cmpi ne, %convert_element_type3A_194, %cond3A_195 : i32
      scf.if %cond3A_196 {
        "tpu.trace_start"() <{level = 10 : i32, message = "ep_wait_out"}> : () -> ()
        %rem3A_275 = arith.constant 2 : i32
        %rem3A_276 = arith.remui %scan3A_73, %rem3A_275 : i32
        %mul3A_277 = arith.constant 128 : i32
        %mul3A_278 = arith.muli %mul3A_277, %add3A_91 : i32
        %dma_wait3A_279 = arith.constant 0 : i32
        %dma_wait3A_280 = arith.constant 0 : i32
        %dma_wait3A_281 = tpu.memref_slice %run_scoped3A_17[%rem3A_276, %dma_wait3A_279, %dma_wait3A_280] : memref<2x128x64xf32, #tpu.memory_space<vmem>> -> memref<1x128x64xf32, #tpu.memory_space<vmem>>
        %dma_wait3A_282 = tpu.memref_squeeze %dma_wait3A_281 : memref<1x128x64xf32, #tpu.memory_space<vmem>> -> memref<128x64xf32, #tpu.memory_space<vmem>>
        %dma_wait3A_283 = arith.constant 0 : i32
        %dma_wait3A_284 = tpu.memref_slice %arg6[%mul3A_278, %dma_wait3A_283] : memref<4096x64xf32, #tpu.memory_space<hbm>> -> memref<128x64xf32, #tpu.memory_space<hbm>>
        %dma_wait3A_285 = tpu.memref_slice %run_scoped3A_18[%rem3A_276] : memref<2x!tpu.dma_semaphore, #tpu.memory_space<semaphore_mem>> -> memref<1x!tpu.dma_semaphore, #tpu.memory_space<semaphore_mem>>
        %dma_wait3A_286 = tpu.memref_squeeze %dma_wait3A_285 : memref<1x!tpu.dma_semaphore, #tpu.memory_space<semaphore_mem>> -> memref<!tpu.dma_semaphore, #tpu.memory_space<semaphore_mem>>
        %dma_wait3A_287 = arith.constant 0 : i32
        %dma_wait3A_288 = tpu.memref_slice %arg6[%mul3A_278, %dma_wait3A_287] : memref<4096x64xf32, #tpu.memory_space<hbm>> -> memref<128x64xf32, #tpu.memory_space<hbm>>
        %dma_wait3A_289 = arith.constant 0 : i32
        %dma_wait3A_290 = arith.constant 0 : i32
        %dma_wait3A_291 = tpu.memref_slice %run_scoped3A_17[%rem3A_276, %dma_wait3A_289, %dma_wait3A_290] : memref<2x128x64xf32, #tpu.memory_space<vmem>> -> memref<1x128x64xf32, #tpu.memory_space<vmem>>
        %dma_wait3A_292 = tpu.memref_squeeze %dma_wait3A_291 : memref<1x128x64xf32, #tpu.memory_space<vmem>> -> memref<128x64xf32, #tpu.memory_space<vmem>>
        tpu.wait_dma2 semaphore(%dma_wait3A_286 : memref<!tpu.dma_semaphore, #tpu.memory_space<semaphore_mem>>) src(%dma_wait3A_292 : memref<128x64xf32, #tpu.memory_space<vmem>>) dst(%dma_wait3A_288 : memref<128x64xf32, #tpu.memory_space<hbm>>)
        "tpu.trace_stop"() : () -> ()
      } else {
      }
      %and3A_197 = arith.constant true
      %and3A_198 = arith.andi %and3A_193, %and3A_197 : i1
      %add3A_199 = arith.constant 1 : i32
      %add3A_200 = arith.addi %scan3A_73, %add3A_199 : i32
      %select_n3A_201 = arith.select %and3A_198, %add3A_200, %scan3A_73 : i32
      %ne3A_202 = arith.cmpi ne, %add3A_81, %add3A_101 : i32
      %or3A_203 = arith.constant false
      %or3A_204 = arith.ori %or3A_203, %ne3A_202 : i1
      %or3A_205 = arith.ori %or3A_204, %eq3A_79 : i1
      %add3A_206 = arith.constant 1 : i32
      %add3A_207 = arith.addi %scan3A, %add3A_206 : i32
      %select_n3A_208 = arith.select %or3A_205, %add3A_207, %scan3A : i32
      %select_n3A_209 = arith.constant true
      %select_n3A_210 = arith.constant 0 : i32
      %select_n3A_211 = arith.constant 1 : i32
      %select_n3A_212 = arith.select %select_n3A_209, %select_n3A_211, %select_n3A_210 : i32
      %eq3A_213 = arith.constant 1 : i32
      %eq3A_214 = arith.cmpi eq, %select_n3A_212, %eq3A_213 : i32
      %select_n3A_215 = arith.constant 0 : i32
      %select_n3A_216 = arith.select %eq3A_214, %select_n3A_215, %select_n3A_212 : i32
      %scan3A_217 = arith.constant 0 : i32
      %scan3A_218 = arith.constant 1 : i32
      %sub3A = arith.constant 1 : i32
      %sub3A_219 = arith.subi %scan3A_217, %sub3A : i32
      %select_n3A_220 = arith.constant true
      %select_n3A_221 = arith.select %select_n3A_220, %sub3A_219, %scan3A_217 : i32
      %eq3A_222 = arith.constant -1 : i32
      %eq3A_223 = arith.cmpi eq, %select_n3A_221, %eq3A_222 : i32
      %select_n3A_224 = arith.constant 0 : i32
      %select_n3A_225 = arith.select %eq3A_223, %select_n3A_224, %select_n3A_221 : i32
      %add3A_226 = arith.constant 0 : i32
      %add3A_227 = arith.addi %add3A_226, %mul3A_15 : i32
      %select_n3A_228 = arith.constant true
      %select_n3A_229 = arith.constant 0 : i32
      %select_n3A_230 = arith.constant -1 : i32
      %select_n3A_231 = arith.select %select_n3A_228, %select_n3A_230, %select_n3A_229 : i32
      %eq3A_232 = arith.constant -1 : i32
      %eq3A_233 = arith.cmpi eq, %select_n3A_231, %eq3A_232 : i32
      %select_n3A_234 = arith.constant 0 : i32
      %select_n3A_235 = arith.select %eq3A_233, %select_n3A_234, %select_n3A_231 : i32
      %add3A_236 = arith.constant 0 : i32
      %add3A_237 = arith.addi %add3A_236, %mul3A_15 : i32
      %select_n3A_238 = arith.constant true
      %select_n3A_239 = arith.constant 0 : i32
      %select_n3A_240 = arith.constant 1 : i32
      %select_n3A_241 = arith.select %select_n3A_238, %select_n3A_240, %select_n3A_239 : i32
      %eq3A_242 = arith.constant 1 : i32
      %eq3A_243 = arith.cmpi eq, %select_n3A_241, %eq3A_242 : i32
      %select_n3A_244 = arith.constant 0 : i32
      %select_n3A_245 = arith.select %eq3A_243, %select_n3A_244, %select_n3A_241 : i32
      %add3A_246 = arith.constant 0 : i32
      %add3A_247 = arith.addi %add3A_246, %mul3A_15 : i32
      %select_n3A_248 = arith.constant true
      %select_n3A_249 = arith.constant 0 : i32
      %select_n3A_250 = arith.constant 1 : i32
      %select_n3A_251 = arith.select %select_n3A_248, %select_n3A_250, %select_n3A_249 : i32
      %eq3A_252 = arith.constant 1 : i32
      %eq3A_253 = arith.cmpi eq, %select_n3A_251, %eq3A_252 : i32
      %select_n3A_254 = arith.constant 0 : i32
      %select_n3A_255 = arith.select %eq3A_253, %select_n3A_254, %select_n3A_251 : i32
      %add3A_256 = arith.constant 0 : i32
      %add3A_257 = arith.addi %add3A_256, %mul3A_15 : i32
      "tpu.trace_start"() <{level = 10 : i32, message = "ep_finalize"}> : () -> ()
      %rem3A_258 = arith.constant 2 : i32
      %rem3A_259 = arith.remui %select_n3A_201, %rem3A_258 : i32
      %mul3A_260 = arith.constant 128 : i32
      %mul3A_261 = arith.muli %mul3A_260, %add3A_227 : i32
      %dma_wait3A = arith.constant 0 : i32
      %dma_wait3A_262 = arith.constant 0 : i32
      %dma_wait3A_263 = tpu.memref_slice %run_scoped3A_17[%rem3A_259, %dma_wait3A, %dma_wait3A_262] : memref<2x128x64xf32, #tpu.memory_space<vmem>> -> memref<1x128x64xf32, #tpu.memory_space<vmem>>
      %dma_wait3A_264 = tpu.memref_squeeze %dma_wait3A_263 : memref<1x128x64xf32, #tpu.memory_space<vmem>> -> memref<128x64xf32, #tpu.memory_space<vmem>>
      %dma_wait3A_265 = arith.constant 0 : i32
      %dma_wait3A_266 = tpu.memref_slice %arg6[%mul3A_261, %dma_wait3A_265] : memref<4096x64xf32, #tpu.memory_space<hbm>> -> memref<128x64xf32, #tpu.memory_space<hbm>>
      %dma_wait3A_267 = tpu.memref_slice %run_scoped3A_18[%rem3A_259] : memref<2x!tpu.dma_semaphore, #tpu.memory_space<semaphore_mem>> -> memref<1x!tpu.dma_semaphore, #tpu.memory_space<semaphore_mem>>
      %dma_wait3A_268 = tpu.memref_squeeze %dma_wait3A_267 : memref<1x!tpu.dma_semaphore, #tpu.memory_space<semaphore_mem>> -> memref<!tpu.dma_semaphore, #tpu.memory_space<semaphore_mem>>
      %dma_wait3A_269 = arith.constant 0 : i32
      %dma_wait3A_270 = tpu.memref_slice %arg6[%mul3A_261, %dma_wait3A_269] : memref<4096x64xf32, #tpu.memory_space<hbm>> -> memref<128x64xf32, #tpu.memory_space<hbm>>
      %dma_wait3A_271 = arith.constant 0 : i32
      %dma_wait3A_272 = arith.constant 0 : i32
      %dma_wait3A_273 = tpu.memref_slice %run_scoped3A_17[%rem3A_259, %dma_wait3A_271, %dma_wait3A_272] : memref<2x128x64xf32, #tpu.memory_space<vmem>> -> memref<1x128x64xf32, #tpu.memory_space<vmem>>
      %dma_wait3A_274 = tpu.memref_squeeze %dma_wait3A_273 : memref<1x128x64xf32, #tpu.memory_space<vmem>> -> memref<128x64xf32, #tpu.memory_space<vmem>>
      tpu.wait_dma2 semaphore(%dma_wait3A_268 : memref<!tpu.dma_semaphore, #tpu.memory_space<semaphore_mem>>) src(%dma_wait3A_274 : memref<128x64xf32, #tpu.memory_space<vmem>>) dst(%dma_wait3A_270 : memref<128x64xf32, #tpu.memory_space<hbm>>)
      "tpu.trace_stop"() : () -> ()
      tpu.yield
    }) : () -> ()
    return
  }
}

module attributes {stable_mosaic.version = 14 : i64} {
  func.func @body(%arg0: i32, %arg1: memref<64x8192xf32, #tpu.memory_space<vmem>>, %arg2: memref<64x8192xf32, #tpu.memory_space<vmem>>, %arg3: memref<8192x128xf32, #tpu.memory_space<vmem>>) attributes {dimension_semantics = [#tpu.dimension_semantics<parallel>], iteration_bounds = array<i64: 123>, scalar_prefetch = 0 : i64, scratch_operands = 0 : i64, tpu.core_type = #tpu.core_type<tc>, window_params = [{transform_indices = @transform_0, window_bounds = array<i64: 64, 8192>}, {transform_indices = @transform_1, window_bounds = array<i64: 64, 8192>}, {transform_indices = @transform_2, window_bounds = array<i64: 8192, 128>}]} {
    %get3A = arith.constant 0 : index
    %get3A_0 = arith.constant 0 : index
    %get3A_1 = vector.load %arg1[%get3A, %get3A_0] : memref<64x8192xf32, #tpu.memory_space<vmem>>, vector<64x8192xf32>
    %get3A_2 = arith.constant 0 : index
    %get3A_3 = arith.constant 0 : index
    %get3A_4 = vector.load %arg2[%get3A_2, %get3A_3] : memref<64x8192xf32, #tpu.memory_space<vmem>>, vector<64x8192xf32>
    %concatenate3A = tpu.concatenate %get3A_1, %get3A_4 in 0 : vector<64x8192xf32>, vector<64x8192xf32> -> vector<128x8192xf32>
    %transpose3A = tpu.transpose %concatenate3A, [1, 0] : vector<128x8192xf32> -> vector<8192x128xf32>
    %swap3A = arith.constant 0 : index
    %swap3A_5 = arith.constant 0 : index
    %swap3A_6 = vector.load %arg3[%swap3A, %swap3A_5] : memref<8192x128xf32, #tpu.memory_space<vmem>>, vector<8192x128xf32>
    tpu.vector_store %arg3[%swap3A, %swap3A_5], %transpose3A {strides = array<i32>} : memref<8192x128xf32, #tpu.memory_space<vmem>>, vector<8192x128xf32>,
    return
  }
  func.func @transform_0(%arg0: i32) -> (i32, i32) {
    %c0_i32 = arith.constant 0 : i32
    %c0_i32_0 = arith.constant 0 : i32
    return %c0_i32, %arg0 : i32, i32
  }
  func.func @transform_1(%arg0: i32) -> (i32, i32) {
    %c0_i32 = arith.constant 0 : i32
    %c0_i32_0 = arith.constant 0 : i32
    return %c0_i32, %arg0 : i32, i32
  }
  func.func @transform_2(%arg0: i32) -> (i32, i32) {
    %c0_i32 = arith.constant 0 : i32
    %c0_i32_0 = arith.constant 0 : i32
    return %arg0, %c0_i32 : i32, i32
  }
}

module attributes {stable_mosaic.version = 14 : i64} {
  func.func @body(%arg0: i32, %arg1: memref<128x64xf32, #tpu.memory_space<vmem>>, %arg2: memref<128x64xf32, #tpu.memory_space<vmem>>, %arg3: memref<128x64xf32, #tpu.memory_space<vmem>>, %arg4: memref<128x1xf32, #tpu.memory_space<vmem>>, %arg5: memref<2x64xf32, #tpu.memory_space<vmem>>, %arg6: memref<128x64xf32, #tpu.memory_space<vmem>>, %arg7: memref<1x64xf32, #tpu.memory_space<vmem>>, %arg8: memref<1280x128xf32, #tpu.memory_space<vmem>>, %arg9: memref<1280x128xf32, #tpu.memory_space<vmem>>, %arg10: memref<1280x128xf32, #tpu.memory_space<vmem>>, %arg11: memref<1280x640xf32, #tpu.memory_space<vmem>>, %arg12: memref<1x1x1xf32, #tpu.memory_space<vmem>>, %arg13: memref<1x1x1xf32, #tpu.memory_space<vmem>>) attributes {dimension_semantics = [#tpu.dimension_semantics<parallel>], iteration_bounds = array<i64: 32>, scalar_prefetch = 0 : i64, scratch_operands = 0 : i64, tpu.core_type = #tpu.core_type<tc>, window_params = [{transform_indices = @transform_0, window_bounds = array<i64: 128, 64>}, {transform_indices = @transform_1, window_bounds = array<i64: 128, 64>}, {transform_indices = @transform_2, window_bounds = array<i64: 128, 64>}, {transform_indices = @transform_3, window_bounds = array<i64: 128, 1>}, {pipeline_mode = #tpu.pipeline_mode<synchronous>, transform_indices = @transform_4, window_bounds = array<i64: 2, 64>}, {pipeline_mode = #tpu.pipeline_mode<synchronous>, transform_indices = @transform_5, window_bounds = array<i64: 128, 64>}, {pipeline_mode = #tpu.pipeline_mode<synchronous>, transform_indices = @transform_6, window_bounds = array<i64: 1, 64>}, {transform_indices = @transform_7, window_bounds = array<i64: 1280, 128>}, {transform_indices = @transform_8, window_bounds = array<i64: 1280, 128>}, {transform_indices = @transform_9, window_bounds = array<i64: 1280, 128>}, {transform_indices = @transform_10, window_bounds = array<i64: 1280, 640>}, {transform_indices = @transform_11, window_bounds = array<i64: 1, 1, 1>}, {transform_indices = @transform_12, window_bounds = array<i64: 1, 1, 1>}]} {
    %get3A = arith.constant 0 : index
    %get3A_0 = arith.constant 0 : index
    %get3A_1 = vector.load %arg1[%get3A, %get3A_0] : memref<128x64xf32, #tpu.memory_space<vmem>>, vector<128x64xf32>
    %get3A_2 = arith.constant 0 : index
    %get3A_3 = arith.constant 0 : index
    %get3A_4 = vector.load %arg2[%get3A_2, %get3A_3] : memref<128x64xf32, #tpu.memory_space<vmem>>, vector<128x64xf32>
    %get3A_5 = arith.constant 0 : index
    %get3A_6 = arith.constant 0 : index
    %get3A_7 = vector.load %arg3[%get3A_5, %get3A_6] : memref<128x64xf32, #tpu.memory_space<vmem>>, vector<128x64xf32>
    %get3A_8 = arith.constant 0 : index
    %get3A_9 = arith.constant 0 : index
    %get3A_10 = vector.load %arg4[%get3A_8, %get3A_9] : memref<128x1xf32, #tpu.memory_space<vmem>>, vector<128x1xf32>
    %get3A_11 = arith.constant 0 : index
    %get3A_12 = arith.constant 0 : index
    %get3A_13 = vector.load %arg5[%get3A_11, %get3A_12] : memref<2x64xf32, #tpu.memory_space<vmem>>, vector<2x64xf32>
    %get3A_14 = arith.constant 0 : index
    %get3A_15 = arith.constant 0 : index
    %get3A_16 = vector.load %arg6[%get3A_14, %get3A_15] : memref<128x64xf32, #tpu.memory_space<vmem>>, vector<128x64xf32>
    %get3A_17 = arith.constant 0 : index
    %get3A_18 = arith.constant 0 : index
    %get3A_19 = vector.load %arg7[%get3A_17, %get3A_18] : memref<1x64xf32, #tpu.memory_space<vmem>>, vector<1x64xf32>
    %slice3A = vector.extract_strided_slice %get3A_13 {offsets = [0, 0], sizes = [1, 64], strides = [1, 1]} : vector<2x64xf32> to vector<1x64xf32>
    %slice3A_20 = vector.extract_strided_slice %get3A_13 {offsets = [1, 0], sizes = [1, 64], strides = [1, 1]} : vector<2x64xf32> to vector<1x64xf32>
    %slice3A_21 = vector.extract_strided_slice %get3A_13 {offsets = [0, 0], sizes = [1, 64], strides = [1, 1]} : vector<2x64xf32> to vector<1x64xf32>
    %sub3A = arith.subf %slice3A_20, %slice3A_21 : vector<1x64xf32>
    %mul3A = vector.broadcast %get3A_10 : vector<128x1xf32> to vector<128x64xf32>
    %mul3A_22 = vector.broadcast %sub3A : vector<1x64xf32> to vector<128x64xf32>
    %mul3A_23 = arith.mulf %mul3A, %mul3A_22 : vector<128x64xf32>
    %add3A = vector.broadcast %slice3A : vector<1x64xf32> to vector<128x64xf32>
    %add3A_24 = arith.addf %add3A, %mul3A_23 : vector<128x64xf32>
    %exp3A = math.exp %get3A_4 : vector<128x64xf32>
    %add3A_25 = arith.constant 1.000000e+00 : f32
    %add3A_26 = vector.broadcast %add3A_25 : f32 to vector<128x64xf32>
    %add3A_27 = arith.addf %exp3A, %add3A_26 : vector<128x64xf32>
    %log3A = math.log %add3A_27 : vector<128x64xf32>
    %slice3A_28 = vector.extract_strided_slice %get3A_16 {offsets = [0, 0], sizes = [64, 64], strides = [1, 1]} : vector<128x64xf32> to vector<64x64xf32>
    %dot_general3A = arith.constant dense<0.000000e+00> : vector<128x64xf32>
    %dot_general3A_29 = tpu.matmul %get3A_1, %slice3A_28, %dot_general3A {dimension_numbers = #tpu.dot_dimension_numbers<[1], [0], [0], [1], [0, 0, 1, 1], [], []>, precision = #tpu.contract_precision<fp32>, transpose_lhs_hint = false} : vector<128x64xf32>, vector<64x64xf32>, vector<128x64xf32> -> vector<128x64xf32>
    %slice3A_30 = vector.extract_strided_slice %get3A_16 {offsets = [64, 0], sizes = [64, 64], strides = [1, 1]} : vector<128x64xf32> to vector<64x64xf32>
    %dot_general3A_31 = arith.constant dense<0.000000e+00> : vector<128x64xf32>
    %dot_general3A_32 = tpu.matmul %add3A_24, %slice3A_30, %dot_general3A_31 {dimension_numbers = #tpu.dot_dimension_numbers<[1], [0], [0], [1], [0, 0, 1, 1], [], []>, precision = #tpu.contract_precision<fp32>, transpose_lhs_hint = false} : vector<128x64xf32>, vector<64x64xf32>, vector<128x64xf32> -> vector<128x64xf32>
    %add3A_33 = arith.addf %dot_general3A_29, %dot_general3A_32 : vector<128x64xf32>
    %add3A_34 = vector.broadcast %get3A_19 : vector<1x64xf32> to vector<128x64xf32>
    %add3A_35 = arith.addf %add3A_33, %add3A_34 : vector<128x64xf32>
    %tanh3A = math.tanh %add3A_35 : vector<128x64xf32>
    %mul3A_36 = arith.constant 1.000000e-01 : f32
    %mul3A_37 = vector.broadcast %mul3A_36 : f32 to vector<128x64xf32>
    %mul3A_38 = arith.mulf %mul3A_37, %log3A : vector<128x64xf32>
    %mul3A_39 = arith.mulf %mul3A_38, %get3A_7 : vector<128x64xf32>
    %add3A_40 = arith.addf %tanh3A, %mul3A_39 : vector<128x64xf32>
    %mul3A_41 = arith.mulf %get3A_7, %get3A_7 : vector<128x64xf32>
    %reduce_sum3A = vector.shape_cast %mul3A_41 : vector<128x64xf32> to vector<1x128x64xf32>
    %reduce_sum3A_42 = arith.constant dense<0.000000e+00> : vector<1xf32>
    %reduce_sum3A_43 = vector.multi_reduction <add>, %reduce_sum3A, %reduce_sum3A_42 [1, 2] : vector<1x128x64xf32> to vector<1xf32>
    %reduce_sum3A_44 = vector.shape_cast %reduce_sum3A_43 : vector<1xf32> to vector<1x1x1xf32>
    %reduce_sum3A_45 = vector.extract %reduce_sum3A_44[0, 0, 0] : f32 from vector<1x1x1xf32>
    %mul3A_46 = arith.constant -5.000000e-01 : f32
    %mul3A_47 = arith.mulf %mul3A_46, %reduce_sum3A_45 : f32
    %log3A_48 = math.log %log3A : vector<128x64xf32>
    %reduce_sum3A_49 = vector.shape_cast %log3A_48 : vector<128x64xf32> to vector<1x128x64xf32>
    %reduce_sum3A_50 = arith.constant dense<0.000000e+00> : vector<1xf32>
    %reduce_sum3A_51 = vector.multi_reduction <add>, %reduce_sum3A_49, %reduce_sum3A_50 [1, 2] : vector<1x128x64xf32> to vector<1xf32>
    %reduce_sum3A_52 = vector.shape_cast %reduce_sum3A_51 : vector<1xf32> to vector<1x1x1xf32>
    %reduce_sum3A_53 = vector.extract %reduce_sum3A_52[0, 0, 0] : f32 from vector<1x1x1xf32>
    %sub3A_54 = arith.subf %mul3A_47, %reduce_sum3A_53 : f32
    %mul3A_55 = arith.mulf %add3A_40, %add3A_40 : vector<128x64xf32>
    %neg3A = arith.constant 0.000000e+00 : f32
    %neg3A_56 = vector.broadcast %neg3A : f32 to vector<128x64xf32>
    %neg3A_57 = arith.subf %neg3A_56, %mul3A_55 : vector<128x64xf32>
    %div3A = arith.constant 2.000000e+00 : f32
    %div3A_58 = vector.broadcast %div3A : f32 to vector<128x64xf32>
    %div3A_59 = arith.divf %neg3A_57, %div3A_58 : vector<128x64xf32>
    %exp3A_60 = math.exp %div3A_59 : vector<128x64xf32>
    %mul3A_61 = arith.constant 5.000000e-01 : f32
    %mul3A_62 = vector.broadcast %mul3A_61 : f32 to vector<128x64xf32>
    %mul3A_63 = arith.mulf %mul3A_62, %exp3A_60 : vector<128x64xf32>
    %neg3A_64 = arith.constant 0.000000e+00 : f32
    %neg3A_65 = vector.broadcast %neg3A_64 : f32 to vector<128x64xf32>
    %neg3A_66 = arith.subf %neg3A_65, %mul3A_55 : vector<128x64xf32>
    %div3A_67 = arith.constant 8.000000e-02 : f32
    %div3A_68 = vector.broadcast %div3A_67 : f32 to vector<128x64xf32>
    %div3A_69 = arith.divf %neg3A_66, %div3A_68 : vector<128x64xf32>
    %exp3A_70 = math.exp %div3A_69 : vector<128x64xf32>
    %mul3A_71 = arith.constant 5.000000e-01 : f32
    %mul3A_72 = vector.broadcast %mul3A_71 : f32 to vector<128x64xf32>
    %mul3A_73 = arith.mulf %mul3A_72, %exp3A_70 : vector<128x64xf32>
    %add3A_74 = arith.addf %mul3A_63, %mul3A_73 : vector<128x64xf32>
    %log3A_75 = math.log %add3A_74 : vector<128x64xf32>
    %reduce_sum3A_76 = vector.shape_cast %log3A_75 : vector<128x64xf32> to vector<1x128x64xf32>
    %reduce_sum3A_77 = arith.constant dense<0.000000e+00> : vector<1xf32>
    %reduce_sum3A_78 = vector.multi_reduction <add>, %reduce_sum3A_76, %reduce_sum3A_77 [1, 2] : vector<1x128x64xf32> to vector<1xf32>
    %reduce_sum3A_79 = vector.shape_cast %reduce_sum3A_78 : vector<1xf32> to vector<1x1x1xf32>
    %reduce_sum3A_80 = vector.extract %reduce_sum3A_79[0, 0, 0] : f32 from vector<1x1x1xf32>
    %sub3A_81 = arith.subf %sub3A_54, %reduce_sum3A_80 : f32
    %mul3A_82 = arith.constant 2.000000e+01 : f32
    %mul3A_83 = arith.mulf %mul3A_82, %sub3A_81 : f32
    %get3A_84 = arith.constant 0 : index
    %get3A_85 = arith.constant 0 : index
    %get3A_86 = vector.load %arg9[%get3A_84, %get3A_85] : memref<1280x128xf32, #tpu.memory_space<vmem>>, vector<1280x128xf32>
    %get3A_87 = arith.constant 0 : index
    %get3A_88 = arith.constant 0 : index
    %get3A_89 = vector.load %arg10[%get3A_87, %get3A_88] : memref<1280x128xf32, #tpu.memory_space<vmem>>, vector<1280x128xf32>
    %get3A_90 = arith.constant 0 : index
    %get3A_91 = arith.constant 0 : index
    %get3A_92 = vector.load %arg8[%get3A_90, %get3A_91] : memref<1280x128xf32, #tpu.memory_space<vmem>>, vector<1280x128xf32>
    %exp3A_93 = math.exp %get3A_89 : vector<1280x128xf32>
    %add3A_94 = arith.constant 1.000000e+00 : f32
    %add3A_95 = vector.broadcast %add3A_94 : f32 to vector<1280x128xf32>
    %add3A_96 = arith.addf %exp3A_93, %add3A_95 : vector<1280x128xf32>
    %log3A_97 = math.log %add3A_96 : vector<1280x128xf32>
    %mul3A_98 = arith.constant 1.000000e-01 : f32
    %mul3A_99 = vector.broadcast %mul3A_98 : f32 to vector<1280x128xf32>
    %mul3A_100 = arith.mulf %mul3A_99, %log3A_97 : vector<1280x128xf32>
    %mul3A_101 = arith.mulf %mul3A_100, %get3A_92 : vector<1280x128xf32>
    %add3A_102 = arith.addf %get3A_86, %mul3A_101 : vector<1280x128xf32>
    %mul3A_103 = arith.mulf %get3A_92, %get3A_92 : vector<1280x128xf32>
    %reduce_sum3A_104 = vector.shape_cast %mul3A_103 : vector<1280x128xf32> to vector<1x1280x128xf32>
    %reduce_sum3A_105 = arith.constant dense<0.000000e+00> : vector<1xf32>
    %reduce_sum3A_106 = vector.multi_reduction <add>, %reduce_sum3A_104, %reduce_sum3A_105 [1, 2] : vector<1x1280x128xf32> to vector<1xf32>
    %reduce_sum3A_107 = vector.shape_cast %reduce_sum3A_106 : vector<1xf32> to vector<1x1x1xf32>
    %reduce_sum3A_108 = vector.extract %reduce_sum3A_107[0, 0, 0] : f32 from vector<1x1x1xf32>
    %mul3A_109 = arith.constant -5.000000e-01 : f32
    %mul3A_110 = arith.mulf %mul3A_109, %reduce_sum3A_108 : f32
    %log3A_111 = math.log %log3A_97 : vector<1280x128xf32>
    %reduce_sum3A_112 = vector.shape_cast %log3A_111 : vector<1280x128xf32> to vector<1x1280x128xf32>
    %reduce_sum3A_113 = arith.constant dense<0.000000e+00> : vector<1xf32>
    %reduce_sum3A_114 = vector.multi_reduction <add>, %reduce_sum3A_112, %reduce_sum3A_113 [1, 2] : vector<1x1280x128xf32> to vector<1xf32>
    %reduce_sum3A_115 = vector.shape_cast %reduce_sum3A_114 : vector<1xf32> to vector<1x1x1xf32>
    %reduce_sum3A_116 = vector.extract %reduce_sum3A_115[0, 0, 0] : f32 from vector<1x1x1xf32>
    %sub3A_117 = arith.subf %mul3A_110, %reduce_sum3A_116 : f32
    %mul3A_118 = arith.mulf %add3A_102, %add3A_102 : vector<1280x128xf32>
    %neg3A_119 = arith.constant 0.000000e+00 : f32
    %neg3A_120 = vector.broadcast %neg3A_119 : f32 to vector<1280x128xf32>
    %neg3A_121 = arith.subf %neg3A_120, %mul3A_118 : vector<1280x128xf32>
    %div3A_122 = arith.constant 2.000000e+00 : f32
    %div3A_123 = vector.broadcast %div3A_122 : f32 to vector<1280x128xf32>
    %div3A_124 = arith.divf %neg3A_121, %div3A_123 : vector<1280x128xf32>
    %exp3A_125 = math.exp %div3A_124 : vector<1280x128xf32>
    %mul3A_126 = arith.constant 5.000000e-01 : f32
    %mul3A_127 = vector.broadcast %mul3A_126 : f32 to vector<1280x128xf32>
    %mul3A_128 = arith.mulf %mul3A_127, %exp3A_125 : vector<1280x128xf32>
    %neg3A_129 = arith.constant 0.000000e+00 : f32
    %neg3A_130 = vector.broadcast %neg3A_129 : f32 to vector<1280x128xf32>
    %neg3A_131 = arith.subf %neg3A_130, %mul3A_118 : vector<1280x128xf32>
    %div3A_132 = arith.constant 8.000000e-02 : f32
    %div3A_133 = vector.broadcast %div3A_132 : f32 to vector<1280x128xf32>
    %div3A_134 = arith.divf %neg3A_131, %div3A_133 : vector<1280x128xf32>
    %exp3A_135 = math.exp %div3A_134 : vector<1280x128xf32>
    %mul3A_136 = arith.constant 5.000000e-01 : f32
    %mul3A_137 = vector.broadcast %mul3A_136 : f32 to vector<1280x128xf32>
    %mul3A_138 = arith.mulf %mul3A_137, %exp3A_135 : vector<1280x128xf32>
    %add3A_139 = arith.addf %mul3A_128, %mul3A_138 : vector<1280x128xf32>
    %log3A_140 = math.log %add3A_139 : vector<1280x128xf32>
    %reduce_sum3A_141 = vector.shape_cast %log3A_140 : vector<1280x128xf32> to vector<1x1280x128xf32>
    %reduce_sum3A_142 = arith.constant dense<0.000000e+00> : vector<1xf32>
    %reduce_sum3A_143 = vector.multi_reduction <add>, %reduce_sum3A_141, %reduce_sum3A_142 [1, 2] : vector<1x1280x128xf32> to vector<1xf32>
    %reduce_sum3A_144 = vector.shape_cast %reduce_sum3A_143 : vector<1xf32> to vector<1x1x1xf32>
    %reduce_sum3A_145 = vector.extract %reduce_sum3A_144[0, 0, 0] : f32 from vector<1x1x1xf32>
    %sub3A_146 = arith.subf %sub3A_117, %reduce_sum3A_145 : f32
    %add3A_147 = arith.addf %mul3A_83, %sub3A_146 : f32
    %iota3A = tpu.iota {dimensions = array<i32: 0>} : vector<1280x128xi32>
    %jit3A = arith.constant 10 : i32
    %div3A_148 = vector.broadcast %jit3A : i32 to vector<1280x128xi32>
    %div3A_149 = arith.divsi %iota3A, %div3A_148 : vector<1280x128xi32>
    %sign3A = arith.constant 0 : i32
    %sign3A_150 = vector.broadcast %sign3A : i32 to vector<1280x128xi32>
    %sign3A_151 = arith.cmpi sgt, %iota3A, %sign3A_150 : vector<1280x128xi32>
    %sign3A_152 = arith.extui %sign3A_151 : vector<1280x128xi1> to vector<1280x128xi32>
    %sign3A_153 = arith.constant 0 : i32
    %sign3A_154 = vector.broadcast %sign3A_153 : i32 to vector<1280x128xi32>
    %sign3A_155 = arith.cmpi slt, %iota3A, %sign3A_154 : vector<1280x128xi32>
    %sign3A_156 = arith.extui %sign3A_155 : vector<1280x128xi1> to vector<1280x128xi32>
    %sign3A_157 = arith.subi %sign3A_152, %sign3A_156 : vector<1280x128xi32>
    %sign3A_158 = arith.constant 0 : i32
    %sign3A_159 = arith.cmpi sgt, %jit3A, %sign3A_158 : i32
    %sign3A_160 = arith.extui %sign3A_159 : i1 to i32
    %sign3A_161 = arith.constant 0 : i32
    %sign3A_162 = arith.cmpi slt, %jit3A, %sign3A_161 : i32
    %sign3A_163 = arith.extui %sign3A_162 : i1 to i32
    %sign3A_164 = arith.subi %sign3A_160, %sign3A_163 : i32
    %ne3A = vector.broadcast %sign3A_164 : i32 to vector<1280x128xi32>
    %ne3A_165 = arith.cmpi ne, %sign3A_157, %ne3A : vector<1280x128xi32>
    %rem3A = vector.broadcast %jit3A : i32 to vector<1280x128xi32>
    %rem3A_166 = arith.remsi %iota3A, %rem3A : vector<1280x128xi32>
    %ne3A_167 = arith.constant 0 : i32
    %ne3A_168 = vector.broadcast %ne3A_167 : i32 to vector<1280x128xi32>
    %ne3A_169 = arith.cmpi ne, %rem3A_166, %ne3A_168 : vector<1280x128xi32>
    %and3A = arith.andi %ne3A_165, %ne3A_169 : vector<1280x128xi1>
    %sub3A_170 = arith.constant 1 : i32
    %sub3A_171 = vector.broadcast %sub3A_170 : i32 to vector<1280x128xi32>
    %sub3A_172 = arith.subi %div3A_149, %sub3A_171 : vector<1280x128xi32>
    %select_n3A = arith.select %and3A, %sub3A_172, %div3A_149 : vector<1280x128xi1>, vector<1280x128xi32>
    %iota3A_173 = tpu.iota {dimensions = array<i32: 1>} : vector<1280x128xi32>
    %eq3A = arith.cmpi eq, %select_n3A, %iota3A_173 : vector<1280x128xi32>
    %convert_element_type3A = arith.extui %eq3A : vector<1280x128xi1> to vector<1280x128xi32>
    %convert_element_type3A_174 = arith.sitofp %convert_element_type3A : vector<1280x128xi32> to vector<1280x128xf32>
    %dot_general3A_175 = arith.constant dense<0.000000e+00> : vector<1280x64xf32>
    %dot_general3A_176 = tpu.matmul %convert_element_type3A_174, %add3A_40, %dot_general3A_175 {dimension_numbers = #tpu.dot_dimension_numbers<[1], [0], [0], [1], [0, 0, 1, 1], [], []>, precision = #tpu.contract_precision<fp32>, transpose_lhs_hint = false} : vector<1280x128xf32>, vector<128x64xf32>, vector<1280x64xf32> -> vector<1280x64xf32>
    %concatenate3A = tpu.concatenate %dot_general3A_176, %dot_general3A_176 in 1 : vector<1280x64xf32>, vector<1280x64xf32> -> vector<1280x128xf32>
    %mul3A_177 = arith.mulf %concatenate3A, %add3A_102 : vector<1280x128xf32>
    %slice3A_178 = vector.extract_strided_slice %mul3A_177 {offsets = [0, 0], sizes = [1280, 64], strides = [1, 1]} : vector<1280x128xf32> to vector<1280x64xf32>
    %reduce_sum3A_179 = arith.constant dense<0.000000e+00> : vector<1280xf32>
    %reduce_sum3A_180 = vector.multi_reduction <add>, %slice3A_178, %reduce_sum3A_179 [1] : vector<1280x64xf32> to vector<1280xf32>
    %broadcast_in_dim3A = vector.shape_cast %reduce_sum3A_180 : vector<1280xf32> to vector<1280x1xf32>
    %slice3A_181 = vector.extract_strided_slice %mul3A_177 {offsets = [0, 64], sizes = [1280, 64], strides = [1, 1]} : vector<1280x128xf32> to vector<1280x64xf32>
    %reduce_sum3A_182 = arith.constant dense<0.000000e+00> : vector<1280xf32>
    %reduce_sum3A_183 = vector.multi_reduction <add>, %slice3A_181, %reduce_sum3A_182 [1] : vector<1280x64xf32> to vector<1280xf32>
    %broadcast_in_dim3A_184 = vector.shape_cast %reduce_sum3A_183 : vector<1280xf32> to vector<1280x1xf32>
    %get3A_185 = arith.constant 0 : index
    %get3A_186 = arith.constant 0 : index
    %get3A_187 = vector.load %arg11[%get3A_185, %get3A_186] : memref<1280x640xf32, #tpu.memory_space<vmem>>, vector<1280x640xf32>
    %slice3A_188 = vector.extract_strided_slice %get3A_187 {offsets = [0, 0], sizes = [1280, 64], strides = [1, 1]} : vector<1280x640xf32> to vector<1280x64xf32>
    %slice3A_189 = vector.extract_strided_slice %get3A_187 {offsets = [0, 320], sizes = [1280, 64], strides = [1, 1]} : vector<1280x640xf32> to vector<1280x64xf32>
    %concatenate3A_190 = tpu.concatenate %slice3A_188, %slice3A_189 in 1 : vector<1280x64xf32>, vector<1280x64xf32> -> vector<1280x128xf32>
    %mul3A_191 = arith.mulf %concatenate3A, %concatenate3A_190 : vector<1280x128xf32>
    %slice3A_192 = vector.extract_strided_slice %mul3A_191 {offsets = [0, 0], sizes = [1280, 64], strides = [1, 1]} : vector<1280x128xf32> to vector<1280x64xf32>
    %reduce_sum3A_193 = arith.constant dense<0.000000e+00> : vector<1280xf32>
    %reduce_sum3A_194 = vector.multi_reduction <add>, %slice3A_192, %reduce_sum3A_193 [1] : vector<1280x64xf32> to vector<1280xf32>
    %broadcast_in_dim3A_195 = vector.shape_cast %reduce_sum3A_194 : vector<1280xf32> to vector<1280x1xf32>
    %neg3A_196 = arith.constant 0.000000e+00 : f32
    %neg3A_197 = vector.broadcast %neg3A_196 : f32 to vector<1280x1xf32>
    %neg3A_198 = arith.subf %neg3A_197, %broadcast_in_dim3A_195 : vector<1280x1xf32>
    %slice3A_199 = vector.extract_strided_slice %mul3A_191 {offsets = [0, 64], sizes = [1280, 64], strides = [1, 1]} : vector<1280x128xf32> to vector<1280x64xf32>
    %reduce_sum3A_200 = arith.constant dense<0.000000e+00> : vector<1280xf32>
    %reduce_sum3A_201 = vector.multi_reduction <add>, %slice3A_199, %reduce_sum3A_200 [1] : vector<1280x64xf32> to vector<1280xf32>
    %broadcast_in_dim3A_202 = vector.shape_cast %reduce_sum3A_201 : vector<1280xf32> to vector<1280x1xf32>
    %neg3A_203 = arith.constant 0.000000e+00 : f32
    %neg3A_204 = vector.broadcast %neg3A_203 : f32 to vector<1280x1xf32>
    %neg3A_205 = arith.subf %neg3A_204, %broadcast_in_dim3A_202 : vector<1280x1xf32>
    %slice3A_206 = vector.extract_strided_slice %get3A_187 {offsets = [0, 64], sizes = [1280, 64], strides = [1, 1]} : vector<1280x640xf32> to vector<1280x64xf32>
    %slice3A_207 = vector.extract_strided_slice %get3A_187 {offsets = [0, 384], sizes = [1280, 64], strides = [1, 1]} : vector<1280x640xf32> to vector<1280x64xf32>
    %concatenate3A_208 = tpu.concatenate %slice3A_206, %slice3A_207 in 1 : vector<1280x64xf32>, vector<1280x64xf32> -> vector<1280x128xf32>
    %mul3A_209 = arith.mulf %concatenate3A, %concatenate3A_208 : vector<1280x128xf32>
    %slice3A_210 = vector.extract_strided_slice %mul3A_209 {offsets = [0, 0], sizes = [1280, 64], strides = [1, 1]} : vector<1280x128xf32> to vector<1280x64xf32>
    %reduce_sum3A_211 = arith.constant dense<0.000000e+00> : vector<1280xf32>
    %reduce_sum3A_212 = vector.multi_reduction <add>, %slice3A_210, %reduce_sum3A_211 [1] : vector<1280x64xf32> to vector<1280xf32>
    %broadcast_in_dim3A_213 = vector.shape_cast %reduce_sum3A_212 : vector<1280xf32> to vector<1280x1xf32>
    %neg3A_214 = arith.constant 0.000000e+00 : f32
    %neg3A_215 = vector.broadcast %neg3A_214 : f32 to vector<1280x1xf32>
    %neg3A_216 = arith.subf %neg3A_215, %broadcast_in_dim3A_213 : vector<1280x1xf32>
    %slice3A_217 = vector.extract_strided_slice %mul3A_209 {offsets = [0, 64], sizes = [1280, 64], strides = [1, 1]} : vector<1280x128xf32> to vector<1280x64xf32>
    %reduce_sum3A_218 = arith.constant dense<0.000000e+00> : vector<1280xf32>
    %reduce_sum3A_219 = vector.multi_reduction <add>, %slice3A_217, %reduce_sum3A_218 [1] : vector<1280x64xf32> to vector<1280xf32>
    %broadcast_in_dim3A_220 = vector.shape_cast %reduce_sum3A_219 : vector<1280xf32> to vector<1280x1xf32>
    %neg3A_221 = arith.constant 0.000000e+00 : f32
    %neg3A_222 = vector.broadcast %neg3A_221 : f32 to vector<1280x1xf32>
    %neg3A_223 = arith.subf %neg3A_222, %broadcast_in_dim3A_220 : vector<1280x1xf32>
    %slice3A_224 = vector.extract_strided_slice %get3A_187 {offsets = [0, 128], sizes = [1280, 64], strides = [1, 1]} : vector<1280x640xf32> to vector<1280x64xf32>
    %slice3A_225 = vector.extract_strided_slice %get3A_187 {offsets = [0, 448], sizes = [1280, 64], strides = [1, 1]} : vector<1280x640xf32> to vector<1280x64xf32>
    %concatenate3A_226 = tpu.concatenate %slice3A_224, %slice3A_225 in 1 : vector<1280x64xf32>, vector<1280x64xf32> -> vector<1280x128xf32>
    %mul3A_227 = arith.mulf %concatenate3A, %concatenate3A_226 : vector<1280x128xf32>
    %slice3A_228 = vector.extract_strided_slice %mul3A_227 {offsets = [0, 0], sizes = [1280, 64], strides = [1, 1]} : vector<1280x128xf32> to vector<1280x64xf32>
    %reduce_sum3A_229 = arith.constant dense<0.000000e+00> : vector<1280xf32>
    %reduce_sum3A_230 = vector.multi_reduction <add>, %slice3A_228, %reduce_sum3A_229 [1] : vector<1280x64xf32> to vector<1280xf32>
    %broadcast_in_dim3A_231 = vector.shape_cast %reduce_sum3A_230 : vector<1280xf32> to vector<1280x1xf32>
    %neg3A_232 = arith.constant 0.000000e+00 : f32
    %neg3A_233 = vector.broadcast %neg3A_232 : f32 to vector<1280x1xf32>
    %neg3A_234 = arith.subf %neg3A_233, %broadcast_in_dim3A_231 : vector<1280x1xf32>
    %slice3A_235 = vector.extract_strided_slice %mul3A_227 {offsets = [0, 64], sizes = [1280, 64], strides = [1, 1]} : vector<1280x128xf32> to vector<1280x64xf32>
    %reduce_sum3A_236 = arith.constant dense<0.000000e+00> : vector<1280xf32>
    %reduce_sum3A_237 = vector.multi_reduction <add>, %slice3A_235, %reduce_sum3A_236 [1] : vector<1280x64xf32> to vector<1280xf32>
    %broadcast_in_dim3A_238 = vector.shape_cast %reduce_sum3A_237 : vector<1280xf32> to vector<1280x1xf32>
    %neg3A_239 = arith.constant 0.000000e+00 : f32
    %neg3A_240 = vector.broadcast %neg3A_239 : f32 to vector<1280x1xf32>
    %neg3A_241 = arith.subf %neg3A_240, %broadcast_in_dim3A_238 : vector<1280x1xf32>
    %slice3A_242 = vector.extract_strided_slice %get3A_187 {offsets = [0, 192], sizes = [1280, 64], strides = [1, 1]} : vector<1280x640xf32> to vector<1280x64xf32>
    %slice3A_243 = vector.extract_strided_slice %get3A_187 {offsets = [0, 512], sizes = [1280, 64], strides = [1, 1]} : vector<1280x640xf32> to vector<1280x64xf32>
    %concatenate3A_244 = tpu.concatenate %slice3A_242, %slice3A_243 in 1 : vector<1280x64xf32>, vector<1280x64xf32> -> vector<1280x128xf32>
    %mul3A_245 = arith.mulf %concatenate3A, %concatenate3A_244 : vector<1280x128xf32>
    %slice3A_246 = vector.extract_strided_slice %mul3A_245 {offsets = [0, 0], sizes = [1280, 64], strides = [1, 1]} : vector<1280x128xf32> to vector<1280x64xf32>
    %reduce_sum3A_247 = arith.constant dense<0.000000e+00> : vector<1280xf32>
    %reduce_sum3A_248 = vector.multi_reduction <add>, %slice3A_246, %reduce_sum3A_247 [1] : vector<1280x64xf32> to vector<1280xf32>
    %broadcast_in_dim3A_249 = vector.shape_cast %reduce_sum3A_248 : vector<1280xf32> to vector<1280x1xf32>
    %neg3A_250 = arith.constant 0.000000e+00 : f32
    %neg3A_251 = vector.broadcast %neg3A_250 : f32 to vector<1280x1xf32>
    %neg3A_252 = arith.subf %neg3A_251, %broadcast_in_dim3A_249 : vector<1280x1xf32>
    %slice3A_253 = vector.extract_strided_slice %mul3A_245 {offsets = [0, 64], sizes = [1280, 64], strides = [1, 1]} : vector<1280x128xf32> to vector<1280x64xf32>
    %reduce_sum3A_254 = arith.constant dense<0.000000e+00> : vector<1280xf32>
    %reduce_sum3A_255 = vector.multi_reduction <add>, %slice3A_253, %reduce_sum3A_254 [1] : vector<1280x64xf32> to vector<1280xf32>
    %broadcast_in_dim3A_256 = vector.shape_cast %reduce_sum3A_255 : vector<1280xf32> to vector<1280x1xf32>
    %neg3A_257 = arith.constant 0.000000e+00 : f32
    %neg3A_258 = vector.broadcast %neg3A_257 : f32 to vector<1280x1xf32>
    %neg3A_259 = arith.subf %neg3A_258, %broadcast_in_dim3A_256 : vector<1280x1xf32>
    %slice3A_260 = vector.extract_strided_slice %get3A_187 {offsets = [0, 256], sizes = [1280, 64], strides = [1, 1]} : vector<1280x640xf32> to vector<1280x64xf32>
    %slice3A_261 = vector.extract_strided_slice %get3A_187 {offsets = [0, 576], sizes = [1280, 64], strides = [1, 1]} : vector<1280x640xf32> to vector<1280x64xf32>
    %concatenate3A_262 = tpu.concatenate %slice3A_260, %slice3A_261 in 1 : vector<1280x64xf32>, vector<1280x64xf32> -> vector<1280x128xf32>
    %mul3A_263 = arith.mulf %concatenate3A, %concatenate3A_262 : vector<1280x128xf32>
    %slice3A_264 = vector.extract_strided_slice %mul3A_263 {offsets = [0, 0], sizes = [1280, 64], strides = [1, 1]} : vector<1280x128xf32> to vector<1280x64xf32>
    %reduce_sum3A_265 = arith.constant dense<0.000000e+00> : vector<1280xf32>
    %reduce_sum3A_266 = vector.multi_reduction <add>, %slice3A_264, %reduce_sum3A_265 [1] : vector<1280x64xf32> to vector<1280xf32>
    %broadcast_in_dim3A_267 = vector.shape_cast %reduce_sum3A_266 : vector<1280xf32> to vector<1280x1xf32>
    %neg3A_268 = arith.constant 0.000000e+00 : f32
    %neg3A_269 = vector.broadcast %neg3A_268 : f32 to vector<1280x1xf32>
    %neg3A_270 = arith.subf %neg3A_269, %broadcast_in_dim3A_267 : vector<1280x1xf32>
    %slice3A_271 = vector.extract_strided_slice %mul3A_263 {offsets = [0, 64], sizes = [1280, 64], strides = [1, 1]} : vector<1280x128xf32> to vector<1280x64xf32>
    %reduce_sum3A_272 = arith.constant dense<0.000000e+00> : vector<1280xf32>
    %reduce_sum3A_273 = vector.multi_reduction <add>, %slice3A_271, %reduce_sum3A_272 [1] : vector<1280x64xf32> to vector<1280xf32>
    %broadcast_in_dim3A_274 = vector.shape_cast %reduce_sum3A_273 : vector<1280xf32> to vector<1280x1xf32>
    %neg3A_275 = arith.constant 0.000000e+00 : f32
    %neg3A_276 = vector.broadcast %neg3A_275 : f32 to vector<1280x1xf32>
    %neg3A_277 = arith.subf %neg3A_276, %broadcast_in_dim3A_274 : vector<1280x1xf32>
    %concatenate3A_278 = tpu.concatenate %broadcast_in_dim3A, %broadcast_in_dim3A_184, %neg3A_198, %neg3A_205, %neg3A_216, %neg3A_223, %neg3A_234, %neg3A_241, %neg3A_252, %neg3A_259, %neg3A_270, %neg3A_277 in 1 : vector<1280x1xf32>, vector<1280x1xf32>, vector<1280x1xf32>, vector<1280x1xf32>, vector<1280x1xf32>, vector<1280x1xf32>, vector<1280x1xf32>, vector<1280x1xf32>, vector<1280x1xf32>, vector<1280x1xf32>, vector<1280x1xf32>, vector<1280x1xf32> -> vector<1280x12xf32>
    %logistic3A = arith.negf %concatenate3A_278 : vector<1280x12xf32>
    %logistic3A_279 = math.exp %logistic3A : vector<1280x12xf32>
    %logistic3A_280 = arith.constant 1.000000e+00 : f32
    %logistic3A_281 = vector.broadcast %logistic3A_280 : f32 to vector<1280x12xf32>
    %logistic3A_282 = arith.addf %logistic3A_281, %logistic3A_279 : vector<1280x12xf32>
    %logistic3A_283 = arith.divf %logistic3A_281, %logistic3A_282 : vector<1280x12xf32>
    %log3A_284 = math.log %logistic3A_283 : vector<1280x12xf32>
    %slice3A_285 = vector.extract_strided_slice %log3A_284 {offsets = [0, 0], sizes = [1280, 2], strides = [1, 1]} : vector<1280x12xf32> to vector<1280x2xf32>
    %reduce_sum3A_286 = vector.shape_cast %slice3A_285 : vector<1280x2xf32> to vector<1x1280x2xf32>
    %reduce_sum3A_287 = arith.constant dense<0.000000e+00> : vector<1xf32>
    %reduce_sum3A_288 = vector.multi_reduction <add>, %reduce_sum3A_286, %reduce_sum3A_287 [1, 2] : vector<1x1280x2xf32> to vector<1xf32>
    %reduce_sum3A_289 = vector.shape_cast %reduce_sum3A_288 : vector<1xf32> to vector<1x1x1xf32>
    %reduce_sum3A_290 = vector.extract %reduce_sum3A_289[0, 0, 0] : f32 from vector<1x1x1xf32>
    %slice3A_291 = vector.extract_strided_slice %log3A_284 {offsets = [0, 2], sizes = [1280, 10], strides = [1, 1]} : vector<1280x12xf32> to vector<1280x10xf32>
    %reduce_sum3A_292 = vector.shape_cast %slice3A_291 : vector<1280x10xf32> to vector<1x1280x10xf32>
    %reduce_sum3A_293 = arith.constant dense<0.000000e+00> : vector<1xf32>
    %reduce_sum3A_294 = vector.multi_reduction <add>, %reduce_sum3A_292, %reduce_sum3A_293 [1, 2] : vector<1x1280x10xf32> to vector<1xf32>
    %reduce_sum3A_295 = vector.shape_cast %reduce_sum3A_294 : vector<1xf32> to vector<1x1x1xf32>
    %reduce_sum3A_296 = vector.extract %reduce_sum3A_295[0, 0, 0] : f32 from vector<1x1x1xf32>
    %div3A_297 = arith.constant 5.000000e+00 : f32
    %div3A_298 = arith.divf %reduce_sum3A_296, %div3A_297 : f32
    %add3A_299 = arith.addf %reduce_sum3A_290, %div3A_298 : f32
    %reshape3A = vector.broadcast %add3A_147 : f32 to vector<1x1x1xf32>
    %swap3A = arith.constant 0 : index
    %swap3A_300 = arith.constant 0 : index
    %swap3A_301 = arith.constant 0 : index
    %swap3A_302 = vector.load %arg12[%swap3A, %swap3A_300, %swap3A_301] : memref<1x1x1xf32, #tpu.memory_space<vmem>>, vector<1x1x1xf32>
    tpu.vector_store %arg12[%swap3A, %swap3A_300, %swap3A_301], %reshape3A {strides = array<i32>} : memref<1x1x1xf32, #tpu.memory_space<vmem>>, vector<1x1x1xf32>,
    %reshape3A_303 = vector.broadcast %add3A_299 : f32 to vector<1x1x1xf32>
    %swap3A_304 = arith.constant 0 : index
    %swap3A_305 = arith.constant 0 : index
    %swap3A_306 = arith.constant 0 : index
    %swap3A_307 = vector.load %arg13[%swap3A_304, %swap3A_305, %swap3A_306] : memref<1x1x1xf32, #tpu.memory_space<vmem>>, vector<1x1x1xf32>
    tpu.vector_store %arg13[%swap3A_304, %swap3A_305, %swap3A_306], %reshape3A_303 {strides = array<i32>} : memref<1x1x1xf32, #tpu.memory_space<vmem>>, vector<1x1x1xf32>,
    return
  }
  func.func @transform_0(%arg0: i32) -> (i32, i32) {
    %add3A = arith.constant 0 : i32
    %add3A_0 = arith.addi %arg0, %add3A : i32
    %c0_i32 = arith.constant 0 : i32
    %c0_i32_1 = arith.constant 0 : i32
    return %add3A_0, %c0_i32 : i32, i32
  }
  func.func @transform_1(%arg0: i32) -> (i32, i32) {
    %add3A = arith.constant 0 : i32
    %add3A_0 = arith.addi %arg0, %add3A : i32
    %c0_i32 = arith.constant 0 : i32
    %c0_i32_1 = arith.constant 0 : i32
    return %add3A_0, %c0_i32 : i32, i32
  }
  func.func @transform_2(%arg0: i32) -> (i32, i32) {
    %add3A = arith.constant 0 : i32
    %add3A_0 = arith.addi %arg0, %add3A : i32
    %c0_i32 = arith.constant 0 : i32
    %c0_i32_1 = arith.constant 0 : i32
    return %add3A_0, %c0_i32 : i32, i32
  }
  func.func @transform_3(%arg0: i32) -> (i32, i32) {
    %add3A = arith.constant 0 : i32
    %add3A_0 = arith.addi %arg0, %add3A : i32
    %c0_i32 = arith.constant 0 : i32
    %c0_i32_1 = arith.constant 0 : i32
    return %add3A_0, %c0_i32 : i32, i32
  }
  func.func @transform_4(%arg0: i32) -> (i32, i32) {
    %c0_i32 = arith.constant 0 : i32
    %c0_i32_0 = arith.constant 0 : i32
    %c0_i32_1 = arith.constant 0 : i32
    return %c0_i32, %c0_i32_0 : i32, i32
  }
  func.func @transform_5(%arg0: i32) -> (i32, i32) {
    %c0_i32 = arith.constant 0 : i32
    %c0_i32_0 = arith.constant 0 : i32
    %c0_i32_1 = arith.constant 0 : i32
    return %c0_i32, %c0_i32_0 : i32, i32
  }
  func.func @transform_6(%arg0: i32) -> (i32, i32) {
    %c0_i32 = arith.constant 0 : i32
    %c0_i32_0 = arith.constant 0 : i32
    %c0_i32_1 = arith.constant 0 : i32
    return %c0_i32, %c0_i32_0 : i32, i32
  }
  func.func @transform_7(%arg0: i32) -> (i32, i32) {
    %add3A = arith.constant 0 : i32
    %add3A_0 = arith.addi %arg0, %add3A : i32
    %c0_i32 = arith.constant 0 : i32
    %c0_i32_1 = arith.constant 0 : i32
    return %add3A_0, %c0_i32 : i32, i32
  }
  func.func @transform_8(%arg0: i32) -> (i32, i32) {
    %c0_i32 = arith.constant 0 : i32
    %c0_i32_0 = arith.constant 0 : i32
    return %arg0, %c0_i32 : i32, i32
  }
  func.func @transform_9(%arg0: i32) -> (i32, i32) {
    %c0_i32 = arith.constant 0 : i32
    %c0_i32_0 = arith.constant 0 : i32
    return %arg0, %c0_i32 : i32, i32
  }
  func.func @transform_10(%arg0: i32) -> (i32, i32) {
    %c0_i32 = arith.constant 0 : i32
    %c0_i32_0 = arith.constant 0 : i32
    return %arg0, %c0_i32 : i32, i32
  }
  func.func @transform_11(%arg0: i32) -> (i32, i32, i32) {
    %c0_i32 = arith.constant 0 : i32
    %c0_i32_0 = arith.constant 0 : i32
    %c0_i32_1 = arith.constant 0 : i32
    return %arg0, %c0_i32, %c0_i32_0 : i32, i32, i32
  }
  func.func @transform_12(%arg0: i32) -> (i32, i32, i32) {
    %c0_i32 = arith.constant 0 : i32
    %c0_i32_0 = arith.constant 0 : i32
    %c0_i32_1 = arith.constant 0 : i32
    return %arg0, %c0_i32, %c0_i32_0 : i32, i32, i32
  }
}

</mosaic_0001>

<sc_bundles>
// kernel: kernel.12.cloned.1.call-start
scs
__scs_entry_jumppad:
0x0: {  	(pc) =	sbr.rel $0x88, $3  }
0x1: {  	(tag) =	ssettag $0x0;
	lr =	simm.s32 $0x1  }
0x2: {  	[smem:$0x3F96] =	sst lr;
	_ =	strace $0xD0000000  }
0x3: {  	_ = 	snop  }
0x4: {  	_ = 	snop  }
0x5: {  	_ = 	snop  }
0x6: {  	_ = 	snop  }
0x7: {  	_ = 	snop  }
__scs_overlays_trampoline_lowered:
0x8: {  	[smem:$0x3FA5] =	sst s0  }
0x9: {  	[smem:$0x3FA6] =	sst s1  }
0xa: {  	[smem:$0x3FA7] =	sst s2  }
0xb: {  	[smem:$0x3FA8] =	sst s3  }
0xc: {  	[smem:$0x3FA9] =	sst s4  }
0xd: {  	[smem:$0x3FAA] =	sst s5  }
0xe: {  	[smem:$0x3FAB] =	sst s6  }
0xf: {  	[smem:$0x3FAC] =	sst s7  }
0x10: {  	[smem:$0x3FAD] =	sst s8  }
0x11: {  	[smem:$0x3FAE] =	sst s9;
	s0 =	simm.s32 @!p0 $0x0  }
0x12: {  	s1 =	sld [smem:$0x3F94];
	s0 =	simm.s32 @p0 $0x1  }
0x13: {  	[smem:$0x3FAF] =	sst s0;
	s0 =	simm.s32 @!p1 $0x0  }
0x14: {  	s2 =	sld [smem:$0x3F93];
	s0 =	simm.s32 @p1 $0x1  }
0x15: {  	[smem:$0x3FB0] =	sst s0;
	s0 =	simm.s32 @!p2 $0x0  }
0x16: {  	s3 =	sld [smem:$0x3FDB];
	s0 =	simm.s32 @p2 $0x1  }
0x17: {  	s4 =	simm.s32 $0x1BF5;
	[smem:$0x3FB2] =	sst s0  }
0x18: {  	s0 =	sld [smem:$0x3F95];
	_ =	swait.ge [sflag:s4], $0x0  }
0x19: {  	s7 =	sld [smem:$0x3F96]  }
0x1a: {  	s8 =	sadd.s32 $0xFFFFE003, lr  }
0x1b: {  	s9 =	sadd.s32 $0xFFFFFEF7, lr;
	s5 =	simm.s32 $0xFFFFFFFF;
	p2 =	slt.u32 s8, $0xFFFFF086  }
0x1c: {  	p1 =	slt.u32 s9, $0xF7A;
	s5 =	simm.s32 @!p2 $0x0  }
0x1d: {  	s5 =	simm.s32 @p1 $0x1;
	p0 =	seq.s32 s7, s2  }
0x1e: {  	s7 =	smul.u32 @!p0 $0xF7A, s2;
	p2 =	seq.s32 @!p0 s5, $0x0  }
0x1f: {  	s9 =	smul.u32 $0xF7A, s1;
	s8 =	simm.s32 @!p0 $0x1BF5;
	p2 =	por !p2, p0  }
0x20: {  	[sflag:s8] =	ssyncset.s32 @!p0 $0xFFFFF086;
	s6 =	sadd.s32 @!p0 s3, s7;
	s7 =	simm.s32 @!p0 $0x108  }
0x21: {  	s3 =	sadd.s32 s3, s9;
	s6 =	sadd.s32 @!p0 $0x88, s6;
	s7 =	simm.s32 @p2 $0x1082  }
0x22: {  	[simem:s7], [sflag:s8] =	dma.local @!p0 [hbm:s6], $0xF7A  }
0x23: {  	s9 =	sor.u32 $0xD0000000, s2;
	s6 =	simm.s32 $0x108;
	_ =	swait.ge @!p0 [sflag:s8], $0x0  }
0x24: {  	s3 =	sadd.s32 $0x88, s3;
	s6 =	simm.s32 @!p1 $0x1082;
	[sflag:s4] =	ssyncset.s32 $0xFFFFF086  }
0x25: {  	[simem:s6], [sflag:s4] =	dma.local [hbm:s3], $0xF7A  }
0x26: {  	[smem:$0x3F96] =	sst s1;
	(tag) =	ssettag s2;
	_ =	strace s9  }
0x27: {  	s1 =	sld [smem:$0x3FA6]  }
0x28: {  	s2 =	sld [smem:$0x3FA7]  }
0x29: {  	s4 =	sld [smem:$0x3FA9]  }
0x2a: {  	p0 =	seq.s32 s5, $0x0;
	s5 =	sld [smem:$0x3FAA]  }
0x2b: {  	s6 =	sld [smem:$0x3FAB]  }
0x2c: {  	s7 =	sld [smem:$0x3FAC]  }
0x2d: {  	s3 =	simm.s32 $0x108;
	s8 =	sld [smem:$0x3FAD]  }
0x2e: {  	s3 =	simm.s32 @!p0 $0x1082;
	s9 =	sld [smem:$0x3FAE]  }
0x2f: {  	lr =	sadd.s32 s0, s3;
	s0 =	sld [smem:$0x3FA5]  }
0x30: {  	s3 =	sld [smem:$0x3FA8]  }
0x31: {  	[smem:$0x3FB1] =	sst s10  }
0x32: {  	s10 =	sld [smem:$0x3FAF];
	_ =	sdelay $0x3  }
0x33: {  	p0 =	seq.s32 s10, $0x1;
	s10 =	sld [smem:$0x3FB1];
	_ =	sdelay $0x3  }
0x34: {  	[smem:$0x3FB1] =	sst s10  }
0x35: {  	s10 =	sld [smem:$0x3FB0];
	_ =	sdelay $0x3  }
0x36: {  	p1 =	seq.s32 s10, $0x1;
	s10 =	sld [smem:$0x3FB1];
	_ =	sdelay $0x3  }
0x37: {  	[smem:$0x3FB1] =	sst s10  }
0x38: {  	s10 =	sld [smem:$0x3FB2]  }
0x39: {  	_ = 	snop;
	(pc) =	sbr.ind lr, $3  }
0x3a: {  	_ = 	snop  }
0x3b: {  	_ = 	snop  }
0x3c: {  	p2 =	seq.s32 s10, $0x1;
	s10 =	sld [smem:$0x3FB1]  }
0x3d: {  	_ =	shalt  }
0x3e: {  	_ =	shalt  }
0x3f: {  	_ =	shalt  }
0x40: {  	_ =	shalt  }
0x41: {  	_ =	shalt  }
0x42: {  	_ =	shalt  }
0x43: {  	_ =	shalt  }
0x44: {  	_ =	shalt  }
0x45: {  	_ =	shalt  }
0x46: {  	_ =	shalt  }
0x47: {  	_ =	shalt  }
0x48: {  	_ =	shalt  }
0x49: {  	_ =	shalt  }
0x4a: {  	_ =	shalt  }
0x4b: {  	_ =	shalt  }
0x4c: {  	_ =	shalt  }
0x4d: {  	_ =	shalt  }
0x4e: {  	_ =	shalt  }
0x4f: {  	_ =	shalt  }
0x50: {  	_ =	shalt  }
0x51: {  	_ =	shalt  }
0x52: {  	_ =	shalt  }
0x53: {  	_ =	shalt  }
0x54: {  	_ =	shalt  }
0x55: {  	_ =	shalt  }
0x56: {  	_ =	shalt  }
0x57: {  	_ =	shalt  }
0x58: {  	_ =	shalt  }
0x59: {  	_ =	shalt  }
0x5a: {  	_ =	shalt  }
0x5b: {  	_ =	shalt  }
0x5c: {  	_ =	shalt  }
0x5d: {  	_ =	shalt  }
0x5e: {  	_ =	shalt  }
0x5f: {  	_ =	shalt  }
0x60: {  	_ =	shalt  }
0x61: {  	_ =	shalt  }
0x62: {  	_ =	shalt  }
0x63: {  	_ =	shalt  }
0x64: {  	_ =	shalt  }
0x65: {  	_ =	shalt  }
0x66: {  	_ =	shalt  }
0x67: {  	_ =	shalt  }
0x68: {  	_ =	shalt  }
0x69: {  	_ =	shalt  }
0x6a: {  	_ =	shalt  }
0x6b: {  	_ =	shalt  }
0x6c: {  	_ =	shalt  }
0x6d: {  	_ =	shalt  }
0x6e: {  	_ =	shalt  }
0x6f: {  	_ =	shalt  }
0x70: {  	_ =	shalt  }
0x71: {  	_ =	shalt  }
0x72: {  	_ =	shalt  }
0x73: {  	_ =	shalt  }
0x74: {  	_ =	shalt  }
0x75: {  	_ =	shalt  }
0x76: {  	_ =	shalt  }
0x77: {  	_ =	shalt  }
0x78: {  	_ =	shalt  }
0x79: {  	_ =	shalt  }
0x7a: {  	_ =	shalt  }
0x7b: {  	_ =	shalt  }
0x7c: {  	_ =	shalt  }
0x7d: {  	_ =	shalt  }
0x7e: {  	_ =	shalt  }
0x7f: {  	_ =	shalt  }
0x80: {  	_ =	shalt  }
0x81: {  	_ =	shalt  }
0x82: {  	_ =	shalt  }
0x83: {  	_ =	shalt  }
0x84: {  	_ =	shalt  }
0x85: {  	_ =	shalt  }
0x86: {  	_ =	shalt  }
0x87: {  	_ =	shalt  }
.Lfunc_end0:
.L_simem_size_0:
called_computation.1_lowered:
.L_overlay_start_0:
0x88: {  	s2 =	sld [smem:$0x3FD9]  }
0x89: {  	s3 =	sld [smem:$0x3FFE];
	_ =	sdelay $0x1  }
0x8a: {  	s1 =	srdreg.scid  }
0x8b: {  	s0 =	sand.u32 $0x1, s1  }
0x8c: {  	s16 =	sshll.u32 s0, $0xA;
	s2 =	sadd.s32 s3, s2  }
0x8d: {  	s2 =	sadd.s32 s2, s16  }
0x8e: {  	[smem:$0x3FBD] =	sst s2  }
0x8f: {  	_ = 	snop  }
0x90: {  	(tm) =	ssettm $0x1  }
0x91: {  	s17 =	sld [smem:$0x3FFB];
	_ =	sdelay $0x3  }
0x92: {  	_ =	strace s17  }
0x93: {  	s2 =	sld [smem:$0x3FFC];
	_ =	sdelay $0x3  }
0x94: {  	_ =	strace s2  }
0x95: {  	s2 =	sld [smem:$0x3FFD];
	_ =	sdelay $0x3  }
0x96: {  	_ =	strace s2  }
0x97: {  	_ =	strace $0x8FFFFFFF  }
0x98: {  	s18 =	sld [smem:$0x3FDB];
	_ =	sdelay $0x1  }
0x99: {  	s19 =	simm.s32 $_scs_section_size  }
0x9a: {  	s4 =	simm.s32 $_size__tile_overlayer_lowered;
	s5 =	simm.s32 $_tile_overlayer_lowered  }
0x9b: {  	s22 =	simm.s32 $0x1BFF;
	s21 =	sshll.u32 s5, $0x1;
	s2 =	sadd.s32 s19, s18  }
0x9c: {  	s6 =	simm.s32 $0x0;
	s20 =	sshll.u32 s4, $0x1;
	s4 =	sadd.s32 s21, s2  }
0x9d: {  	[timem:s6], [sflag:s22] =	dma.local [hbm:s4], s20  }
0x9e: {  	_ =	swait.ge [sflag:s22], s20  }
0x9f: {  	s3 =	ssub.s32 $0x0, s20;
	[sflag:s22] =	ssyncset.done $0x0  }
0xa0: {  	[sflag:s22] =	ssyncadd.s32 s3;
	_ =	sdelay $0x1  }
0xa1: {  	s23 =	simm.s32 $0x1B8B  }
0xa2: {  	_ =	swait.ge [sflag:s23], $0x1  }
0xa3: {  	[sflag:s23] =	ssyncset.done $0x0  }
0xa4: {  	s25 =	simm.s32 $0x1B8E;
	s24 =	sld [smem:$0x3FFE];
	[sflag:s23] =	ssyncadd.s32 $0xFFFFFFFF  }
0xa5: {  	s26 =	simm.s32 $execute0_lowered;
	[smem:$0x3FD2] =	sst s25  }
0xa6: {  	s4 =	sshll.u32 s26, $0x1;
	_ =	strace $0x80000046;
	[dreg:$0x1] =	wrdreg $0xFFFFFFFF  }
0xa7: {  	s28 =	simm.s32 $_size_execute0_lowered;
	s2 =	sadd.s32 s2, s4;
	[dreg:$0x0] =	wrdreg $0x0  }
0xa8: {  	s4 =	sshll.u32 s28, $0x1;
	[dreg:$0x2] =	wrdreg s2  }
0xa9: {  	[dreg:$0x3] =	wrdreg s4  }
0xaa: {  	[dreg:$0x4] =	wrdreg $0xC0  }
0xab: {  	_ =	task [dreg:s6], $0x5FFFF  }
0xac: {  	[dreg:$0x1] =	wrdreg $0xFFFFFFFF  }
0xad: {  	[dreg:$0x0] =	wrdreg $0x60  }
0xae: {  	[dreg:$0x2] =	wrdreg s24  }
0xaf: {  	[dreg:$0x3] =	wrdreg $0xA  }
0xb0: {  	_ =	task.clear_ibuf [dreg:s6], $0x4FFFF;
	_ =	strace $0x90000046  }
0xb1: {  	s29 =	simm.s32 $0xA;
	_ =	strace $0x8000005D  }
0xb2: {  	_ =	swait.ge [sflag:s29], $0x1  }
0xb3: {  	[sflag:s29] =	ssyncadd.s32 $0xFFFFFFFF  }
0xb4: {  	_ =	strace $0x9000005D  }
0xb5: {  	_ =	sfence  }
0xb6: {  	s30 =	sld [smem:$0x0];
	_ =	sdelay $0x2  }
0xb7: {  	s31 =	sshll.u32 s1, $0xD;
	s1 =	sshrl.u32 s1, $0x2  }
0xb8: {  	s3 =	sand.u32 $0x4000, s31;
	s1 =	sadd.s32 s1, s30  }
0xb9: {  	s0 =	sor.u32 s3, s0;
	s1 =	sshll.u32 s1, $0x11  }
0xba: {  	s0 =	sor.u32 s1, s0  }
0xbb: {  	s0 =	sadd.s32 $0x8F2B, s0  }
0xbc: {  	[sflag:s0] =	ssyncadd.remote.s32 $0x1  }
0xbd: {  	_ =	sfence.sel $0xFFFF  }
0xbe: {  	[dreg:$0x0] =	wrdreg $0xFFFFFFFF;
	(pc) =	sbr.abs _section_cstart, $3  }
0xbf: {  	[dreg:$0x1] =	wrdreg $0xFFFFFFFF  }
0xc0: {  	_ =	task.clear_ibuf [dreg:s6], $0x2FFFF;
	_ =	strace $0x9FFFFFFF  }
0xc1: {  	(tm) =	ssettm $0x7FFFFFFF  }
tec
execute0_lowered:
.L_overlay_start_1:
0x0: {  	(tag) =	ssettag $0x1  }
0x1: {  	s0 =	rddreg [dreg:$0x0];
	s1 =	srdreg.scid;
	s2 =	simm.s32 $0x0  }
0x2: {  	s21 =	stileid.u32;
	[smem:$0x7FF] =	sst s2;
	s3 =	sadd.s32 $0x2C00, s0  }
0x3: {  	s1 =	sand.u32 $0x1, s1;
	s5 =	sadd.s32 $0x145400, s0;
	s7 =	sadd.s32 $0x151C00, s0  }
0x4: {  	s8 =	sadd.s32 $0x7C00, s0;
	s9 =	sadd.s32 $0x13D1C00, s0;
	s4 =	sshll.u32 s1, $0x4  }
0x5: {  	s10 =	sadd.s32 $0x10B1C00, s0;
	s1 =	ssub.s32 $0x2, s1;
	s11 =	sor.u32 s21, s4  }
0x6: {  	_ =	strace $0x80000047;
	s13 =	sshrl.u32 s1, $0x1;
	s6 =	smul.u32 $0x14, s11  }
0x7: {  	[dreg:$0x2] =	wrdreg s8;
	s12 =	smul.u32 $0x140, s11;
	s22 =	ssub.s32 s1, s13  }
0x8: {  	s4 =	sadd.s32 $0x5400, s0;
	s8 =	smul.u32 $0x64, s11;
	s0 =	smax.u32 s22, $0x1  }
0x9: {  	s23 =	smul.u32 $0x5000, s11;
	s24 =	sadd.s32 s3, s12;
	[dreg:$0x6] =	wrdreg s0  }
0xa: {  	s14 =	smul.u32 $0x640, s11;
	s25 =	sadd.s32 s4, s12;
	[dreg:$0x3] =	wrdreg s24  }
0xb: {  	s11 =	smul.u32 $0x19000, s11;
	s29 =	sadd.s32 s9, s23;
	[dreg:$0x4] =	wrdreg s25  }
0xc: {  	s26 =	sadd.s32 s5, s14;
	[dreg:$0x8] =	wrdreg s29  }
0xd: {  	s20 =	simm.s32 $0x80;
	s31 =	sadd.s32 s10, s11;
	[dreg:$0x5] =	wrdreg s26  }
0xe: {  	s21 =	simm.s32 $0x5;
	s28 =	sadd.s32 $0x10, s25;
	[dreg:$0xa] =	wrdreg s31  }
0xf: {  	s22 =	simm.s32 $0x4;
	s30 =	sadd.s32 $0x10, s26;
	[dreg:$0x7] =	wrdreg s28  }
0x10: {  	s23 =	simm.s32 $0x100;
	s24 =	simm.s32 $0x0;
	[dreg:$0x9] =	wrdreg s30  }
.LBB2_1:
0x11: {  	_ =	strace $0x80000048;
	s2 =	simm.s32 $0x0  }
0x12: {  	s26 =	simm.s32 $0x1;
	p0 =	por $0x0, $0x0;
	p5 =	por $0x1, $0x1  }
0x13: {  	s25 =	simm.s32 $0x13;
	s1 =	simm.s32 $0x1;
	s17 =	simm.s32 $0x0  }
0x14: {  	s29 =	simm.s32 $0x12;
	s0 =	rddreg [dreg:$0x3];
	s26 =	simm.s32 @p0 $0x0  }
0x15: {  	[tilespmem:s2], [sflag:$0x1] =	stream.linear.gather [hbm4b:s0+s2], $0x80, $0x200038;
	[tilespmem:$0x4100] =	vst v63  }
0x16: {  	s15 =	sadd.s32 $0x0, s6;
	p4 =	por $0x0, $0x0;
	p2 =	sne.s32 s26, $0x0  }
0x17: {  	s16 =	simm.s32 $0x1;
	p6 =	por $0x0, $0x0;
	p0 =	por !p5, !p2  }
0x18: {  	s30 =	simm.s32 $0x0;
	s16 =	simm.s32 @!p4 $0x0;
	p3 =	por !p0, !p0  }
0x19: {  	s28 =	sadd.s32 $0x0, s16;
	s31 =	sadd.s32 $0x1, s26;
	s0 =	sadd.s32 @p3 s6, s26  }
0x1a: {  	_ =	strace $0x90000048;
	s1 =	sand.u32 @p3 $0x1, s1;
	s0 =	sshll.u32 @p3 s0, $0x4  }
0x1b: {  	s11 =	simm.s32 @p3 $0x0;
	_ =	strace @p3 $0x80000049;
	s0 =	sand.u32 @p3 $0x1FFFFFF0, s0  }
0x1c: {  	s12 =	sshll.u32 @p3 s1, $0x7;
	s1 =	sadd.s32 @p3 $0x1, s1;
	s0 =	sadd.s32 @p3 s3, s0  }
0x1d: {  	[tilespmem:s12], [sflag:s1] =	stream.linear.gather @p3 [hbm4b:s0+s11], $0x80, $0x200038;
	[tilespmem:$0x4100] =	vst v63  }
0x1e: {  	p5 =	seq.s32 s31, $0x14;
	s11 =	sand.u32 $0x1, s2;
	_ =	strace @p3 $0x90000049  }
0x1f: {  	p0 =	por $0x1, $0x1;
	s18 =	sadd.s32 $0x1, s11;
	_ =	strace $0x8000004A  }
0x20: {  	s31 =	simm.s32 @p5 $0x0;
	p5 =	por p6, p2;
	_ =	swait.ge [sflag:s18], $0x80  }
0x21: {  	p6 =	por $0x1, $0x1;
	p1 =	por p0, p0;
	[sflag:s18] =	ssyncset.done $0x0  }
0x22: {  	p2 =	sne.s32 s26, s31;
	s15 =	sshll.u32 @p5 s15, $0xA;
	[sflag:s18] =	ssyncadd.s32 $0xFFFFFF80  }
0x23: {  	s12 =	sand.u32 @!p0 $0x1, s2;
	s19 =	sshll.u32 s11, $0xD;
	_ =	strace $0x9000004A  }
0x24: {  	s0 =	sand.u32 $0x80, s17;
	s14 =	sor.u32 $0x100, s19;
	_ =	strace $0x8000004B  }
0x25: {  	[tilespmem:s14], [sflag:$0x5] =	stream.indirect.gather [hbm4b:s7+s20], $0x40, s0, s20, $0x2000b8;
	[tilespmem:$0x4100] =	vst v63  }
0x26: {  	p0 =	por $0x0, $0x0;
	s1 =	simm.s32 $0x1;
	_ =	swait.ge [sflag:s21], $0x2000  }
0x27: {  	s17 =	simm.s32 $0x1;
	s1 =	simm.s32 @!p3 $0x0;
	[sflag:s21] =	ssyncset.done $0x0  }
0x28: {  	p3 =	por !p6, !p2;
	s17 =	simm.s32 @!p5 $0x0;
	[sflag:s21] =	ssyncadd.s32 $0xFFFFE000  }
0x29: {  	p3 =	por !p3, !p3;
	s19 =	sadd.s32 $0x1, s1;
	_ =	strace $0x9000004B  }
0x2a: {  	s1 =	simm.s32 $0x0;
	s16 =	sand.u32 @p3 $0x1, s19;
	_ =	strace @p5 $0x8000004C  }
0x2b: {  	s0 =	sadd.s32 @!p1 $0x3, s12;
	s12 =	sadd.s32 @p3 s6, s31;
	s18 =	rddreg [dreg:$0x2]  }
.LBB2_2:
0x2c: {  	s12 =	sshll.u32 @p3 s12, $0x4;
	s13 =	sand.u32 @p5 $0x1FFFFC00, s15;
	s30 =	sadd.s32 s17, s30  }
0x2d: {  	s15 =	smov.u32 s25;
	s25 =	smov.u32 s29;
	s2 =	smov.u32 s26  }
0x2e: {  	s11 =	sadd.s32 @p5 $0x3, s11;
	s26 =	simm.s32 @p5 $0x0;
	s1 =	sadd.s32 s17, s1  }
0x2f: {  	s29 =	sadd.s32 $0xFFFFFFFF, s29;
	s17 =	simm.s32 @p3 $0x0;
	s13 =	sadd.s32 @p5 s18, s13  }
0x30: {  	[hbm4b:s13+s26] =	stream.linear.scatter @p5 [tilespmem:s14], [sflag:s11], $0x2000, $0x200038;
	[tilespmem:$0x4100] =	vst v63  }
0x31: {  	s12 =	sand.u32 @p3 $0x1FFFFFF0, s12;
	s18 =	sshll.u32 s1, $0x7;
	_ =	strace @p5 $0x9000004C  }
0x32: {  	p4 =	sne.s32 s29, $0x0;
	s2 =	sadd.s32 s6, s2;
	_ =	strace @!p1 $0x8000004D  }
0x33: {  	s12 =	sadd.s32 @p3 s3, s12;
	s13 =	sand.u32 $0x1, s1;
	_ =	swait.ge @!p1 [sflag:s0], $0x2000  }
0x34: {  	s14 =	sand.u32 @!p0 $0x1, s28;
	s26 =	smov.u32 s31;
	[sflag:s0] =	ssyncset.done @!p1 $0x0  }
0x35: {  	s31 =	sadd.s32 $0x1, s31;
	s11 =	sadd.s32 $0x1, s13;
	[sflag:s0] =	ssyncadd.s32 @!p1 $0xFFFFE000  }
0x36: {  	p5 =	sne.s32 s15, $0x14;
	p6 =	seq.s32 s31, $0x14;
	_ =	strace @!p1 $0x9000004D  }
0x37: {  	s0 =	sshll.u32 @p3 s16, $0x7;
	s16 =	sadd.s32 @p3 $0x1, s16;
	_ =	strace @p3 $0x80000049  }
0x38: {  	[tilespmem:s0], [sflag:s16] =	stream.linear.gather @p3 [hbm4b:s12+s17], $0x80, $0x200038;
	[tilespmem:$0x4100] =	vst v63  }
0x39: {  	s31 =	simm.s32 @p6 $0x0;
	p6 =	sne.s32 s25, $0x1;
	_ =	strace @p3 $0x90000049  }
0x3a: {  	p1 =	por p0, p0;
	p0 =	seq.s32 s25, $0x14;
	_ =	strace $0x8000004A  }
0x3b: {  	s17 =	sand.u32 $0x80, s18;
	s0 =	sadd.s32 @!p1 $0x3, s14;
	_ =	swait.ge [sflag:s11], $0x80  }
0x3c: {  	s16 =	simm.s32 $0x1;
	s12 =	simm.s32 $0x1;
	[sflag:s11] =	ssyncset.done $0x0  }
0x3d: {  	s16 =	simm.s32 @!p5 $0x0;
	[sflag:s11] =	ssyncadd.s32 $0xFFFFFF80;
	s11 =	sand.u32 $0x1, s30  }
0x3e: {  	p5 =	seq.s32 s15, $0x1;
	_ =	strace $0x9000004A;
	s18 =	sshll.u32 s11, $0xD  }
0x3f: {  	s12 =	simm.s32 @!p3 $0x0;
	_ =	strace $0x8000004B;
	s14 =	sor.u32 $0x100, s18  }
0x40: {  	[tilespmem:s14], [sflag:$0x5] =	stream.indirect.gather [hbm4b:s7+s20], $0x40, s17, s20, $0x2000b8;
	[tilespmem:$0x4100] =	vst v63  }
0x41: {  	s28 =	sadd.s32 s16, s28;
	p5 =	por p5, p2;
	_ =	swait.ge [sflag:s21], $0x2000  }
.Ltmp0:
0x42: {  	p2 =	sne.s32 s26, s31;
	[sflag:s21] =	ssyncset.done $0x0;
	(pc) =	sbr.rel @p4 .LBB2_2-.Ltmp0, $4  }
0x43: {  	s19 =	sadd.s32 s12, s19;
	p3 =	por !p6, !p2;
	[sflag:s21] =	ssyncadd.s32 $0xFFFFE000  }
0x44: {  	s15 =	sshll.u32 @p5 s2, $0xA;
	p3 =	por !p3, !p3;
	_ =	strace $0x9000004B  }
0x45: {  	s16 =	sand.u32 @p3 $0x1, s19;
	s17 =	simm.s32 $0x1;
	_ =	strace @p5 $0x8000004C  }
0x46: {  	s12 =	sadd.s32 @p3 s6, s31;
	s17 =	simm.s32 @!p5 $0x0;
	s18 =	rddreg [dreg:$0x2]  }
0x47: {  	s2 =	sand.u32 @p5 $0x1FFFFC00, s15  }
0x48: {  	s11 =	sadd.s32 @p5 $0x3, s11;
	s13 =	simm.s32 @p5 $0x0;
	s2 =	sadd.s32 @p5 s18, s2  }
0x49: {  	[hbm4b:s2+s13] =	stream.linear.scatter @p5 [tilespmem:s14], [sflag:s11], $0x2000, $0x200038;
	[tilespmem:$0x4100] =	vst v63  }
0x4a: {  	_ =	strace @p5 $0x9000004C  }
0x4b: {  	_ =	strace @!p1 $0x8000004D  }
0x4c: {  	_ =	swait.ge @!p1 [sflag:s0], $0x2000  }
0x4d: {  	s19 =	sadd.s32 s17, s1;
	[sflag:s0] =	ssyncset.done @!p1 $0x0  }
0x4e: {  	s1 =	simm.s32 @p3 $0x0;
	s2 =	sshll.u32 @p3 s12, $0x4;
	[sflag:s0] =	ssyncadd.s32 @!p1 $0xFFFFE000  }
0x4f: {  	s11 =	sshll.u32 @p3 s16, $0x7;
	s2 =	sand.u32 @p3 $0x1FFFFFF0, s2;
	_ =	strace @!p1 $0x9000004D  }
0x50: {  	s12 =	sadd.s32 @p3 $0x1, s16;
	s2 =	sadd.s32 @p3 s3, s2;
	_ =	strace @p3 $0x80000049  }
0x51: {  	[tilespmem:s11], [sflag:s12] =	stream.linear.gather @p3 [hbm4b:s2+s1], $0x80, $0x200038;
	[tilespmem:$0x4100] =	vst v63  }
0x52: {  	s11 =	sand.u32 $0x1, s19;
	_ =	strace @p3 $0x90000049  }
0x53: {  	s1 =	sadd.s32 $0x1, s11;
	_ =	strace $0x8000004A  }
0x54: {  	_ =	swait.ge [sflag:s1], $0x80  }
0x55: {  	s12 =	sadd.s32 s17, s30;
	[sflag:s1] =	ssyncset.done $0x0  }
0x56: {  	[sflag:s1] =	ssyncadd.s32 $0xFFFFFF80;
	s1 =	sand.u32 $0x1, s12  }
0x57: {  	s0 =	sshll.u32 s19, $0x7;
	_ =	strace $0x9000004A;
	s2 =	sshll.u32 s1, $0xD  }
0x58: {  	s0 =	sand.u32 $0x80, s0;
	_ =	strace $0x8000004B;
	s2 =	sor.u32 $0x100, s2  }
0x59: {  	[tilespmem:s2], [sflag:$0x5] =	stream.indirect.gather [hbm4b:s7+s20], $0x40, s0, s20, $0x2000b8;
	[tilespmem:$0x4100] =	vst v63  }
0x5a: {  	_ =	swait.ge [sflag:s21], $0x2000  }
0x5b: {  	[sflag:s21] =	ssyncset.done $0x0  }
0x5c: {  	p6 =	seq.s32 s25, $0x1;
	[sflag:s21] =	ssyncadd.s32 $0xFFFFE000  }
0x5d: {  	p1 =	por p6, p2;
	s0 =	sadd.s32 s6, s26;
	_ =	strace $0x9000004B  }
0x5e: {  	s0 =	sshll.u32 @p1 s0, $0xA;
	_ =	strace @p1 $0x8000004C  }
0x5f: {  	s0 =	sand.u32 @p1 $0x1FFFFC00, s0;
	s11 =	rddreg [dreg:$0x2]  }
0x60: {  	s12 =	simm.s32 @p1 $0x0;
	s1 =	sadd.s32 @p1 $0x3, s1;
	s0 =	sadd.s32 @p1 s11, s0  }
0x61: {  	[hbm4b:s0+s12] =	stream.linear.scatter @p1 [tilespmem:s2], [sflag:s1], $0x2000, $0x200038;
	[tilespmem:$0x4100] =	vst v63  }
0x62: {  	s0 =	sand.u32 @!p0 $0x1, s28;
	p0 =	por p0, p0;
	_ =	strace @p1 $0x9000004C  }
0x63: {  	s0 =	sadd.s32 @!p0 $0x3, s0;
	_ =	strace @!p0 $0x8000004D  }
0x64: {  	_ =	swait.ge @!p0 [sflag:s0], $0x2000  }
0x65: {  	[sflag:s0] =	ssyncset.done @!p0 $0x0  }
0x66: {  	[sflag:s0] =	ssyncadd.s32 @!p0 $0xFFFFE000  }
0x67: {  	_ =	strace @!p0 $0x9000004D  }
0x68: {  	_ =	strace $0x8000004E  }
0x69: {  	_ =	swait.ge [sflag:s22], $0x2000  }
0x6a: {  	[sflag:s22] =	ssyncset.done $0x0  }
0x6b: {  	[sflag:s22] =	ssyncadd.s32 $0xFFFFE000  }
0x6c: {  	_ =	strace $0x9000004E  }
0x6d: {  	_ =	strace $0x8000004F  }
0x6e: {  	s0 =	simm.s32 $0x0;
	s13 =	rddreg [dreg:$0x4]  }
0x6f: {  	[tilespmem:s0], [sflag:$0x1] =	stream.linear.gather [hbm4b:s13+s0], $0x80, $0x200038;
	[tilespmem:$0x4100] =	vst v63  }
0x70: {  	_ =	strace $0x9000004F  }
0x71: {  	_ =	strace $0x80000050  }
0x72: {  	s14 =	rddreg [dreg:$0x7]  }
0x73: {  	[tilespmem:s20], [sflag:$0x2] =	stream.linear.gather [hbm4b:s14+s0], $0x80, $0x200038;
	[tilespmem:$0x4100] =	vst v63  }
0x74: {  	_ =	strace $0x90000050  }
0x75: {  	s15 =	simm.s32 $0x1;
	_ =	strace $0x80000051  }
0x76: {  	_ =	swait.ge [sflag:s15], $0x80  }
0x77: {  	[sflag:s15] =	ssyncset.done $0x0  }
0x78: {  	[sflag:s15] =	ssyncadd.s32 $0xFFFFFF80  }
0x79: {  	s25 =	simm.s32 $0x2;
	_ =	strace $0x90000051  }
0x7a: {  	s29 =	simm.s32 $0x2;
	p0 =	por $0x0, $0x0;
	_ =	strace $0x80000052  }
0x7b: {  	[tilespmem:s23], [sflag:$0x5] =	stream.indirect.gather [hbm4b:s7+s20], $0x40, s0, s20, $0x2000b8;
	[tilespmem:$0x4100] =	vst v63  }
0x7c: {  	p4 =	por $0x0, $0x0;
	s25 =	simm.s32 @p0 $0x0;
	_ =	swait.ge [sflag:s21], $0x2000  }
0x7d: {  	p3 =	por $0x1, $0x1;
	p0 =	sne.s32 s25, $0x1;
	[sflag:s21] =	ssyncset.done $0x0  }
0x7e: {  	p5 =	por $0x1, $0x1;
	p1 =	por !p3, !p0;
	[sflag:s21] =	ssyncadd.s32 $0xFFFFE000  }
0x7f: {  	s28 =	simm.s32 $0x2;
	p2 =	por !p1, !p1;
	_ =	strace $0x90000052  }
0x80: {  	s2 =	sadd.s32 @p2 s6, s25;
	s11 =	sand.u32 @p2 $0x1, s28;
	_ =	strace $0x80000053  }
0x81: {  	s12 =	simm.s32 @p2 $0x0;
	s2 =	sshll.u32 @p2 s2, $0x4;
	s16 =	rddreg [dreg:$0x8]  }
0x82: {  	[hbm4b:s16+s0] =	stream.linear.scatter [tilespmem:s23], [sflag:$0x3], $0x2000, $0x200038;
	[tilespmem:$0x4100] =	vst v63  }
0x83: {  	s2 =	sand.u32 @p2 $0x1FFFFFF0, s2;
	s13 =	sshll.u32 @p2 s11, $0x7;
	_ =	strace $0x90000053  }
0x84: {  	s11 =	sadd.s32 @p2 $0x1, s11;
	s2 =	sadd.s32 @p2 s4, s2;
	_ =	strace @p2 $0x80000050  }
0x85: {  	[tilespmem:s13], [sflag:s11] =	stream.linear.gather @p2 [hbm4b:s2+s12], $0x80, $0x200038;
	[tilespmem:$0x4100] =	vst v63  }
0x86: {  	s19 =	simm.s32 $0x80;
	s1 =	sand.u32 $0x1, s15;
	_ =	strace @p2 $0x90000050  }
0x87: {  	s26 =	simm.s32 $0x1;
	s17 =	sadd.s32 $0x1, s1;
	_ =	strace $0x80000051  }
0x88: {  	s18 =	sshll.u32 s1, $0xD;
	p0 =	por p4, p0;
	_ =	swait.ge [sflag:s17], $0x80  }
0x89: {  	s1 =	sadd.s32 @p0 $0x3, s1;
	s14 =	simm.s32 @p0 $0x0;
	[sflag:s17] =	ssyncset.done $0x0  }
0x8a: {  	s0 =	sand.u32 $0x1, s0;
	s12 =	sadd.s32 $0x1, s6;
	[sflag:s17] =	ssyncadd.s32 $0xFFFFFF80  }
0x8b: {  	s13 =	sor.u32 $0x100, s18;
	s2 =	sand.u32 $0x80, s19;
	_ =	strace $0x90000051  }
0x8c: {  	s11 =	sadd.s32 $0x3, s0;
	s0 =	sadd.s32 $0x1, s25;
	_ =	strace $0x80000052  }
0x8d: {  	[tilespmem:s13], [sflag:$0x5] =	stream.indirect.gather [hbm4b:s7+s20], $0x40, s2, s20, $0x2000b8;
	[tilespmem:$0x4100] =	vst v63  }
0x8e: {  	s12 =	sshll.u32 @p0 s12, $0xA;
	p1 =	seq.s32 s0, $0x14;
	_ =	swait.ge [sflag:s21], $0x2000  }
0x8f: {  	s12 =	sand.u32 @p0 $0x1FFFFC00, s12;
	s2 =	simm.s32 $0x1;
	[sflag:s21] =	ssyncset.done $0x0  }
0x90: {  	s0 =	simm.s32 @p1 $0x0;
	s2 =	simm.s32 @!p0 $0x0;
	[sflag:s21] =	ssyncadd.s32 $0xFFFFE000  }
0x91: {  	s12 =	sadd.s32 @p0 s9, s12;
	s30 =	sadd.s32 $0x1, s2;
	_ =	strace $0x90000052  }
0x92: {  	p1 =	sne.s32 s25, s0;
	s31 =	sand.u32 $0x1, s30;
	_ =	strace @p0 $0x80000053  }
0x93: {  	[hbm4b:s12+s14] =	stream.linear.scatter @p0 [tilespmem:s13], [sflag:s1], $0x2000, $0x200038;
	[tilespmem:$0x4100] =	vst v63  }
0x94: {  	p6 =	por !p5, !p1;
	s14 =	sshll.u32 s31, $0xD;
	_ =	strace @p0 $0x90000053  }
0x95: {  	s12 =	simm.s32 $0x1;
	s1 =	smov.u32 s30;
	_ =	strace $0x80000054  }
0x96: {  	p0 =	por !p6, !p6;
	s12 =	simm.s32 @!p2 $0x0;
	_ =	swait.ge [sflag:s11], $0x2000  }
.LBB2_4:
0x97: {  	s2 =	sadd.s32 @p0 s6, s0;
	s28 =	sadd.s32 s12, s28  }
0x98: {  	[sflag:s11] =	ssyncset.done $0x0;
	s12 =	smov.u32 s26;
	s26 =	smov.u32 s29  }
0x99: {  	s13 =	simm.s32 @p0 $0x0;
	s2 =	sshll.u32 @p0 s2, $0x4;
	[sflag:s11] =	ssyncadd.s32 $0xFFFFE000  }
0x9a: {  	s11 =	sand.u32 @p0 $0x1, s28;
	s2 =	sand.u32 @p0 $0x1FFFFFF0, s2;
	_ =	strace $0x90000054  }
0x9b: {  	s15 =	sshll.u32 @p0 s11, $0x7;
	s11 =	sadd.s32 @p0 $0x1, s11;
	s2 =	sadd.s32 @p0 s4, s2  }
0x9c: {  	s29 =	sadd.s32 $0x1, s29;
	s16 =	sand.u32 $0x1, s30;
	_ =	strace @p0 $0x80000050  }
0x9d: {  	[tilespmem:s15], [sflag:s11] =	stream.linear.gather @p0 [hbm4b:s2+s13], $0x80, $0x200038;
	[tilespmem:$0x4100] =	vst v63  }
0x9e: {  	p2 =	sne.s32 s29, $0x13;
	s2 =	sadd.s32 $0x1, s16;
	_ =	strace @p0 $0x90000050  }
0x9f: {  	s14 =	sor.u32 $0x100, s14;
	_ =	strace $0x80000051  }
0xa0: {  	p4 =	seq.s32 s12, $0x12;
	p3 =	sne.s32 s26, $0x12;
	_ =	swait.ge [sflag:s2], $0x80  }
0xa1: {  	s13 =	sadd.s32 s6, s25;
	s25 =	smov.u32 s0;
	[sflag:s2] =	ssyncset.done $0x0  }
0xa2: {  	s11 =	sand.u32 $0x1, s12;
	[sflag:s2] =	ssyncadd.s32 $0xFFFFFF80;
	s2 =	sshll.u32 s30, $0x7  }
0xa3: {  	p4 =	por p4, p1;
	_ =	strace $0x90000051;
	s2 =	sand.u32 $0x80, s2  }
0xa4: {  	s0 =	sadd.s32 $0x1, s0;
	s11 =	sadd.s32 $0x3, s11;
	_ =	strace $0x80000052  }
0xa5: {  	[tilespmem:s14], [sflag:$0x5] =	stream.indirect.gather [hbm4b:s7+s20], $0x40, s2, s20, $0x2000b8;
	[tilespmem:$0x4100] =	vst v63  }
0xa6: {  	s12 =	sadd.s32 @p4 $0x3, s31;
	s2 =	simm.s32 $0x1;
	_ =	swait.ge [sflag:s21], $0x2000  }
0xa7: {  	s15 =	simm.s32 @p4 $0x0;
	s2 =	simm.s32 @!p4 $0x0;
	[sflag:s21] =	ssyncset.done $0x0  }
0xa8: {  	p1 =	seq.s32 s0, $0x14;
	s1 =	sadd.s32 s2, s1;
	[sflag:s21] =	ssyncadd.s32 $0xFFFFE000  }
0xa9: {  	s13 =	sshll.u32 @p4 s13, $0xA;
	s0 =	simm.s32 @p1 $0x0;
	_ =	strace $0x90000052  }
0xaa: {  	s13 =	sand.u32 @p4 $0x1FFFFC00, s13;
	p1 =	sne.s32 s25, s0;
	s30 =	sadd.s32 s2, s30  }
.Ltmp1:
0xab: {  	s2 =	sadd.s32 @p4 s9, s13;
	_ =	strace @p4 $0x80000053;
	(pc) =	sbr.rel @p2 .LBB2_4-.Ltmp1, $4  }
0xac: {  	[hbm4b:s2+s15] =	stream.linear.scatter @p4 [tilespmem:s14], [sflag:s12], $0x2000, $0x200038;
	[tilespmem:$0x4100] =	vst v63  }
0xad: {  	p3 =	por !p3, !p1;
	s31 =	sand.u32 $0x1, s1;
	_ =	strace @p4 $0x90000053  }
0xae: {  	s14 =	sshll.u32 s31, $0xD;
	s12 =	simm.s32 $0x1;
	_ =	strace $0x80000054  }
0xaf: {  	s12 =	simm.s32 @!p0 $0x0;
	p0 =	por !p3, !p3;
	_ =	swait.ge [sflag:s11], $0x2000  }
0xb0: {  	s0 =	sadd.s32 @p0 s6, s0  }
0xb1: {  	s1 =	sadd.s32 s12, s28;
	[sflag:s11] =	ssyncset.done $0x0;
	s2 =	simm.s32 @p0 $0x0  }
0xb2: {  	s0 =	sshll.u32 @p0 s0, $0x4;
	[sflag:s11] =	ssyncadd.s32 $0xFFFFE000;
	s1 =	sand.u32 @p0 $0x1, s1  }
0xb3: {  	s0 =	sand.u32 @p0 $0x1FFFFFF0, s0;
	_ =	strace $0x90000054;
	s11 =	sshll.u32 @p0 s1, $0x7  }
0xb4: {  	s1 =	sadd.s32 @p0 $0x1, s1;
	s0 =	sadd.s32 @p0 s4, s0;
	_ =	strace @p0 $0x80000050  }
0xb5: {  	[tilespmem:s11], [sflag:s1] =	stream.linear.gather @p0 [hbm4b:s0+s2], $0x80, $0x200038;
	[tilespmem:$0x4100] =	vst v63  }
0xb6: {  	s2 =	sand.u32 $0x1, s30;
	_ =	strace @p0 $0x90000050  }
0xb7: {  	s0 =	sadd.s32 $0x1, s2;
	_ =	strace $0x80000051  }
0xb8: {  	_ =	swait.ge [sflag:s0], $0x80  }
0xb9: {  	[sflag:s0] =	ssyncset.done $0x0  }
0xba: {  	[sflag:s0] =	ssyncadd.s32 $0xFFFFFF80  }
0xbb: {  	s11 =	sshll.u32 s30, $0x7;
	_ =	strace $0x90000051  }
0xbc: {  	s1 =	sor.u32 $0x100, s14;
	s0 =	sand.u32 $0x80, s11;
	_ =	strace $0x80000052  }
0xbd: {  	[tilespmem:s1], [sflag:$0x5] =	stream.indirect.gather [hbm4b:s7+s20], $0x40, s0, s20, $0x2000b8;
	[tilespmem:$0x4100] =	vst v63  }
0xbe: {  	p3 =	seq.s32 s26, $0x12;
	_ =	swait.ge [sflag:s21], $0x2000  }
0xbf: {  	p0 =	por p3, p1;
	s0 =	sadd.s32 s6, s25;
	[sflag:s21] =	ssyncset.done $0x0  }
0xc0: {  	s0 =	sshll.u32 @p0 s0, $0xA;
	[sflag:s21] =	ssyncadd.s32 $0xFFFFE000  }
0xc1: {  	s2 =	sadd.s32 @p0 $0x3, s31;
	s0 =	sand.u32 @p0 $0x1FFFFC00, s0;
	_ =	strace $0x90000052  }
0xc2: {  	s11 =	simm.s32 @p0 $0x0;
	s0 =	sadd.s32 @p0 s9, s0;
	_ =	strace @p0 $0x80000053  }
0xc3: {  	[hbm4b:s0+s11] =	stream.linear.scatter @p0 [tilespmem:s1], [sflag:s2], $0x2000, $0x200038;
	[tilespmem:$0x4100] =	vst v63  }
0xc4: {  	s12 =	sand.u32 $0x1, s26;
	_ =	strace @p0 $0x90000053  }
0xc5: {  	s0 =	sadd.s32 $0x3, s12;
	_ =	strace $0x80000054  }
0xc6: {  	_ =	swait.ge [sflag:s0], $0x2000  }
0xc7: {  	[sflag:s0] =	ssyncset.done $0x0  }
0xc8: {  	[sflag:s0] =	ssyncadd.s32 $0xFFFFE000  }
0xc9: {  	_ =	strace $0x90000054  }
0xca: {  	_ =	strace $0x80000055  }
0xcb: {  	_ =	swait.ge [sflag:s22], $0x2000  }
0xcc: {  	[sflag:s22] =	ssyncset.done $0x0  }
0xcd: {  	[sflag:s22] =	ssyncadd.s32 $0xFFFFE000  }
0xce: {  	_ =	strace $0x90000055  }
0xcf: {  	_ =	strace $0x80000056  }
0xd0: {  	s0 =	simm.s32 $0x0;
	s13 =	rddreg [dreg:$0x5]  }
0xd1: {  	[tilespmem:s0], [sflag:$0x1] =	stream.linear.gather [hbm4b:s13+s0], $0x80, $0x200038;
	[tilespmem:$0x4100] =	vst v63  }
0xd2: {  	_ =	strace $0x90000056  }
0xd3: {  	_ =	strace $0x80000057  }
0xd4: {  	s14 =	rddreg [dreg:$0x9]  }
0xd5: {  	[tilespmem:s20], [sflag:$0x2] =	stream.linear.gather [hbm4b:s14+s0], $0x80, $0x200038;
	[tilespmem:$0x4100] =	vst v63  }
0xd6: {  	_ =	strace $0x90000057  }
0xd7: {  	s15 =	simm.s32 $0x1;
	_ =	strace $0x80000058  }
0xd8: {  	_ =	swait.ge [sflag:s15], $0x80  }
0xd9: {  	[sflag:s15] =	ssyncset.done $0x0  }
0xda: {  	[sflag:s15] =	ssyncadd.s32 $0xFFFFFF80  }
0xdb: {  	s25 =	simm.s32 $0x2;
	p0 =	por $0x0, $0x0;
	_ =	strace $0x90000058  }
0xdc: {  	s25 =	simm.s32 @p0 $0x0;
	_ =	strace $0x80000059  }
0xdd: {  	[tilespmem:s23], [sflag:$0x5] =	stream.indirect.gather [hbm4b:s7+s20], $0x40, s0, s20, $0x2000b8;
	[tilespmem:$0x4100] =	vst v63  }
0xde: {  	p4 =	por $0x1, $0x1;
	p0 =	sne.s32 s25, $0x1;
	_ =	swait.ge [sflag:s21], $0x2000  }
0xdf: {  	s28 =	simm.s32 $0x2;
	p1 =	por !p4, !p0;
	[sflag:s21] =	ssyncset.done $0x0  }
0xe0: {  	s26 =	simm.s32 $0x1;
	p2 =	por !p1, !p1;
	[sflag:s21] =	ssyncadd.s32 $0xFFFFE000  }
0xe1: {  	s29 =	simm.s32 $0x2;
	s2 =	sadd.s32 @p2 s8, s25;
	_ =	strace $0x90000059  }
0xe2: {  	s19 =	simm.s32 $0x80;
	s2 =	sshll.u32 @p2 s2, $0x4;
	_ =	strace $0x8000005A  }
0xe3: {  	s11 =	sand.u32 @p2 $0x1, s28;
	s2 =	sand.u32 @p2 $0x1FFFFFF0, s2;
	s16 =	rddreg [dreg:$0xa]  }
0xe4: {  	[hbm4b:s16+s0] =	stream.linear.scatter [tilespmem:s23], [sflag:$0x3], $0x2000, $0x200038;
	[tilespmem:$0x4100] =	vst v63  }
0xe5: {  	s12 =	simm.s32 @p2 $0x0;
	s2 =	sadd.s32 @p2 s5, s2;
	_ =	strace $0x9000005A  }
0xe6: {  	s13 =	sshll.u32 @p2 s11, $0x7;
	s11 =	sadd.s32 @p2 $0x1, s11;
	_ =	strace @p2 $0x80000057  }
0xe7: {  	[tilespmem:s13], [sflag:s11] =	stream.linear.gather @p2 [hbm4b:s2+s12], $0x80, $0x200038;
	[tilespmem:$0x4100] =	vst v63  }
0xe8: {  	p5 =	por $0x0, $0x0;
	s1 =	sand.u32 $0x1, s15;
	_ =	strace @p2 $0x90000057  }
0xe9: {  	p3 =	por $0x1, $0x1;
	s17 =	sadd.s32 $0x1, s1;
	_ =	strace $0x80000058  }
0xea: {  	s18 =	sshll.u32 s1, $0xD;
	p0 =	por p5, p0;
	_ =	swait.ge [sflag:s17], $0x80  }
0xeb: {  	s1 =	sadd.s32 @p0 $0x3, s1;
	s14 =	simm.s32 @p0 $0x0;
	[sflag:s17] =	ssyncset.done $0x0  }
0xec: {  	s0 =	sand.u32 $0x1, s0;
	s12 =	sadd.s32 $0x1, s8;
	[sflag:s17] =	ssyncadd.s32 $0xFFFFFF80  }
0xed: {  	s13 =	sor.u32 $0x100, s18;
	s2 =	sand.u32 $0x80, s19;
	_ =	strace $0x90000058  }
0xee: {  	s11 =	sadd.s32 $0x3, s0;
	s0 =	sadd.s32 $0x1, s25;
	_ =	strace $0x80000059  }
0xef: {  	[tilespmem:s13], [sflag:$0x5] =	stream.indirect.gather [hbm4b:s7+s20], $0x40, s2, s20, $0x2000b8;
	[tilespmem:$0x4100] =	vst v63  }
0xf0: {  	s12 =	sshll.u32 @p0 s12, $0xA;
	p1 =	seq.s32 s0, $0x64;
	_ =	swait.ge [sflag:s21], $0x2000  }
0xf1: {  	s12 =	sand.u32 @p0 $0x1FFFFC00, s12;
	s2 =	simm.s32 $0x1;
	[sflag:s21] =	ssyncset.done $0x0  }
0xf2: {  	s0 =	simm.s32 @p1 $0x0;
	s2 =	simm.s32 @!p0 $0x0;
	[sflag:s21] =	ssyncadd.s32 $0xFFFFE000  }
0xf3: {  	s12 =	sadd.s32 @p0 s10, s12;
	s30 =	sadd.s32 $0x1, s2;
	_ =	strace $0x90000059  }
0xf4: {  	p1 =	sne.s32 s25, s0;
	s31 =	sand.u32 $0x1, s30;
	_ =	strace @p0 $0x8000005A  }
0xf5: {  	[hbm4b:s12+s14] =	stream.linear.scatter @p0 [tilespmem:s13], [sflag:s1], $0x2000, $0x200038;
	[tilespmem:$0x4100] =	vst v63  }
0xf6: {  	p6 =	por !p3, !p1;
	s14 =	sshll.u32 s31, $0xD;
	_ =	strace @p0 $0x9000005A  }
0xf7: {  	s12 =	simm.s32 $0x1;
	s1 =	smov.u32 s30;
	_ =	strace $0x8000005B  }
0xf8: {  	p0 =	por !p6, !p6;
	s12 =	simm.s32 @!p2 $0x0;
	_ =	swait.ge [sflag:s11], $0x2000  }
.LBB2_6:
0xf9: {  	s2 =	sadd.s32 @p0 s8, s0;
	s28 =	sadd.s32 s12, s28  }
0xfa: {  	[sflag:s11] =	ssyncset.done $0x0;
	s12 =	smov.u32 s26;
	s26 =	smov.u32 s29  }
0xfb: {  	s13 =	simm.s32 @p0 $0x0;
	s2 =	sshll.u32 @p0 s2, $0x4;
	[sflag:s11] =	ssyncadd.s32 $0xFFFFE000  }
0xfc: {  	s11 =	sand.u32 @p0 $0x1, s28;
	s2 =	sand.u32 @p0 $0x1FFFFFF0, s2;
	_ =	strace $0x9000005B  }
0xfd: {  	s15 =	sshll.u32 @p0 s11, $0x7;
	s11 =	sadd.s32 @p0 $0x1, s11;
	s2 =	sadd.s32 @p0 s5, s2  }
0xfe: {  	s29 =	sadd.s32 $0x1, s29;
	s16 =	sand.u32 $0x1, s30;
	_ =	strace @p0 $0x80000057  }
0xff: {  	[tilespmem:s15], [sflag:s11] =	stream.linear.gather @p0 [hbm4b:s2+s13], $0x80, $0x200038;
	[tilespmem:$0x4100] =	vst v63  }
0x100: {  	p2 =	sne.s32 s29, $0x63;
	s2 =	sadd.s32 $0x1, s16;
	_ =	strace @p0 $0x90000057  }
0x101: {  	s14 =	sor.u32 $0x100, s14;
	_ =	strace $0x80000058  }
0x102: {  	p4 =	seq.s32 s12, $0x62;
	p3 =	sne.s32 s26, $0x62;
	_ =	swait.ge [sflag:s2], $0x80  }
0x103: {  	s13 =	sadd.s32 s8, s25;
	s25 =	smov.u32 s0;
	[sflag:s2] =	ssyncset.done $0x0  }
0x104: {  	s11 =	sand.u32 $0x1, s12;
	[sflag:s2] =	ssyncadd.s32 $0xFFFFFF80;
	s2 =	sshll.u32 s30, $0x7  }
0x105: {  	p4 =	por p4, p1;
	_ =	strace $0x90000058;
	s2 =	sand.u32 $0x80, s2  }
0x106: {  	s0 =	sadd.s32 $0x1, s0;
	s11 =	sadd.s32 $0x3, s11;
	_ =	strace $0x80000059  }
0x107: {  	[tilespmem:s14], [sflag:$0x5] =	stream.indirect.gather [hbm4b:s7+s20], $0x40, s2, s20, $0x2000b8;
	[tilespmem:$0x4100] =	vst v63  }
0x108: {  	s12 =	sadd.s32 @p4 $0x3, s31;
	s2 =	simm.s32 $0x1;
	_ =	swait.ge [sflag:s21], $0x2000  }
0x109: {  	s15 =	simm.s32 @p4 $0x0;
	s2 =	simm.s32 @!p4 $0x0;
	[sflag:s21] =	ssyncset.done $0x0  }
0x10a: {  	p1 =	seq.s32 s0, $0x64;
	s1 =	sadd.s32 s2, s1;
	[sflag:s21] =	ssyncadd.s32 $0xFFFFE000  }
0x10b: {  	s13 =	sshll.u32 @p4 s13, $0xA;
	s0 =	simm.s32 @p1 $0x0;
	_ =	strace $0x90000059  }
0x10c: {  	s13 =	sand.u32 @p4 $0x1FFFFC00, s13;
	p1 =	sne.s32 s25, s0;
	s30 =	sadd.s32 s2, s30  }
.Ltmp2:
0x10d: {  	s2 =	sadd.s32 @p4 s10, s13;
	_ =	strace @p4 $0x8000005A;
	(pc) =	sbr.rel @p2 .LBB2_6-.Ltmp2, $4  }
0x10e: {  	[hbm4b:s2+s15] =	stream.linear.scatter @p4 [tilespmem:s14], [sflag:s12], $0x2000, $0x200038;
	[tilespmem:$0x4100] =	vst v63  }
0x10f: {  	p3 =	por !p3, !p1;
	s31 =	sand.u32 $0x1, s1;
	_ =	strace @p4 $0x9000005A  }
0x110: {  	s14 =	sshll.u32 s31, $0xD;
	s12 =	simm.s32 $0x1;
	_ =	strace $0x8000005B  }
0x111: {  	s12 =	simm.s32 @!p0 $0x0;
	p0 =	por !p3, !p3;
	_ =	swait.ge [sflag:s11], $0x2000  }
0x112: {  	s0 =	sadd.s32 @p0 s8, s0  }
0x113: {  	s1 =	sadd.s32 s12, s28;
	[sflag:s11] =	ssyncset.done $0x0;
	s2 =	simm.s32 @p0 $0x0  }
0x114: {  	s0 =	sshll.u32 @p0 s0, $0x4;
	[sflag:s11] =	ssyncadd.s32 $0xFFFFE000;
	s1 =	sand.u32 @p0 $0x1, s1  }
0x115: {  	s0 =	sand.u32 @p0 $0x1FFFFFF0, s0;
	_ =	strace $0x9000005B;
	s11 =	sshll.u32 @p0 s1, $0x7  }
0x116: {  	s1 =	sadd.s32 @p0 $0x1, s1;
	s0 =	sadd.s32 @p0 s5, s0;
	_ =	strace @p0 $0x80000057  }
0x117: {  	[tilespmem:s11], [sflag:s1] =	stream.linear.gather @p0 [hbm4b:s0+s2], $0x80, $0x200038;
	[tilespmem:$0x4100] =	vst v63  }
0x118: {  	s28 =	sand.u32 $0x1, s30;
	_ =	strace @p0 $0x90000057  }
0x119: {  	s0 =	sadd.s32 $0x1, s28;
	_ =	strace $0x80000058  }
0x11a: {  	_ =	swait.ge [sflag:s0], $0x80  }
0x11b: {  	[sflag:s0] =	ssyncset.done $0x0  }
0x11c: {  	[sflag:s0] =	ssyncadd.s32 $0xFFFFFF80  }
0x11d: {  	s29 =	sshll.u32 s30, $0x7;
	_ =	strace $0x90000058  }
0x11e: {  	s1 =	sor.u32 $0x100, s14;
	s0 =	sand.u32 $0x80, s29;
	_ =	strace $0x80000059  }
0x11f: {  	[tilespmem:s1], [sflag:$0x5] =	stream.indirect.gather [hbm4b:s7+s20], $0x40, s0, s20, $0x2000b8;
	[tilespmem:$0x4100] =	vst v63  }
0x120: {  	p6 =	seq.s32 s26, $0x62;
	_ =	swait.ge [sflag:s21], $0x2000  }
0x121: {  	p0 =	por p6, p1;
	s0 =	sadd.s32 s8, s25;
	[sflag:s21] =	ssyncset.done $0x0  }
0x122: {  	s0 =	sshll.u32 @p0 s0, $0xA;
	[sflag:s21] =	ssyncadd.s32 $0xFFFFE000  }
0x123: {  	s2 =	sadd.s32 @p0 $0x3, s31;
	s0 =	sand.u32 @p0 $0x1FFFFC00, s0;
	_ =	strace $0x90000059  }
0x124: {  	s11 =	simm.s32 @p0 $0x0;
	s0 =	sadd.s32 @p0 s10, s0;
	_ =	strace @p0 $0x8000005A  }
0x125: {  	[hbm4b:s0+s11] =	stream.linear.scatter @p0 [tilespmem:s1], [sflag:s2], $0x2000, $0x200038;
	[tilespmem:$0x4100] =	vst v63  }
0x126: {  	s30 =	sand.u32 $0x1, s26;
	_ =	strace @p0 $0x9000005A  }
0x127: {  	s0 =	sadd.s32 $0x3, s30;
	_ =	strace $0x8000005B  }
0x128: {  	_ =	swait.ge [sflag:s0], $0x2000  }
0x129: {  	[sflag:s0] =	ssyncset.done $0x0  }
0x12a: {  	[sflag:s0] =	ssyncadd.s32 $0xFFFFE000  }
0x12b: {  	_ =	strace $0x9000005B  }
0x12c: {  	_ =	strace $0x8000005C  }
0x12d: {  	_ =	swait.ge [sflag:s22], $0x2000  }
0x12e: {  	s24 =	sadd.s32 $0x1, s24;
	s31 =	rddreg [dreg:$0x6]  }
0x12f: {  	p0 =	sne.s32 s24, s31  }
.Ltmp3:
0x130: {  	_ = 	snop;
	(pc) =	sbr.rel @p0 .LBB2_1-.Ltmp3, $4  }
0x131: {  	_ = 	snop  }
0x132: {  	[sflag:s22] =	ssyncset.done $0x0  }
0x133: {  	[sflag:s22] =	ssyncadd.s32 $0xFFFFE000  }
0x134: {  	_ =	strace $0x9000005C  }
0x135: {  	_ =	sfence.sel $0x180000  }
0x136: {  	[bflag:$0x0] =	sbarrier.arrive $0xFFFF  }
0x137: {  	_ =	strace $0x90000047  }
0x138: {  	s0 =	stileid.u32;
	[bflag:$0x2] =	sbarrier.arrive $0xFFFF  }
0x139: {  	p0 =	sne.s32 s0, $0x0;
	s0 =	rddreg [dreg:$0x1]  }
0x13a: {  	s0 =	sadd.s32 @!p0 $0x100000, s0  }
0x13b: {  	[sflag:s0] =	ssyncadd.tile.s32 @!p0 $0x1;
	_ =	shalt  }
.Lfunc_end2:
_tile_overlayer_lowered:
.L_overlay_start_2:
0x13c: {  	(tag) =	ssettag $0x2  }
0x13d: {  	s0 =	rddreg [dreg:$0x0];
	s2 =	stileid.u32  }
0x13e: {  	s1 =	rddreg [dreg:$0x1];
	p0 =	sne.s32 s2, $0x0  }
0x13f: {  	s3 =	rddreg [dreg:$0x2];
	[bflag:$0x3] =	sbarrier.arrive $0xFFFF;
	s2 =	simm.s32 @!p0 $0x1C01  }
0x140: {  	[timem:s3], [sflag:s2] =	dma.local @!p0 [hbm:s0], s1  }
0x141: {  	s0 =	simm.s32 @!p0 $0x1  }
0x142: {  	_ =	swait.ge @!p0 [sflag:s0], s1  }
0x143: {  	s1 =	ssub.s32 @!p0 $0x0, s1;
	[sflag:s0] =	ssyncset.done @!p0 $0x0  }
0x144: {  	[sflag:s0] =	ssyncadd.s32 @!p0 s1  }
0x145: {  	[bflag:$0x3] =	sbarrier.arrive $0xFFFF  }
0x146: {  	_ =	shalt  }

// kernel: kernel.9.cloned.1.call-start
scs
__scs_entry_jumppad:
0x0: {  	(pc) =	sbr.rel $0x88, $3  }
0x1: {  	(tag) =	ssettag $0x0;
	lr =	simm.s32 $0x1  }
0x2: {  	[smem:$0x3F96] =	sst lr;
	_ =	strace $0xD0000000  }
0x3: {  	_ = 	snop  }
0x4: {  	_ = 	snop  }
0x5: {  	_ = 	snop  }
0x6: {  	_ = 	snop  }
0x7: {  	_ = 	snop  }
__scs_overlays_trampoline_lowered:
0x8: {  	[smem:$0x3FA5] =	sst s0  }
0x9: {  	[smem:$0x3FA6] =	sst s1  }
0xa: {  	[smem:$0x3FA7] =	sst s2  }
0xb: {  	[smem:$0x3FA8] =	sst s3  }
0xc: {  	[smem:$0x3FA9] =	sst s4  }
0xd: {  	[smem:$0x3FAA] =	sst s5  }
0xe: {  	[smem:$0x3FAB] =	sst s6  }
0xf: {  	[smem:$0x3FAC] =	sst s7  }
0x10: {  	[smem:$0x3FAD] =	sst s8  }
0x11: {  	[smem:$0x3FAE] =	sst s9;
	s0 =	simm.s32 @!p0 $0x0  }
0x12: {  	s1 =	sld [smem:$0x3F94];
	s0 =	simm.s32 @p0 $0x1  }
0x13: {  	[smem:$0x3FAF] =	sst s0;
	s0 =	simm.s32 @!p1 $0x0  }
0x14: {  	s2 =	sld [smem:$0x3F93];
	s0 =	simm.s32 @p1 $0x1  }
0x15: {  	[smem:$0x3FB0] =	sst s0;
	s0 =	simm.s32 @!p2 $0x0  }
0x16: {  	s3 =	sld [smem:$0x3FDB];
	s0 =	simm.s32 @p2 $0x1  }
0x17: {  	s4 =	simm.s32 $0x1BF5;
	[smem:$0x3FB2] =	sst s0  }
0x18: {  	s0 =	sld [smem:$0x3F95];
	_ =	swait.ge [sflag:s4], $0x0  }
0x19: {  	s7 =	sld [smem:$0x3F96]  }
0x1a: {  	s8 =	sadd.s32 $0xFFFFE003, lr  }
0x1b: {  	s9 =	sadd.s32 $0xFFFFFEF7, lr;
	s5 =	simm.s32 $0xFFFFFFFF;
	p2 =	slt.u32 s8, $0xFFFFF086  }
0x1c: {  	p1 =	slt.u32 s9, $0xF7A;
	s5 =	simm.s32 @!p2 $0x0  }
0x1d: {  	s5 =	simm.s32 @p1 $0x1;
	p0 =	seq.s32 s7, s2  }
0x1e: {  	s7 =	smul.u32 @!p0 $0xF7A, s2;
	p2 =	seq.s32 @!p0 s5, $0x0  }
0x1f: {  	s9 =	smul.u32 $0xF7A, s1;
	s8 =	simm.s32 @!p0 $0x1BF5;
	p2 =	por !p2, p0  }
0x20: {  	[sflag:s8] =	ssyncset.s32 @!p0 $0xFFFFF086;
	s6 =	sadd.s32 @!p0 s3, s7;
	s7 =	simm.s32 @!p0 $0x108  }
0x21: {  	s3 =	sadd.s32 s3, s9;
	s6 =	sadd.s32 @!p0 $0x88, s6;
	s7 =	simm.s32 @p2 $0x1082  }
0x22: {  	[simem:s7], [sflag:s8] =	dma.local @!p0 [hbm:s6], $0xF7A  }
0x23: {  	s9 =	sor.u32 $0xD0000000, s2;
	s6 =	simm.s32 $0x108;
	_ =	swait.ge @!p0 [sflag:s8], $0x0  }
0x24: {  	s3 =	sadd.s32 $0x88, s3;
	s6 =	simm.s32 @!p1 $0x1082;
	[sflag:s4] =	ssyncset.s32 $0xFFFFF086  }
0x25: {  	[simem:s6], [sflag:s4] =	dma.local [hbm:s3], $0xF7A  }
0x26: {  	[smem:$0x3F96] =	sst s1;
	(tag) =	ssettag s2;
	_ =	strace s9  }
0x27: {  	s1 =	sld [smem:$0x3FA6]  }
0x28: {  	s2 =	sld [smem:$0x3FA7]  }
0x29: {  	s4 =	sld [smem:$0x3FA9]  }
0x2a: {  	p0 =	seq.s32 s5, $0x0;
	s5 =	sld [smem:$0x3FAA]  }
0x2b: {  	s6 =	sld [smem:$0x3FAB]  }
0x2c: {  	s7 =	sld [smem:$0x3FAC]  }
0x2d: {  	s3 =	simm.s32 $0x108;
	s8 =	sld [smem:$0x3FAD]  }
0x2e: {  	s3 =	simm.s32 @!p0 $0x1082;
	s9 =	sld [smem:$0x3FAE]  }
0x2f: {  	lr =	sadd.s32 s0, s3;
	s0 =	sld [smem:$0x3FA5]  }
0x30: {  	s3 =	sld [smem:$0x3FA8]  }
0x31: {  	[smem:$0x3FB1] =	sst s10  }
0x32: {  	s10 =	sld [smem:$0x3FAF];
	_ =	sdelay $0x3  }
0x33: {  	p0 =	seq.s32 s10, $0x1;
	s10 =	sld [smem:$0x3FB1];
	_ =	sdelay $0x3  }
0x34: {  	[smem:$0x3FB1] =	sst s10  }
0x35: {  	s10 =	sld [smem:$0x3FB0];
	_ =	sdelay $0x3  }
0x36: {  	p1 =	seq.s32 s10, $0x1;
	s10 =	sld [smem:$0x3FB1];
	_ =	sdelay $0x3  }
0x37: {  	[smem:$0x3FB1] =	sst s10  }
0x38: {  	s10 =	sld [smem:$0x3FB2]  }
0x39: {  	_ = 	snop;
	(pc) =	sbr.ind lr, $3  }
0x3a: {  	_ = 	snop  }
0x3b: {  	_ = 	snop  }
0x3c: {  	p2 =	seq.s32 s10, $0x1;
	s10 =	sld [smem:$0x3FB1]  }
0x3d: {  	_ =	shalt  }
0x3e: {  	_ =	shalt  }
0x3f: {  	_ =	shalt  }
0x40: {  	_ =	shalt  }
0x41: {  	_ =	shalt  }
0x42: {  	_ =	shalt  }
0x43: {  	_ =	shalt  }
0x44: {  	_ =	shalt  }
0x45: {  	_ =	shalt  }
0x46: {  	_ =	shalt  }
0x47: {  	_ =	shalt  }
0x48: {  	_ =	shalt  }
0x49: {  	_ =	shalt  }
0x4a: {  	_ =	shalt  }
0x4b: {  	_ =	shalt  }
0x4c: {  	_ =	shalt  }
0x4d: {  	_ =	shalt  }
0x4e: {  	_ =	shalt  }
0x4f: {  	_ =	shalt  }
0x50: {  	_ =	shalt  }
0x51: {  	_ =	shalt  }
0x52: {  	_ =	shalt  }
0x53: {  	_ =	shalt  }
0x54: {  	_ =	shalt  }
0x55: {  	_ =	shalt  }
0x56: {  	_ =	shalt  }
0x57: {  	_ =	shalt  }
0x58: {  	_ =	shalt  }
0x59: {  	_ =	shalt  }
0x5a: {  	_ =	shalt  }
0x5b: {  	_ =	shalt  }
0x5c: {  	_ =	shalt  }
0x5d: {  	_ =	shalt  }
0x5e: {  	_ =	shalt  }
0x5f: {  	_ =	shalt  }
0x60: {  	_ =	shalt  }
0x61: {  	_ =	shalt  }
0x62: {  	_ =	shalt  }
0x63: {  	_ =	shalt  }
0x64: {  	_ =	shalt  }
0x65: {  	_ =	shalt  }
0x66: {  	_ =	shalt  }
0x67: {  	_ =	shalt  }
0x68: {  	_ =	shalt  }
0x69: {  	_ =	shalt  }
0x6a: {  	_ =	shalt  }
0x6b: {  	_ =	shalt  }
0x6c: {  	_ =	shalt  }
0x6d: {  	_ =	shalt  }
0x6e: {  	_ =	shalt  }
0x6f: {  	_ =	shalt  }
0x70: {  	_ =	shalt  }
0x71: {  	_ =	shalt  }
0x72: {  	_ =	shalt  }
0x73: {  	_ =	shalt  }
0x74: {  	_ =	shalt  }
0x75: {  	_ =	shalt  }
0x76: {  	_ =	shalt  }
0x77: {  	_ =	shalt  }
0x78: {  	_ =	shalt  }
0x79: {  	_ =	shalt  }
0x7a: {  	_ =	shalt  }
0x7b: {  	_ =	shalt  }
0x7c: {  	_ =	shalt  }
0x7d: {  	_ =	shalt  }
0x7e: {  	_ =	shalt  }
0x7f: {  	_ =	shalt  }
0x80: {  	_ =	shalt  }
0x81: {  	_ =	shalt  }
0x82: {  	_ =	shalt  }
0x83: {  	_ =	shalt  }
0x84: {  	_ =	shalt  }
0x85: {  	_ =	shalt  }
0x86: {  	_ =	shalt  }
0x87: {  	_ =	shalt  }
.Lfunc_end0:
.L_simem_size_0:
called_computation_lowered:
.L_overlay_start_0:
0x88: {  	s2 =	sld [smem:$0x3FD9]  }
0x89: {  	s3 =	sld [smem:$0x3FFE];
	_ =	sdelay $0x1  }
0x8a: {  	s1 =	srdreg.scid  }
0x8b: {  	s0 =	sand.u32 $0x1, s1  }
0x8c: {  	s17 =	sshll.u32 s0, $0xA;
	s2 =	sadd.s32 s3, s2  }
0x8d: {  	s2 =	sadd.s32 s2, s17  }
0x8e: {  	[smem:$0x3FBD] =	sst s2  }
0x8f: {  	_ = 	snop  }
0x90: {  	(tm) =	ssettm $0x1  }
0x91: {  	s18 =	sld [smem:$0x3FFB];
	_ =	sdelay $0x3  }
0x92: {  	_ =	strace s18  }
0x93: {  	s2 =	sld [smem:$0x3FFC];
	_ =	sdelay $0x3  }
0x94: {  	_ =	strace s2  }
0x95: {  	s2 =	sld [smem:$0x3FFD];
	_ =	sdelay $0x3  }
0x96: {  	_ =	strace s2  }
0x97: {  	_ =	strace $0x8FFFFFFF  }
0x98: {  	s19 =	sld [smem:$0x3FDB];
	_ =	sdelay $0x1  }
0x99: {  	s20 =	simm.s32 $_scs_section_size  }
0x9a: {  	s4 =	simm.s32 $_size__tile_overlayer_lowered;
	s5 =	simm.s32 $_tile_overlayer_lowered  }
0x9b: {  	s6 =	simm.s32 $0x1BFF;
	s21 =	sshll.u32 s5, $0x1;
	s3 =	sadd.s32 s20, s19  }
0x9c: {  	s22 =	simm.s32 $0x0;
	s4 =	sshll.u32 s4, $0x1;
	s5 =	sadd.s32 s21, s3  }
0x9d: {  	[timem:s22], [sflag:s6] =	dma.local [hbm:s5], s4  }
0x9e: {  	_ =	swait.ge [sflag:s6], s4  }
0x9f: {  	s4 =	ssub.s32 $0x0, s4;
	[sflag:s6] =	ssyncset.done $0x0  }
0xa0: {  	[sflag:s6] =	ssyncadd.s32 s4;
	_ =	sdelay $0x1  }
0xa1: {  	s23 =	simm.s32 $0x1B8B  }
0xa2: {  	_ =	swait.ge [sflag:s23], $0x1  }
0xa3: {  	[sflag:s23] =	ssyncset.done $0x0  }
0xa4: {  	[sflag:s23] =	ssyncadd.s32 $0xFFFFFFFF  }
0xa5: {  	s4 =	sld [smem:$0x0]  }
0xa6: {  	s5 =	sand.u32 $0xFFFFFFFE, s1  }
0xa7: {  	p0 =	sne.s32 s1, s5  }
0xa8: {  	s5 =	sshll.u32 @p0 s5, $0xE  }
0xa9: {  	s5 =	sadd.s32 @p0 $0x11B8D, s5;
	s6 =	sshll.u32 @p0 s4, $0x11  }
0xaa: {  	s5 =	sor.u32 @p0 s6, s5  }
0xab: {  	[sflag:s5] =	ssyncadd.remote.s32 @p0 $0x1;
	_ =	sdelay $0x1  }
0xac: {  	s5 =	simm.s32 @p0 $0x1B8D  }
0xad: {  	_ =	swait.eq @p0 [sflag:s5], $0x1  }
0xae: {  	[sflag:s5] =	ssyncadd.s32 @p0 $0xFFFFFFFF  }
0xaf: {  	s6 =	sshll.u32 @!p0 s1, $0xE  }
0xb0: {  	s6 =	sor.u32 @!p0 $0x4000, s6;
	s5 =	simm.s32 @!p0 $0x1B8D  }
0xb1: {  	s4 =	sshll.u32 @!p0 s4, $0x11;
	s6 =	sadd.s32 @!p0 $0x11B8D, s6;
	_ =	swait.eq @!p0 [sflag:s5], $0x1  }
0xb2: {  	s4 =	sor.u32 @!p0 s4, s6;
	[sflag:s5] =	ssyncadd.s32 @!p0 $0xFFFFFFFF  }
0xb3: {  	s25 =	simm.s32 $0x1B8E;
	s24 =	sld [smem:$0x3FFE];
	[sflag:s4] =	ssyncadd.remote.s32 @!p0 $0x1  }
0xb4: {  	s26 =	simm.s32 $execute0_lowered;
	[smem:$0x3FD2] =	sst s25  }
0xb5: {  	s5 =	sshll.u32 s26, $0x1;
	_ =	strace $0x8000005E;
	[dreg:$0x1] =	wrdreg $0xFFFFFFFF  }
0xb6: {  	s28 =	simm.s32 $_size_execute0_lowered;
	s3 =	sadd.s32 s3, s5;
	[dreg:$0x0] =	wrdreg $0x0  }
0xb7: {  	s5 =	sshll.u32 s28, $0x1;
	[dreg:$0x2] =	wrdreg s3  }
0xb8: {  	[dreg:$0x3] =	wrdreg s5  }
0xb9: {  	[dreg:$0x4] =	wrdreg $0xC0  }
0xba: {  	_ =	task [dreg:s22], $0x5FFFF  }
0xbb: {  	[dreg:$0x1] =	wrdreg $0xFFFFFFFF  }
0xbc: {  	[dreg:$0x0] =	wrdreg $0x60  }
0xbd: {  	[dreg:$0x2] =	wrdreg s24  }
0xbe: {  	[dreg:$0x3] =	wrdreg $0x9  }
0xbf: {  	_ =	task.clear_ibuf [dreg:s22], $0x4FFFF;
	_ =	strace $0x9000005E  }
0xc0: {  	s29 =	simm.s32 $0x9;
	_ =	strace $0x8000006A  }
0xc1: {  	_ =	swait.ge [sflag:s29], $0x1  }
0xc2: {  	[sflag:s29] =	ssyncadd.s32 $0xFFFFFFFF  }
0xc3: {  	_ =	strace $0x9000006A  }
0xc4: {  	_ =	sfence  }
0xc5: {  	s30 =	sld [smem:$0x0];
	_ =	sdelay $0x2  }
0xc6: {  	s31 =	sshll.u32 s1, $0xD;
	s1 =	sshrl.u32 s1, $0x2  }
0xc7: {  	s4 =	sand.u32 $0x4000, s31;
	s1 =	sadd.s32 s1, s30  }
0xc8: {  	s0 =	sor.u32 s4, s0;
	s1 =	sshll.u32 s1, $0x11  }
0xc9: {  	s0 =	sor.u32 s1, s0  }
0xca: {  	s0 =	sadd.s32 $0x8F2B, s0  }
0xcb: {  	[sflag:s0] =	ssyncadd.remote.s32 $0x1  }
0xcc: {  	_ =	sfence.sel $0xFFFF  }
0xcd: {  	[dreg:$0x0] =	wrdreg $0xFFFFFFFF;
	(pc) =	sbr.abs _section_cstart, $3  }
0xce: {  	[dreg:$0x1] =	wrdreg $0xFFFFFFFF  }
0xcf: {  	_ =	task.clear_ibuf [dreg:s22], $0x2FFFF;
	_ =	strace $0x9FFFFFFF  }
0xd0: {  	(tm) =	ssettm $0x7FFFFFFF  }
0xd1: {  	_ =	shalt  }
tec
execute0_lowered:
.L_overlay_start_1:
0x0: {  	(tag) =	ssettag $0x1  }
0x1: {  	s1 =	srdreg.scid  }
0x2: {  	s0 =	stileid.u32;
	s12 =	sand.u32 $0x1, s1  }
0x3: {  	s4 =	sshll.u32 s0, $0x7;
	s3 =	sshll.u32 s12, $0xB  }
0x4: {  	s9 =	rddreg [dreg:$0x0];
	s2 =	simm.s32 $0x0;
	s10 =	sor.u32 s4, s3  }
0x5: {  	[smem:$0x7FF] =	sst s2;
	s3 =	sshrl.u32 s10, $0x3  }
0x6: {  	s1 =	rddreg [dreg:$0x1];
	_ =	strace $0x8000005F;
	s11 =	sadd.s32 s3, s9  }
0x7: {  	_ =	strace $0x80000060;
	s3 =	sadd.s32 $0xA7E00, s11  }
0x8: {  	[tilespmem:s2], [sflag:$0x1] =	stream.linear.gather [hbm4b:s3+s2], $0x80, $0x200038;
	[tilespmem:$0x4100] =	vst v63  }
0x9: {  	_ =	strace $0x90000060  }
0xa: {  	s4 =	simm.s32 $0x1;
	_ =	strace $0x80000061  }
0xb: {  	_ =	swait.ge [sflag:s4], $0x80  }
0xc: {  	[sflag:s4] =	ssyncset.done $0x0  }
0xd: {  	[sflag:s4] =	ssyncadd.s32 $0xFFFFFF80  }
0xe: {  	s6 =	simm.s32 $0x80;
	s7 =	simm.s32 $0x100;
	_ =	strace $0x90000061  }
0xf: {  	s8 =	simm.s32 $0x5;
	s5 =	sadd.s32 $0x1471C00, s9;
	_ =	strace $0x80000062  }
0x10: {  	[tilespmem:s7], [sflag:$0x5] =	stream.indirect.gather [hbm4b:s5+s6], $0x40, s2, s6, $0x2000b8;
	[tilespmem:$0x4100] =	vst v63  }
0x11: {  	_ =	swait.ge [sflag:s8], $0x2000  }
0x12: {  	[sflag:s8] =	ssyncset.done $0x0  }
0x13: {  	s10 =	sshll.u32 s10, $0x3;
	[sflag:s8] =	ssyncadd.s32 $0xFFFFE000  }
0x14: {  	s13 =	sadd.s32 s10, s9;
	_ =	strace $0x90000062  }
0x15: {  	s9 =	sadd.s32 $0xB0000, s13;
	_ =	strace $0x80000063  }
0x16: {  	[hbm4b:s9+s2] =	stream.linear.scatter [tilespmem:s7], [sflag:$0x3], $0x2000, $0x200038;
	[tilespmem:$0x4100] =	vst v63  }
0x17: {  	_ =	strace $0x90000063  }
0x18: {  	s10 =	simm.s32 $0x3;
	_ =	strace $0x80000064  }
0x19: {  	_ =	swait.ge [sflag:s10], $0x2000  }
0x1a: {  	[sflag:s10] =	ssyncset.done $0x0  }
0x1b: {  	[sflag:s10] =	ssyncadd.s32 $0xFFFFE000  }
0x1c: {  	_ =	strace $0x90000064  }
0x1d: {  	s11 =	sadd.s32 $0xA7C00, s11;
	_ =	strace $0x80000065  }
0x1e: {  	[tilespmem:s2], [sflag:$0x1] =	stream.linear.gather [hbm4b:s11+s2], $0x80, $0x200038;
	[tilespmem:$0x4100] =	vst v63  }
0x1f: {  	_ =	strace $0x90000065  }
0x20: {  	_ =	strace $0x80000066  }
0x21: {  	_ =	swait.ge [sflag:s4], $0x80  }
0x22: {  	[sflag:s4] =	ssyncset.done $0x0  }
0x23: {  	[sflag:s4] =	ssyncadd.s32 $0xFFFFFF80  }
0x24: {  	_ =	strace $0x90000066  }
0x25: {  	_ =	strace $0x80000067  }
0x26: {  	[tilespmem:s7], [sflag:$0x5] =	stream.indirect.gather [hbm4b:s5+s6], $0x40, s2, s6, $0x2000b8;
	[tilespmem:$0x4100] =	vst v63  }
0x27: {  	s14 =	ssub.s32 $0x2, s12;
	_ =	swait.ge [sflag:s8], $0x2000  }
0x28: {  	s31 =	sshrl.u32 s14, $0x1;
	[sflag:s8] =	ssyncset.done $0x0  }
0x29: {  	s12 =	sadd.s32 $0xA8000, s13;
	s13 =	ssub.s32 s14, s31;
	[sflag:s8] =	ssyncadd.s32 $0xFFFFE000  }
0x2a: {  	s13 =	smax.u32 s13, $0x1;
	_ =	strace $0x90000067  }
0x2b: {  	p0 =	sne.s32 s13, $0x1;
	_ =	strace $0x80000068  }
0x2c: {  	[hbm4b:s12+s2] =	stream.linear.scatter [tilespmem:s7], [sflag:$0x3], $0x2000, $0x200038;
	[tilespmem:$0x4100] =	vst v63  }
.Ltmp0:
0x2d: {  	_ =	strace $0x90000068;
	(pc) =	sbr.rel @!p0 .LBB2_2-.Ltmp0, $4  }
0x2e: {  	_ =	strace $0x80000069  }
0x2f: {  	_ =	swait.ge [sflag:s10], $0x2000  }
0x30: {  	[sflag:s10] =	ssyncset.done $0x0  }
0x31: {  	s13 =	sadd.s32 $0xFFFFFFFF, s13;
	[sflag:s10] =	ssyncadd.s32 $0xFFFFE000  }
.LBB2_1:
0x32: {  	p0 =	sne.s32 s13, $0x1;
	s13 =	sadd.s32 $0xFFFFFFFF, s13;
	_ =	strace $0x90000069  }
0x33: {  	_ =	strace $0x80000060  }
0x34: {  	[tilespmem:s2], [sflag:$0x1] =	stream.linear.gather [hbm4b:s3+s2], $0x80, $0x200038;
	[tilespmem:$0x4100] =	vst v63  }
0x35: {  	_ =	strace $0x90000060  }
0x36: {  	_ =	strace $0x80000061  }
0x37: {  	_ =	swait.ge [sflag:s4], $0x80  }
0x38: {  	[sflag:s4] =	ssyncset.done $0x0  }
0x39: {  	[sflag:s4] =	ssyncadd.s32 $0xFFFFFF80  }
0x3a: {  	_ =	strace $0x90000061  }
0x3b: {  	_ =	strace $0x80000062  }
0x3c: {  	[tilespmem:s7], [sflag:$0x5] =	stream.indirect.gather [hbm4b:s5+s6], $0x40, s2, s6, $0x2000b8;
	[tilespmem:$0x4100] =	vst v63  }
0x3d: {  	_ =	swait.ge [sflag:s8], $0x2000  }
0x3e: {  	[sflag:s8] =	ssyncset.done $0x0  }
0x3f: {  	[sflag:s8] =	ssyncadd.s32 $0xFFFFE000  }
0x40: {  	_ =	strace $0x90000062  }
0x41: {  	_ =	strace $0x80000063  }
0x42: {  	[hbm4b:s9+s2] =	stream.linear.scatter [tilespmem:s7], [sflag:$0x3], $0x2000, $0x200038;
	[tilespmem:$0x4100] =	vst v63  }
0x43: {  	_ =	strace $0x90000063  }
0x44: {  	_ =	strace $0x80000064  }
0x45: {  	_ =	swait.ge [sflag:s10], $0x2000  }
0x46: {  	[sflag:s10] =	ssyncset.done $0x0  }
0x47: {  	[sflag:s10] =	ssyncadd.s32 $0xFFFFE000  }
0x48: {  	_ =	strace $0x90000064  }
0x49: {  	_ =	strace $0x80000065  }
0x4a: {  	[tilespmem:s2], [sflag:$0x1] =	stream.linear.gather [hbm4b:s11+s2], $0x80, $0x200038;
	[tilespmem:$0x4100] =	vst v63  }
0x4b: {  	_ =	strace $0x90000065  }
0x4c: {  	_ =	strace $0x80000066  }
0x4d: {  	_ =	swait.ge [sflag:s4], $0x80  }
0x4e: {  	[sflag:s4] =	ssyncset.done $0x0  }
0x4f: {  	[sflag:s4] =	ssyncadd.s32 $0xFFFFFF80  }
0x50: {  	_ =	strace $0x90000066  }
0x51: {  	_ =	strace $0x80000067  }
0x52: {  	[tilespmem:s7], [sflag:$0x5] =	stream.indirect.gather [hbm4b:s5+s6], $0x40, s2, s6, $0x2000b8;
	[tilespmem:$0x4100] =	vst v63  }
0x53: {  	_ =	swait.ge [sflag:s8], $0x2000  }
0x54: {  	[sflag:s8] =	ssyncset.done $0x0  }
0x55: {  	[sflag:s8] =	ssyncadd.s32 $0xFFFFE000  }
0x56: {  	_ =	strace $0x90000067  }
0x57: {  	_ =	strace $0x80000068  }
0x58: {  	[hbm4b:s12+s2] =	stream.linear.scatter [tilespmem:s7], [sflag:$0x3], $0x2000, $0x200038;
	[tilespmem:$0x4100] =	vst v63  }
.Ltmp1:
0x59: {  	_ =	strace $0x90000068;
	(pc) =	sbr.rel @p0 .LBB2_1-.Ltmp1, $4  }
0x5a: {  	_ =	strace $0x80000069  }
0x5b: {  	_ =	swait.ge [sflag:s10], $0x2000  }
0x5c: {  	[sflag:s10] =	ssyncset.done $0x0  }
0x5d: {  	[sflag:s10] =	ssyncadd.s32 $0xFFFFE000  }
.LBB2_2:
0x5e: {  	_ =	strace $0x90000069  }
0x5f: {  	_ =	sfence.sel $0x180000  }
0x60: {  	[bflag:$0x0] =	sbarrier.arrive $0xFFFF  }
0x61: {  	p0 =	sne.s32 s0, $0x0;
	_ =	strace $0x9000005F  }
0x62: {  	s0 =	sadd.s32 @!p0 $0x100000, s1;
	[bflag:$0x2] =	sbarrier.arrive $0xFFFF  }
0x63: {  	[sflag:s0] =	ssyncadd.tile.s32 @!p0 $0x1;
	_ =	shalt  }
.Lfunc_end2:
_tile_overlayer_lowered:
.L_overlay_start_2:
0x64: {  	(tag) =	ssettag $0x2  }
0x65: {  	s0 =	rddreg [dreg:$0x0];
	s2 =	stileid.u32  }
0x66: {  	s1 =	rddreg [dreg:$0x1];
	p0 =	sne.s32 s2, $0x0  }
0x67: {  	s3 =	rddreg [dreg:$0x2];
	[bflag:$0x3] =	sbarrier.arrive $0xFFFF;
	s2 =	simm.s32 @!p0 $0x1C01  }
0x68: {  	[timem:s3], [sflag:s2] =	dma.local @!p0 [hbm:s0], s1  }
0x69: {  	s0 =	simm.s32 @!p0 $0x1  }
0x6a: {  	_ =	swait.ge @!p0 [sflag:s0], s1  }
0x6b: {  	s1 =	ssub.s32 @!p0 $0x0, s1;
	[sflag:s0] =	ssyncset.done @!p0 $0x0  }
0x6c: {  	[sflag:s0] =	ssyncadd.s32 @!p0 s1  }
0x6d: {  	[bflag:$0x3] =	sbarrier.arrive $0xFFFF  }
0x6e: {  	_ =	shalt  }

</sc_bundles>
